<compile_context>
chip_gen: v7x
topology: tpu7x:2x2x1
jax: 0.10.2.dev20260603
libtpu: 0.0.44.dev20260713+nightly
codegen_flags: <defaults>
</compile_context>

<pallas_src>
import functools

import jax
import jax.numpy as jnp
from jax import lax
from jax.experimental import pallas as pl
from jax.experimental.pallas import tpu as pltpu
from jax.experimental.pallas import tpu_sc as plsc

NZ = 256
NX = 256
NY = 256
NN = NX * NY
NWORK = 16
S_SC = 8192
NPW = S_SC // NWORK
CH = 128
NCHUNK = NPW // CH
NLANE = 16
NU = 8
NGRP = CH // NU
BTC = 2048
GTC = (NN - S_SC) // BTC
SIG0 = 0.8
HALF_EPOCHS = 50.0

_mesh = plsc.VectorSubcoreMesh(core_axis_name="c", subcore_axis_name="s", num_cores=1)


@functools.partial(
    pl.kernel,
    mesh=_mesh,
    compiler_params=pltpu.CompilerParams(needs_layout_passes=False),
    out_type=(
        jax.ShapeDtypeStruct((NWORK, NLANE), jnp.float32),
        jax.ShapeDtypeStruct((NWORK, NLANE), jnp.int32),
    ),
    scratch_types=[
        pltpu.VMEM((NZ,), jnp.float32),
        pltpu.VMEM((2 * CH, NZ), jnp.float32),
        pltpu.VMEM((CH * NLANE,), jnp.float32),
        pltpu.VMEM((NLANE,), jnp.float32),
        pltpu.VMEM((NLANE,), jnp.int32),
        pltpu.SemaphoreType.DMA,
        pltpu.SemaphoreType.DMA,
    ],
)
def _sc_scan(x_hbm, w_hbm, val_hbm, idx_hbm, xb, wb, accb, vout, iout,
             sem0, sem1):
    cid = lax.axis_index("c")
    sid = lax.axis_index("s")
    wid = sid + cid * 0
    base = wid * NPW
    sems = (sem0, sem1)

    pltpu.sync_copy(x_hbm, xb)
    xs = [xb[pl.ds(zc * NLANE, NLANE)] for zc in range(NZ // NLANE)]

    ivec = lax.iota(jnp.int32, NLANE)
    ivec16 = ivec * NLANE

    def chunk_src(ci):
        return w_hbm.at[pl.ds(base + ci * CH, CH)]

    def chunk_dst(b):
        return wb.at[pl.ds(b * CH, CH)]

    pltpu.async_copy(chunk_src(0), chunk_dst(0), sem0)

    def cbody(kk, carry):
        best, bidx = carry
        for b in (0, 1):
            ci = kk * 2 + b
            pltpu.make_async_copy(chunk_src(ci), chunk_dst(b), sems[b]).wait()

            @pl.when(ci + 1 < NCHUNK)
            def _():
                pltpu.async_copy(
                    chunk_src(ci + 1), chunk_dst(1 - b), sems[1 - b])

            def gbody(g, _, b=b):
                grow = b * CH + g * NU
                accs = []
                for k in range(NU):
                    acc = None
                    nrow = grow + k
                    for zc in range(NZ // NLANE):
                        wv = wb[nrow, pl.ds(zc * NLANE, NLANE)]
                        d = wv - xs[zc]
                        m = d * d
                        acc = m if acc is None else acc + m
                    accs.append(acc)
                aoff = g * (NU * NLANE)
                for k in range(NU):
                    accb[pl.ds(aoff + k * NLANE, NLANE)] = accs[k]
                return 0

            lax.fori_loop(0, NGRP, gbody, 0)

            row0 = base + ci * CH

            def tbody(g, bb):
                tbest, tbidx = bb
                colbase = g * (NLANE * NLANE)
                tot = None
                for c in range(NLANE):
                    col = plsc.load_gather(accb, [ivec16 + (colbase + c)])
                    tot = col if tot is None else tot + col
                gid = ivec + (row0 + g * NLANE)
                m = tot < tbest
                return jnp.where(m, tot, tbest), jnp.where(m, gid, tbidx)

            best, bidx = lax.fori_loop(0, CH // NLANE, tbody, (best, bidx))
        return best, bidx

    best = jnp.full((NLANE,), jnp.inf, jnp.float32)
    bidx = jnp.zeros((NLANE,), jnp.int32)
    best, bidx = lax.fori_loop(0, NCHUNK // 2, cbody, (best, bidx))

    vout[...] = best
    iout[...] = bidx
    pltpu.sync_copy(vout, val_hbm.at[wid])
    pltpu.sync_copy(iout, idx_hbm.at[wid])


NBUF = 6
BR = 8
BLK = BR * 128
NBLK = (NN - S_SC) // BLK


def _tc_scan_body(x_ref, ones_ref, w_ref, vout_ref, iout_ref, wbuf, sem):
    xv = x_ref[...][0]
    ones = ones_ref[...]
    first = S_SC // BLK

    for j in range(NBUF - 1):
        pltpu.make_async_copy(
            w_ref.at[pl.ds((first + j) * BR, BR)],
            wbuf.at[pl.ds(j * BR, BR)],
            sem.at[j],
        ).start()

    def body(i, carry):
        minv, bblk = carry
        ib = lax.rem(i, NBUF)
        pltpu.make_async_copy(
            w_ref.at[pl.ds((first + i) * BR, BR)],
            wbuf.at[pl.ds(ib * BR, BR)],
            sem.at[ib],
        ).wait()

        nxt = i + (NBUF - 1)

        @pl.when(nxt < NBLK)
        def _():
            jb = lax.rem(nxt, NBUF)
            pltpu.make_async_copy(
                w_ref.at[pl.ds((first + nxt) * BR, BR)],
                wbuf.at[pl.ds(jb * BR, BR)],
                sem.at[jb],
            ).start()

        w = wbuf[pl.ds(ib * BR, BR)]
        d = w - xv
        sq = d * d
        sp = sq[:, :, :128] + sq[:, :, 128:]
        sp2 = sp.reshape(BLK, 128)
        r2 = jax.lax.dot_general(
            sp2, ones, (((1,), (0,)), ((), ())),
            preferred_element_type=jnp.float32)
        mv = jnp.min(r2)
        upd = mv < minv
        return (jnp.where(upd, mv, minv), jnp.where(upd, i, bblk))

    minv, bblk = lax.fori_loop(
        0, NBLK, body, (jnp.float32(jnp.inf), jnp.int32(0)))

    pltpu.make_async_copy(
        w_ref.at[pl.ds((first + bblk) * BR, BR)],
        wbuf.at[pl.ds(0, BR)],
        sem.at[0],
    ).start()
    pltpu.make_async_copy(
        w_ref.at[pl.ds((first + bblk) * BR, BR)],
        wbuf.at[pl.ds(0, BR)],
        sem.at[0],
    ).wait()
    w = wbuf[pl.ds(0, BR)]
    d = w - xv
    sq = d * d
    sp = sq[:, :, :128] + sq[:, :, 128:]
    sp2 = sp.reshape(BLK, 128)
    r2 = jax.lax.dot_general(
        sp2, ones, (((1,), (0,)), ((), ())),
        preferred_element_type=jnp.float32)
    ids = lax.broadcasted_iota(jnp.int32, (BLK, 128), 0) + (
        S_SC + bblk * BLK)
    flat = jnp.min(jnp.where(r2 == minv, ids, jnp.int32(NN)))

    vout_ref[...] = jnp.full((8, 128), minv, jnp.float32)
    iout_ref[...] = jnp.full((8, 128), flat, jnp.int32)


_tc_scan = pl.pallas_call(
    _tc_scan_body,
    in_specs=[
        pl.BlockSpec(memory_space=pltpu.VMEM),
        pl.BlockSpec(memory_space=pltpu.VMEM),
        pl.BlockSpec(memory_space=pltpu.MemorySpace.HBM),
    ],
    out_specs=[
        pl.BlockSpec(memory_space=pltpu.VMEM),
        pl.BlockSpec(memory_space=pltpu.VMEM),
    ],
    out_shape=[
        jax.ShapeDtypeStruct((8, 128), jnp.float32),
        jax.ShapeDtypeStruct((8, 128), jnp.int32),
    ],
    scratch_shapes=[
        pltpu.VMEM((NBUF * BR, 128, NZ), jnp.float32),
        pltpu.SemaphoreType.DMA((NBUF,)),
    ],
)


def _tc_finish_body(sv_ref, si_ref, tv_ref, ti_ref, c_ref, o_ref):
    sv = sv_ref[...]
    si = si_ref[...]
    tv = tv_ref[...]
    ti = ti_ref[...]
    minv = jnp.minimum(jnp.min(sv), jnp.min(tv))
    big = jnp.int32(NN)
    flat = jnp.minimum(
        jnp.min(jnp.where(sv == minv, si, big)),
        jnp.min(jnp.where(tv == minv, ti, big)),
    )
    pf = (flat // NY).astype(jnp.float32)
    qf = (flat % NY).astype(jnp.float32)
    rows = lax.broadcasted_iota(jnp.int32, (NX, NY), 0).astype(jnp.float32)
    cols = lax.broadcasted_iota(jnp.int32, (NX, NY), 1).astype(jnp.float32)
    nv = c_ref[0]
    o_ref[...] = jnp.exp(((rows - pf) ** 2 + (cols - qf) ** 2) * nv)


_tc_finish = pl.pallas_call(
    _tc_finish_body,
    out_shape=jax.ShapeDtypeStruct((NX, NY), jnp.float32),
    in_specs=[
        pl.BlockSpec(memory_space=pltpu.VMEM),
        pl.BlockSpec(memory_space=pltpu.VMEM),
        pl.BlockSpec(memory_space=pltpu.VMEM),
        pl.BlockSpec(memory_space=pltpu.VMEM),
        pl.BlockSpec(memory_space=pltpu.SMEM),
    ],
    out_specs=pl.BlockSpec(memory_space=pltpu.VMEM),
)


def kernel(x, W, t):
    wf = W.reshape(NN, NZ)
    w3 = W.reshape(NN // 128, 128, NZ)
    x2 = x.reshape(1, NZ)
    tf = jnp.asarray(t).astype(jnp.float32)
    dec = SIG0 / (1.0 + tf / HALF_EPOCHS)
    ninv = (-1.0 / (2.0 * dec * dec)).reshape(1).astype(jnp.float32)
    sc_vals, sc_idx = _sc_scan(x, wf)
    ones128 = jnp.ones((128, 128), jnp.float32)
    tc_vals, tc_idx = _tc_scan(x2, ones128, w3)
    return _tc_finish(sc_vals, sc_idx, tc_vals, tc_idx, ninv)

# --- scband reference (transcript-rebuilt; emitter-appended) ---
"""Pipeline reference for scband-som-45878840656352 (READ-ONLY COPY).

The authoritative reference and input builder live on the scoring server;
editing this copy changes nothing except your own understanding.
"""

import jax, jax.numpy as jnp
import numpy as np

GRID = (256, 256, 256)
SIGMA = 0.8
EPOCHS = 100


def setup_inputs(seed: int = 0) -> dict:
    key = jax.random.key(seed)
    k1, k2 = jax.random.split(key)
    x = jax.random.normal(k1, (GRID[2],), dtype=jnp.float32)
    W = jax.random.normal(k2, GRID, dtype=jnp.float32)
    W = W / jnp.linalg.norm(W, axis=1, keepdims=True)
    return {"x": x, "W": W, "t": 10}


def reference(x, W, t):
    X, Y, Z = W.shape
    gx, gy = jnp.meshgrid(jnp.arange(X), jnp.arange(Y), indexing='xy')
    gx = gx.astype(jnp.float32)
    gy = gy.astype(jnp.float32)
    # Competitive process: find winner neuron (closest to x in feature space)
    d = jnp.linalg.norm(x[None, None, :] - W, ord=2, axis=-1)  # (X, Y)
    flat = jnp.argmin(d)
    i = flat // d.shape[1]
    j = flat % d.shape[1]
    # Cooperative process: Gaussian neighbourhood around winner on the lattice
    wx = gx.T[i, j]
    wy = gy.T[i, j]
    dx2 = jnp.power(gx - wx, 2)
    dy2 = jnp.power(gy - wy, 2)
    decay = SIGMA / (1.0 + t / (EPOCHS / 2.0))
    norm_const = 2.0 * decay * decay
    hx = jnp.exp(-(dx2 / norm_const))
    hy = jnp.exp(-(dy2 / norm_const))
    return (hx * hy).T

if __name__ == "__main__":
    import jax
    _d = setup_inputs()
    print(jax.jit(kernel)(*tuple(_d.values())))

</pallas_src>

<mosaic_0001>
#map = affine_map<(d0, d1) -> (0)>
#map1 = affine_map<(d0, d1) -> (0, 0)>
module attributes {stable_mosaic.version = 14 : i64} {
  func.func @_sc_scan(%arg0: i32, %arg1: i32, %arg2: memref<256xf32, #tpu.memory_space<hbm>>, %arg3: memref<65536x256xf32, #tpu.memory_space<hbm>>, %arg4: memref<16x16xf32, #tpu.memory_space<hbm>>, %arg5: memref<16x16xi32, #tpu.memory_space<hbm>>, %arg6: memref<256xf32, #tpu.memory_space<vmem>>, %arg7: memref<256x256xf32, #tpu.memory_space<vmem>>, %arg8: memref<2048xf32, #tpu.memory_space<vmem>>, %arg9: memref<16xf32, #tpu.memory_space<vmem>>, %arg10: memref<16xi32, #tpu.memory_space<vmem>>, %arg11: memref<!tpu.dma_semaphore, #tpu.memory_space<semaphore_mem>>, %arg12: memref<!tpu.dma_semaphore, #tpu.memory_space<semaphore_mem>>) attributes {dimension_semantics = [#tpu.dimension_semantics<core_parallel>, #tpu.dimension_semantics<subcore_parallel>], iteration_bounds = array<i64: 1, 16>, scalar_prefetch = 0 : i64, scratch_operands = 7 : i64, tpu.core_type = #tpu.core_type<sc_vector_subcore>, window_params = [{transform_indices = #map}, {transform_indices = #map1}, {transform_indices = #map1}, {transform_indices = #map1}]} {
    %mul3A = arith.constant 0 : i32
    %mul3A_0 = arith.muli %arg0, %mul3A : i32
    %add3A = arith.addi %arg1, %mul3A_0 : i32
    %mul3A_1 = arith.constant 512 : i32
    %mul3A_2 = arith.muli %add3A, %mul3A_1 : i32
    "tpu.region"() ({
      %run_scoped3A = tpu.sem_alloc : memref<!tpu.dma_semaphore, #tpu.memory_space<semaphore_mem>>
      tpu.enqueue_dma source(%arg2 : memref<256xf32, #tpu.memory_space<hbm>>) target(%arg6 : memref<256xf32, #tpu.memory_space<vmem>>) target_semaphore(%run_scoped3A : memref<!tpu.dma_semaphore, #tpu.memory_space<semaphore_mem>>)
      tpu.wait_dma2 semaphore(%run_scoped3A : memref<!tpu.dma_semaphore, #tpu.memory_space<semaphore_mem>>) src(%arg2 : memref<256xf32, #tpu.memory_space<hbm>>) dst(%arg6 : memref<256xf32, #tpu.memory_space<vmem>>)
      tpu.yield
    }) : () -> ()
    %get3A = arith.constant 0 : index
    %get3A_3 = tpu.vector_load %arg6[%get3A] {strides = array<i32>} : memref<256xf32, #tpu.memory_space<vmem>>, vector<16xf32>,
    %get3A_4 = arith.constant 16 : index
    %get3A_5 = tpu.vector_load %arg6[%get3A_4] {strides = array<i32>} : memref<256xf32, #tpu.memory_space<vmem>>, vector<16xf32>,
    %get3A_6 = arith.constant 32 : index
    %get3A_7 = tpu.vector_load %arg6[%get3A_6] {strides = array<i32>} : memref<256xf32, #tpu.memory_space<vmem>>, vector<16xf32>,
    %get3A_8 = arith.constant 48 : index
    %get3A_9 = tpu.vector_load %arg6[%get3A_8] {strides = array<i32>} : memref<256xf32, #tpu.memory_space<vmem>>, vector<16xf32>,
    %get3A_10 = arith.constant 64 : index
    %get3A_11 = tpu.vector_load %arg6[%get3A_10] {strides = array<i32>} : memref<256xf32, #tpu.memory_space<vmem>>, vector<16xf32>,
    %get3A_12 = arith.constant 80 : index
    %get3A_13 = tpu.vector_load %arg6[%get3A_12] {strides = array<i32>} : memref<256xf32, #tpu.memory_space<vmem>>, vector<16xf32>,
    %get3A_14 = arith.constant 96 : index
    %get3A_15 = tpu.vector_load %arg6[%get3A_14] {strides = array<i32>} : memref<256xf32, #tpu.memory_space<vmem>>, vector<16xf32>,
    %get3A_16 = arith.constant 112 : index
    %get3A_17 = tpu.vector_load %arg6[%get3A_16] {strides = array<i32>} : memref<256xf32, #tpu.memory_space<vmem>>, vector<16xf32>,
    %get3A_18 = arith.constant 128 : index
    %get3A_19 = tpu.vector_load %arg6[%get3A_18] {strides = array<i32>} : memref<256xf32, #tpu.memory_space<vmem>>, vector<16xf32>,
    %get3A_20 = arith.constant 144 : index
    %get3A_21 = tpu.vector_load %arg6[%get3A_20] {strides = array<i32>} : memref<256xf32, #tpu.memory_space<vmem>>, vector<16xf32>,
    %get3A_22 = arith.constant 160 : index
    %get3A_23 = tpu.vector_load %arg6[%get3A_22] {strides = array<i32>} : memref<256xf32, #tpu.memory_space<vmem>>, vector<16xf32>,
    %get3A_24 = arith.constant 176 : index
    %get3A_25 = tpu.vector_load %arg6[%get3A_24] {strides = array<i32>} : memref<256xf32, #tpu.memory_space<vmem>>, vector<16xf32>,
    %get3A_26 = arith.constant 192 : index
    %get3A_27 = tpu.vector_load %arg6[%get3A_26] {strides = array<i32>} : memref<256xf32, #tpu.memory_space<vmem>>, vector<16xf32>,
    %get3A_28 = arith.constant 208 : index
    %get3A_29 = tpu.vector_load %arg6[%get3A_28] {strides = array<i32>} : memref<256xf32, #tpu.memory_space<vmem>>, vector<16xf32>,
    %get3A_30 = arith.constant 224 : index
    %get3A_31 = tpu.vector_load %arg6[%get3A_30] {strides = array<i32>} : memref<256xf32, #tpu.memory_space<vmem>>, vector<16xf32>,
    %get3A_32 = arith.constant 240 : index
    %get3A_33 = tpu.vector_load %arg6[%get3A_32] {strides = array<i32>} : memref<256xf32, #tpu.memory_space<vmem>>, vector<16xf32>,
    %iota3A = tpu.iota {dimensions = array<i32: 0>} : vector<16xi32>
    %mul3A_34 = arith.constant 16 : i32
    %mul3A_35 = vector.broadcast %mul3A_34 : i32 to vector<16xi32>
    %mul3A_36 = arith.muli %iota3A, %mul3A_35 : vector<16xi32>
    %add3A_37 = arith.constant 0 : i32
    %add3A_38 = arith.addi %mul3A_2, %add3A_37 : i32
    %dma_start3A = arith.constant 0 : i32
    %dma_start3A_39 = arith.constant 0 : i32
    %dma_start3A_40 = tpu.memref_slice %arg7[%dma_start3A, %dma_start3A_39] : memref<256x256xf32, #tpu.memory_space<vmem>> -> memref<128x256xf32, #tpu.memory_space<vmem>>
    %dma_start3A_41 = arith.constant 0 : i32
    %dma_start3A_42 = tpu.memref_slice %arg3[%add3A_38, %dma_start3A_41] : memref<65536x256xf32, #tpu.memory_space<hbm>> -> memref<128x256xf32, #tpu.memory_space<hbm>>
    %dma_start3A_43 = arith.constant 0 : i32
    %dma_start3A_44 = arith.constant 0 : i32
    %dma_start3A_45 = tpu.memref_slice %arg7[%dma_start3A_43, %dma_start3A_44] : memref<256x256xf32, #tpu.memory_space<vmem>> -> memref<128x256xf32, #tpu.memory_space<vmem>>
    %dma_start3A_46 = arith.constant 0 : i32
    %dma_start3A_47 = tpu.memref_slice %arg3[%add3A_38, %dma_start3A_46] : memref<65536x256xf32, #tpu.memory_space<hbm>> -> memref<128x256xf32, #tpu.memory_space<hbm>>
    tpu.enqueue_dma source(%dma_start3A_47 : memref<128x256xf32, #tpu.memory_space<hbm>>) target(%dma_start3A_45 : memref<128x256xf32, #tpu.memory_space<vmem>>) target_semaphore(%arg11 : memref<!tpu.dma_semaphore, #tpu.memory_space<semaphore_mem>>)
    %broadcast_in_dim3A = arith.constant 0x7F800000 : f32
    %broadcast_in_dim3A_48 = vector.broadcast %broadcast_in_dim3A : f32 to vector<16xf32>
    %broadcast_in_dim3A_49 = arith.constant 0 : i32
    %broadcast_in_dim3A_50 = vector.broadcast %broadcast_in_dim3A_49 : i32 to vector<16xi32>
    %scan3A = arith.constant 0 : i32
    %scan3A_51 = arith.constant 2 : i32
    %scan3A_52 = arith.addi %scan3A, %scan3A_51 : i32
    %scan3A_53 = arith.constant 1 : i32
    %scan3A_54:2 = scf.for %scan3A_59 = %scan3A to %scan3A_52 step %scan3A_53 iter_args(%scan3A_60 = %broadcast_in_dim3A_48, %scan3A_61 = %broadcast_in_dim3A_50) -> (vector<16xf32>, vector<16xi32>)  : i32 {
      %mul3A_62 = arith.constant 2 : i32
      %mul3A_63 = arith.muli %scan3A_59, %mul3A_62 : i32
      %add3A_64 = arith.constant 0 : i32
      %add3A_65 = arith.addi %mul3A_63, %add3A_64 : i32
      %mul3A_66 = arith.constant 128 : i32
      %mul3A_67 = arith.muli %add3A_65, %mul3A_66 : i32
      %add3A_68 = arith.addi %mul3A_2, %mul3A_67 : i32
      %dma_wait3A = arith.constant 0 : i32
      %dma_wait3A_69 = arith.constant 0 : i32
      %dma_wait3A_70 = tpu.memref_slice %arg7[%dma_wait3A, %dma_wait3A_69] : memref<256x256xf32, #tpu.memory_space<vmem>> -> memref<128x256xf32, #tpu.memory_space<vmem>>
      %dma_wait3A_71 = arith.constant 0 : i32
      %dma_wait3A_72 = tpu.memref_slice %arg3[%add3A_68, %dma_wait3A_71] : memref<65536x256xf32, #tpu.memory_space<hbm>> -> memref<128x256xf32, #tpu.memory_space<hbm>>
      %dma_wait3A_73 = arith.constant 0 : i32
      %dma_wait3A_74 = arith.constant 0 : i32
      %dma_wait3A_75 = tpu.memref_slice %arg7[%dma_wait3A_73, %dma_wait3A_74] : memref<256x256xf32, #tpu.memory_space<vmem>> -> memref<128x256xf32, #tpu.memory_space<vmem>>
      %dma_wait3A_76 = arith.constant 0 : i32
      %dma_wait3A_77 = tpu.memref_slice %arg3[%add3A_68, %dma_wait3A_76] : memref<65536x256xf32, #tpu.memory_space<hbm>> -> memref<128x256xf32, #tpu.memory_space<hbm>>
      tpu.wait_dma2 semaphore(%arg11 : memref<!tpu.dma_semaphore, #tpu.memory_space<semaphore_mem>>) src(%dma_wait3A_77 : memref<128x256xf32, #tpu.memory_space<hbm>>) dst(%dma_wait3A_75 : memref<128x256xf32, #tpu.memory_space<vmem>>)
      %add3A_78 = arith.constant 1 : i32
      %add3A_79 = arith.addi %add3A_65, %add3A_78 : i32
      %lt3A = arith.constant 4 : i32
      %lt3A_80 = arith.cmpi slt, %add3A_79, %lt3A : i32
      %convert_element_type3A = arith.extui %lt3A_80 : i1 to i32
      %cond3A = arith.constant 0 : i32
      %cond3A_81 = arith.cmpi ne, %convert_element_type3A, %cond3A : i32
      scf.if %cond3A_81 {
        %add3A_138 = arith.constant 1 : i32
        %add3A_139 = arith.addi %add3A_65, %add3A_138 : i32
        %mul3A_140 = arith.constant 128 : i32
        %mul3A_141 = arith.muli %add3A_139, %mul3A_140 : i32
        %add3A_142 = arith.addi %mul3A_2, %mul3A_141 : i32
        %dma_start3A_143 = arith.constant 128 : i32
        %dma_start3A_144 = arith.constant 0 : i32
        %dma_start3A_145 = tpu.memref_slice %arg7[%dma_start3A_143, %dma_start3A_144] : memref<256x256xf32, #tpu.memory_space<vmem>> -> memref<128x256xf32, #tpu.memory_space<vmem>>
        %dma_start3A_146 = arith.constant 0 : i32
        %dma_start3A_147 = tpu.memref_slice %arg3[%add3A_142, %dma_start3A_146] : memref<65536x256xf32, #tpu.memory_space<hbm>> -> memref<128x256xf32, #tpu.memory_space<hbm>>
        %dma_start3A_148 = arith.constant 128 : i32
        %dma_start3A_149 = arith.constant 0 : i32
        %dma_start3A_150 = tpu.memref_slice %arg7[%dma_start3A_148, %dma_start3A_149] : memref<256x256xf32, #tpu.memory_space<vmem>> -> memref<128x256xf32, #tpu.memory_space<vmem>>
        %dma_start3A_151 = arith.constant 0 : i32
        %dma_start3A_152 = tpu.memref_slice %arg3[%add3A_142, %dma_start3A_151] : memref<65536x256xf32, #tpu.memory_space<hbm>> -> memref<128x256xf32, #tpu.memory_space<hbm>>
        tpu.enqueue_dma source(%dma_start3A_152 : memref<128x256xf32, #tpu.memory_space<hbm>>) target(%dma_start3A_150 : memref<128x256xf32, #tpu.memory_space<vmem>>) target_semaphore(%arg12 : memref<!tpu.dma_semaphore, #tpu.memory_space<semaphore_mem>>)
      } else {
      }
      %scan3A_82 = arith.constant 0 : i32
      %scan3A_83 = arith.constant 0 : i32
      %scan3A_84 = arith.constant 16 : i32
      %scan3A_85 = arith.addi %scan3A_83, %scan3A_84 : i32
      %scan3A_86 = arith.constant 1 : i32
      %scan3A_87 = scf.for %scan3A_138 = %scan3A_83 to %scan3A_85 step %scan3A_86 iter_args(%scan3A_139 = %scan3A_82) -> (i32)  : i32 {
        %mul3A_140 = arith.constant 8 : i32
        %mul3A_141 = arith.muli %scan3A_138, %mul3A_140 : i32
        %add3A_142 = arith.constant 0 : i32
        %add3A_143 = arith.addi %add3A_142, %mul3A_141 : i32
        %add3A_144 = arith.constant 0 : i32
        %add3A_145 = arith.addi %add3A_143, %add3A_144 : i32
        %get3A_146 = arith.index_cast %add3A_145 : i32 to index
        %get3A_147 = arith.constant 0 : index
        %get3A_148 = tpu.vector_load %arg7[%get3A_146, %get3A_147] {strides = array<i32>} : memref<256x256xf32, #tpu.memory_space<vmem>>, vector<16xf32>,
        %sub3A = arith.subf %get3A_148, %get3A_3 : vector<16xf32>
        %mul3A_149 = arith.mulf %sub3A, %sub3A : vector<16xf32>
        %get3A_150 = arith.index_cast %add3A_145 : i32 to index
        %get3A_151 = arith.constant 16 : index
        %get3A_152 = tpu.vector_load %arg7[%get3A_150, %get3A_151] {strides = array<i32>} : memref<256x256xf32, #tpu.memory_space<vmem>>, vector<16xf32>,
        %sub3A_153 = arith.subf %get3A_152, %get3A_5 : vector<16xf32>
        %mul3A_154 = arith.mulf %sub3A_153, %sub3A_153 : vector<16xf32>
        %add3A_155 = arith.addf %mul3A_149, %mul3A_154 : vector<16xf32>
        %get3A_156 = arith.index_cast %add3A_145 : i32 to index
        %get3A_157 = arith.constant 32 : index
        %get3A_158 = tpu.vector_load %arg7[%get3A_156, %get3A_157] {strides = array<i32>} : memref<256x256xf32, #tpu.memory_space<vmem>>, vector<16xf32>,
        %sub3A_159 = arith.subf %get3A_158, %get3A_7 : vector<16xf32>
        %mul3A_160 = arith.mulf %sub3A_159, %sub3A_159 : vector<16xf32>
        %add3A_161 = arith.addf %add3A_155, %mul3A_160 : vector<16xf32>
        %get3A_162 = arith.index_cast %add3A_145 : i32 to index
        %get3A_163 = arith.constant 48 : index
        %get3A_164 = tpu.vector_load %arg7[%get3A_162, %get3A_163] {strides = array<i32>} : memref<256x256xf32, #tpu.memory_space<vmem>>, vector<16xf32>,
        %sub3A_165 = arith.subf %get3A_164, %get3A_9 : vector<16xf32>
        %mul3A_166 = arith.mulf %sub3A_165, %sub3A_165 : vector<16xf32>
        %add3A_167 = arith.addf %add3A_161, %mul3A_166 : vector<16xf32>
        %get3A_168 = arith.index_cast %add3A_145 : i32 to index
        %get3A_169 = arith.constant 64 : index
        %get3A_170 = tpu.vector_load %arg7[%get3A_168, %get3A_169] {strides = array<i32>} : memref<256x256xf32, #tpu.memory_space<vmem>>, vector<16xf32>,
        %sub3A_171 = arith.subf %get3A_170, %get3A_11 : vector<16xf32>
        %mul3A_172 = arith.mulf %sub3A_171, %sub3A_171 : vector<16xf32>
        %add3A_173 = arith.addf %add3A_167, %mul3A_172 : vector<16xf32>
        %get3A_174 = arith.index_cast %add3A_145 : i32 to index
        %get3A_175 = arith.constant 80 : index
        %get3A_176 = tpu.vector_load %arg7[%get3A_174, %get3A_175] {strides = array<i32>} : memref<256x256xf32, #tpu.memory_space<vmem>>, vector<16xf32>,
        %sub3A_177 = arith.subf %get3A_176, %get3A_13 : vector<16xf32>
        %mul3A_178 = arith.mulf %sub3A_177, %sub3A_177 : vector<16xf32>
        %add3A_179 = arith.addf %add3A_173, %mul3A_178 : vector<16xf32>
        %get3A_180 = arith.index_cast %add3A_145 : i32 to index
        %get3A_181 = arith.constant 96 : index
        %get3A_182 = tpu.vector_load %arg7[%get3A_180, %get3A_181] {strides = array<i32>} : memref<256x256xf32, #tpu.memory_space<vmem>>, vector<16xf32>,
        %sub3A_183 = arith.subf %get3A_182, %get3A_15 : vector<16xf32>
        %mul3A_184 = arith.mulf %sub3A_183, %sub3A_183 : vector<16xf32>
        %add3A_185 = arith.addf %add3A_179, %mul3A_184 : vector<16xf32>
        %get3A_186 = arith.index_cast %add3A_145 : i32 to index
        %get3A_187 = arith.constant 112 : index
        %get3A_188 = tpu.vector_load %arg7[%get3A_186, %get3A_187] {strides = array<i32>} : memref<256x256xf32, #tpu.memory_space<vmem>>, vector<16xf32>,
        %sub3A_189 = arith.subf %get3A_188, %get3A_17 : vector<16xf32>
        %mul3A_190 = arith.mulf %sub3A_189, %sub3A_189 : vector<16xf32>
        %add3A_191 = arith.addf %add3A_185, %mul3A_190 : vector<16xf32>
        %get3A_192 = arith.index_cast %add3A_145 : i32 to index
        %get3A_193 = arith.constant 128 : index
        %get3A_194 = tpu.vector_load %arg7[%get3A_192, %get3A_193] {strides = array<i32>} : memref<256x256xf32, #tpu.memory_space<vmem>>, vector<16xf32>,
        %sub3A_195 = arith.subf %get3A_194, %get3A_19 : vector<16xf32>
        %mul3A_196 = arith.mulf %sub3A_195, %sub3A_195 : vector<16xf32>
        %add3A_197 = arith.addf %add3A_191, %mul3A_196 : vector<16xf32>
        %get3A_198 = arith.index_cast %add3A_145 : i32 to index
        %get3A_199 = arith.constant 144 : index
        %get3A_200 = tpu.vector_load %arg7[%get3A_198, %get3A_199] {strides = array<i32>} : memref<256x256xf32, #tpu.memory_space<vmem>>, vector<16xf32>,
        %sub3A_201 = arith.subf %get3A_200, %get3A_21 : vector<16xf32>
        %mul3A_202 = arith.mulf %sub3A_201, %sub3A_201 : vector<16xf32>
        %add3A_203 = arith.addf %add3A_197, %mul3A_202 : vector<16xf32>
        %get3A_204 = arith.index_cast %add3A_145 : i32 to index
        %get3A_205 = arith.constant 160 : index
        %get3A_206 = tpu.vector_load %arg7[%get3A_204, %get3A_205] {strides = array<i32>} : memref<256x256xf32, #tpu.memory_space<vmem>>, vector<16xf32>,
        %sub3A_207 = arith.subf %get3A_206, %get3A_23 : vector<16xf32>
        %mul3A_208 = arith.mulf %sub3A_207, %sub3A_207 : vector<16xf32>
        %add3A_209 = arith.addf %add3A_203, %mul3A_208 : vector<16xf32>
        %get3A_210 = arith.index_cast %add3A_145 : i32 to index
        %get3A_211 = arith.constant 176 : index
        %get3A_212 = tpu.vector_load %arg7[%get3A_210, %get3A_211] {strides = array<i32>} : memref<256x256xf32, #tpu.memory_space<vmem>>, vector<16xf32>,
        %sub3A_213 = arith.subf %get3A_212, %get3A_25 : vector<16xf32>
        %mul3A_214 = arith.mulf %sub3A_213, %sub3A_213 : vector<16xf32>
        %add3A_215 = arith.addf %add3A_209, %mul3A_214 : vector<16xf32>
        %get3A_216 = arith.index_cast %add3A_145 : i32 to index
        %get3A_217 = arith.constant 192 : index
        %get3A_218 = tpu.vector_load %arg7[%get3A_216, %get3A_217] {strides = array<i32>} : memref<256x256xf32, #tpu.memory_space<vmem>>, vector<16xf32>,
        %sub3A_219 = arith.subf %get3A_218, %get3A_27 : vector<16xf32>
        %mul3A_220 = arith.mulf %sub3A_219, %sub3A_219 : vector<16xf32>
        %add3A_221 = arith.addf %add3A_215, %mul3A_220 : vector<16xf32>
        %get3A_222 = arith.index_cast %add3A_145 : i32 to index
        %get3A_223 = arith.constant 208 : index
        %get3A_224 = tpu.vector_load %arg7[%get3A_222, %get3A_223] {strides = array<i32>} : memref<256x256xf32, #tpu.memory_space<vmem>>, vector<16xf32>,
        %sub3A_225 = arith.subf %get3A_224, %get3A_29 : vector<16xf32>
        %mul3A_226 = arith.mulf %sub3A_225, %sub3A_225 : vector<16xf32>
        %add3A_227 = arith.addf %add3A_221, %mul3A_226 : vector<16xf32>
        %get3A_228 = arith.index_cast %add3A_145 : i32 to index
        %get3A_229 = arith.constant 224 : index
        %get3A_230 = tpu.vector_load %arg7[%get3A_228, %get3A_229] {strides = array<i32>} : memref<256x256xf32, #tpu.memory_space<vmem>>, vector<16xf32>,
        %sub3A_231 = arith.subf %get3A_230, %get3A_31 : vector<16xf32>
        %mul3A_232 = arith.mulf %sub3A_231, %sub3A_231 : vector<16xf32>
        %add3A_233 = arith.addf %add3A_227, %mul3A_232 : vector<16xf32>
        %get3A_234 = arith.index_cast %add3A_145 : i32 to index
        %get3A_235 = arith.constant 240 : index
        %get3A_236 = tpu.vector_load %arg7[%get3A_234, %get3A_235] {strides = array<i32>} : memref<256x256xf32, #tpu.memory_space<vmem>>, vector<16xf32>,
        %sub3A_237 = arith.subf %get3A_236, %get3A_33 : vector<16xf32>
        %mul3A_238 = arith.mulf %sub3A_237, %sub3A_237 : vector<16xf32>
        %add3A_239 = arith.addf %add3A_233, %mul3A_238 : vector<16xf32>
        %add3A_240 = arith.constant 1 : i32
        %add3A_241 = arith.addi %add3A_143, %add3A_240 : i32
        %get3A_242 = arith.index_cast %add3A_241 : i32 to index
        %get3A_243 = arith.constant 0 : index
        %get3A_244 = tpu.vector_load %arg7[%get3A_242, %get3A_243] {strides = array<i32>} : memref<256x256xf32, #tpu.memory_space<vmem>>, vector<16xf32>,
        %sub3A_245 = arith.subf %get3A_244, %get3A_3 : vector<16xf32>
        %mul3A_246 = arith.mulf %sub3A_245, %sub3A_245 : vector<16xf32>
        %get3A_247 = arith.index_cast %add3A_241 : i32 to index
        %get3A_248 = arith.constant 16 : index
        %get3A_249 = tpu.vector_load %arg7[%get3A_247, %get3A_248] {strides = array<i32>} : memref<256x256xf32, #tpu.memory_space<vmem>>, vector<16xf32>,
        %sub3A_250 = arith.subf %get3A_249, %get3A_5 : vector<16xf32>
        %mul3A_251 = arith.mulf %sub3A_250, %sub3A_250 : vector<16xf32>
        %add3A_252 = arith.addf %mul3A_246, %mul3A_251 : vector<16xf32>
        %get3A_253 = arith.index_cast %add3A_241 : i32 to index
        %get3A_254 = arith.constant 32 : index
        %get3A_255 = tpu.vector_load %arg7[%get3A_253, %get3A_254] {strides = array<i32>} : memref<256x256xf32, #tpu.memory_space<vmem>>, vector<16xf32>,
        %sub3A_256 = arith.subf %get3A_255, %get3A_7 : vector<16xf32>
        %mul3A_257 = arith.mulf %sub3A_256, %sub3A_256 : vector<16xf32>
        %add3A_258 = arith.addf %add3A_252, %mul3A_257 : vector<16xf32>
        %get3A_259 = arith.index_cast %add3A_241 : i32 to index
        %get3A_260 = arith.constant 48 : index
        %get3A_261 = tpu.vector_load %arg7[%get3A_259, %get3A_260] {strides = array<i32>} : memref<256x256xf32, #tpu.memory_space<vmem>>, vector<16xf32>,
        %sub3A_262 = arith.subf %get3A_261, %get3A_9 : vector<16xf32>
        %mul3A_263 = arith.mulf %sub3A_262, %sub3A_262 : vector<16xf32>
        %add3A_264 = arith.addf %add3A_258, %mul3A_263 : vector<16xf32>
        %get3A_265 = arith.index_cast %add3A_241 : i32 to index
        %get3A_266 = arith.constant 64 : index
        %get3A_267 = tpu.vector_load %arg7[%get3A_265, %get3A_266] {strides = array<i32>} : memref<256x256xf32, #tpu.memory_space<vmem>>, vector<16xf32>,
        %sub3A_268 = arith.subf %get3A_267, %get3A_11 : vector<16xf32>
        %mul3A_269 = arith.mulf %sub3A_268, %sub3A_268 : vector<16xf32>
        %add3A_270 = arith.addf %add3A_264, %mul3A_269 : vector<16xf32>
        %get3A_271 = arith.index_cast %add3A_241 : i32 to index
        %get3A_272 = arith.constant 80 : index
        %get3A_273 = tpu.vector_load %arg7[%get3A_271, %get3A_272] {strides = array<i32>} : memref<256x256xf32, #tpu.memory_space<vmem>>, vector<16xf32>,
        %sub3A_274 = arith.subf %get3A_273, %get3A_13 : vector<16xf32>
        %mul3A_275 = arith.mulf %sub3A_274, %sub3A_274 : vector<16xf32>
        %add3A_276 = arith.addf %add3A_270, %mul3A_275 : vector<16xf32>
        %get3A_277 = arith.index_cast %add3A_241 : i32 to index
        %get3A_278 = arith.constant 96 : index
        %get3A_279 = tpu.vector_load %arg7[%get3A_277, %get3A_278] {strides = array<i32>} : memref<256x256xf32, #tpu.memory_space<vmem>>, vector<16xf32>,
        %sub3A_280 = arith.subf %get3A_279, %get3A_15 : vector<16xf32>
        %mul3A_281 = arith.mulf %sub3A_280, %sub3A_280 : vector<16xf32>
        %add3A_282 = arith.addf %add3A_276, %mul3A_281 : vector<16xf32>
        %get3A_283 = arith.index_cast %add3A_241 : i32 to index
        %get3A_284 = arith.constant 112 : index
        %get3A_285 = tpu.vector_load %arg7[%get3A_283, %get3A_284] {strides = array<i32>} : memref<256x256xf32, #tpu.memory_space<vmem>>, vector<16xf32>,
        %sub3A_286 = arith.subf %get3A_285, %get3A_17 : vector<16xf32>
        %mul3A_287 = arith.mulf %sub3A_286, %sub3A_286 : vector<16xf32>
        %add3A_288 = arith.addf %add3A_282, %mul3A_287 : vector<16xf32>
        %get3A_289 = arith.index_cast %add3A_241 : i32 to index
        %get3A_290 = arith.constant 128 : index
        %get3A_291 = tpu.vector_load %arg7[%get3A_289, %get3A_290] {strides = array<i32>} : memref<256x256xf32, #tpu.memory_space<vmem>>, vector<16xf32>,
        %sub3A_292 = arith.subf %get3A_291, %get3A_19 : vector<16xf32>
        %mul3A_293 = arith.mulf %sub3A_292, %sub3A_292 : vector<16xf32>
        %add3A_294 = arith.addf %add3A_288, %mul3A_293 : vector<16xf32>
        %get3A_295 = arith.index_cast %add3A_241 : i32 to index
        %get3A_296 = arith.constant 144 : index
        %get3A_297 = tpu.vector_load %arg7[%get3A_295, %get3A_296] {strides = array<i32>} : memref<256x256xf32, #tpu.memory_space<vmem>>, vector<16xf32>,
        %sub3A_298 = arith.subf %get3A_297, %get3A_21 : vector<16xf32>
        %mul3A_299 = arith.mulf %sub3A_298, %sub3A_298 : vector<16xf32>
        %add3A_300 = arith.addf %add3A_294, %mul3A_299 : vector<16xf32>
        %get3A_301 = arith.index_cast %add3A_241 : i32 to index
        %get3A_302 = arith.constant 160 : index
        %get3A_303 = tpu.vector_load %arg7[%get3A_301, %get3A_302] {strides = array<i32>} : memref<256x256xf32, #tpu.memory_space<vmem>>, vector<16xf32>,
        %sub3A_304 = arith.subf %get3A_303, %get3A_23 : vector<16xf32>
        %mul3A_305 = arith.mulf %sub3A_304, %sub3A_304 : vector<16xf32>
        %add3A_306 = arith.addf %add3A_300, %mul3A_305 : vector<16xf32>
        %get3A_307 = arith.index_cast %add3A_241 : i32 to index
        %get3A_308 = arith.constant 176 : index
        %get3A_309 = tpu.vector_load %arg7[%get3A_307, %get3A_308] {strides = array<i32>} : memref<256x256xf32, #tpu.memory_space<vmem>>, vector<16xf32>,
        %sub3A_310 = arith.subf %get3A_309, %get3A_25 : vector<16xf32>
        %mul3A_311 = arith.mulf %sub3A_310, %sub3A_310 : vector<16xf32>
        %add3A_312 = arith.addf %add3A_306, %mul3A_311 : vector<16xf32>
        %get3A_313 = arith.index_cast %add3A_241 : i32 to index
        %get3A_314 = arith.constant 192 : index
        %get3A_315 = tpu.vector_load %arg7[%get3A_313, %get3A_314] {strides = array<i32>} : memref<256x256xf32, #tpu.memory_space<vmem>>, vector<16xf32>,
        %sub3A_316 = arith.subf %get3A_315, %get3A_27 : vector<16xf32>
        %mul3A_317 = arith.mulf %sub3A_316, %sub3A_316 : vector<16xf32>
        %add3A_318 = arith.addf %add3A_312, %mul3A_317 : vector<16xf32>
        %get3A_319 = arith.index_cast %add3A_241 : i32 to index
        %get3A_320 = arith.constant 208 : index
        %get3A_321 = tpu.vector_load %arg7[%get3A_319, %get3A_320] {strides = array<i32>} : memref<256x256xf32, #tpu.memory_space<vmem>>, vector<16xf32>,
        %sub3A_322 = arith.subf %get3A_321, %get3A_29 : vector<16xf32>
        %mul3A_323 = arith.mulf %sub3A_322, %sub3A_322 : vector<16xf32>
        %add3A_324 = arith.addf %add3A_318, %mul3A_323 : vector<16xf32>
        %get3A_325 = arith.index_cast %add3A_241 : i32 to index
        %get3A_326 = arith.constant 224 : index
        %get3A_327 = tpu.vector_load %arg7[%get3A_325, %get3A_326] {strides = array<i32>} : memref<256x256xf32, #tpu.memory_space<vmem>>, vector<16xf32>,
        %sub3A_328 = arith.subf %get3A_327, %get3A_31 : vector<16xf32>
        %mul3A_329 = arith.mulf %sub3A_328, %sub3A_328 : vector<16xf32>
        %add3A_330 = arith.addf %add3A_324, %mul3A_329 : vector<16xf32>
        %get3A_331 = arith.index_cast %add3A_241 : i32 to index
        %get3A_332 = arith.constant 240 : index
        %get3A_333 = tpu.vector_load %arg7[%get3A_331, %get3A_332] {strides = array<i32>} : memref<256x256xf32, #tpu.memory_space<vmem>>, vector<16xf32>,
        %sub3A_334 = arith.subf %get3A_333, %get3A_33 : vector<16xf32>
        %mul3A_335 = arith.mulf %sub3A_334, %sub3A_334 : vector<16xf32>
        %add3A_336 = arith.addf %add3A_330, %mul3A_335 : vector<16xf32>
        %add3A_337 = arith.constant 2 : i32
        %add3A_338 = arith.addi %add3A_143, %add3A_337 : i32
        %get3A_339 = arith.index_cast %add3A_338 : i32 to index
        %get3A_340 = arith.constant 0 : index
        %get3A_341 = tpu.vector_load %arg7[%get3A_339, %get3A_340] {strides = array<i32>} : memref<256x256xf32, #tpu.memory_space<vmem>>, vector<16xf32>,
        %sub3A_342 = arith.subf %get3A_341, %get3A_3 : vector<16xf32>
        %mul3A_343 = arith.mulf %sub3A_342, %sub3A_342 : vector<16xf32>
        %get3A_344 = arith.index_cast %add3A_338 : i32 to index
        %get3A_345 = arith.constant 16 : index
        %get3A_346 = tpu.vector_load %arg7[%get3A_344, %get3A_345] {strides = array<i32>} : memref<256x256xf32, #tpu.memory_space<vmem>>, vector<16xf32>,
        %sub3A_347 = arith.subf %get3A_346, %get3A_5 : vector<16xf32>
        %mul3A_348 = arith.mulf %sub3A_347, %sub3A_347 : vector<16xf32>
        %add3A_349 = arith.addf %mul3A_343, %mul3A_348 : vector<16xf32>
        %get3A_350 = arith.index_cast %add3A_338 : i32 to index
        %get3A_351 = arith.constant 32 : index
        %get3A_352 = tpu.vector_load %arg7[%get3A_350, %get3A_351] {strides = array<i32>} : memref<256x256xf32, #tpu.memory_space<vmem>>, vector<16xf32>,
        %sub3A_353 = arith.subf %get3A_352, %get3A_7 : vector<16xf32>
        %mul3A_354 = arith.mulf %sub3A_353, %sub3A_353 : vector<16xf32>
        %add3A_355 = arith.addf %add3A_349, %mul3A_354 : vector<16xf32>
        %get3A_356 = arith.index_cast %add3A_338 : i32 to index
        %get3A_357 = arith.constant 48 : index
        %get3A_358 = tpu.vector_load %arg7[%get3A_356, %get3A_357] {strides = array<i32>} : memref<256x256xf32, #tpu.memory_space<vmem>>, vector<16xf32>,
        %sub3A_359 = arith.subf %get3A_358, %get3A_9 : vector<16xf32>
        %mul3A_360 = arith.mulf %sub3A_359, %sub3A_359 : vector<16xf32>
        %add3A_361 = arith.addf %add3A_355, %mul3A_360 : vector<16xf32>
        %get3A_362 = arith.index_cast %add3A_338 : i32 to index
        %get3A_363 = arith.constant 64 : index
        %get3A_364 = tpu.vector_load %arg7[%get3A_362, %get3A_363] {strides = array<i32>} : memref<256x256xf32, #tpu.memory_space<vmem>>, vector<16xf32>,
        %sub3A_365 = arith.subf %get3A_364, %get3A_11 : vector<16xf32>
        %mul3A_366 = arith.mulf %sub3A_365, %sub3A_365 : vector<16xf32>
        %add3A_367 = arith.addf %add3A_361, %mul3A_366 : vector<16xf32>
        %get3A_368 = arith.index_cast %add3A_338 : i32 to index
        %get3A_369 = arith.constant 80 : index
        %get3A_370 = tpu.vector_load %arg7[%get3A_368, %get3A_369] {strides = array<i32>} : memref<256x256xf32, #tpu.memory_space<vmem>>, vector<16xf32>,
        %sub3A_371 = arith.subf %get3A_370, %get3A_13 : vector<16xf32>
        %mul3A_372 = arith.mulf %sub3A_371, %sub3A_371 : vector<16xf32>
        %add3A_373 = arith.addf %add3A_367, %mul3A_372 : vector<16xf32>
        %get3A_374 = arith.index_cast %add3A_338 : i32 to index
        %get3A_375 = arith.constant 96 : index
        %get3A_376 = tpu.vector_load %arg7[%get3A_374, %get3A_375] {strides = array<i32>} : memref<256x256xf32, #tpu.memory_space<vmem>>, vector<16xf32>,
        %sub3A_377 = arith.subf %get3A_376, %get3A_15 : vector<16xf32>
        %mul3A_378 = arith.mulf %sub3A_377, %sub3A_377 : vector<16xf32>
        %add3A_379 = arith.addf %add3A_373, %mul3A_378 : vector<16xf32>
        %get3A_380 = arith.index_cast %add3A_338 : i32 to index
        %get3A_381 = arith.constant 112 : index
        %get3A_382 = tpu.vector_load %arg7[%get3A_380, %get3A_381] {strides = array<i32>} : memref<256x256xf32, #tpu.memory_space<vmem>>, vector<16xf32>,
        %sub3A_383 = arith.subf %get3A_382, %get3A_17 : vector<16xf32>
        %mul3A_384 = arith.mulf %sub3A_383, %sub3A_383 : vector<16xf32>
        %add3A_385 = arith.addf %add3A_379, %mul3A_384 : vector<16xf32>
        %get3A_386 = arith.index_cast %add3A_338 : i32 to index
        %get3A_387 = arith.constant 128 : index
        %get3A_388 = tpu.vector_load %arg7[%get3A_386, %get3A_387] {strides = array<i32>} : memref<256x256xf32, #tpu.memory_space<vmem>>, vector<16xf32>,
        %sub3A_389 = arith.subf %get3A_388, %get3A_19 : vector<16xf32>
        %mul3A_390 = arith.mulf %sub3A_389, %sub3A_389 : vector<16xf32>
        %add3A_391 = arith.addf %add3A_385, %mul3A_390 : vector<16xf32>
        %get3A_392 = arith.index_cast %add3A_338 : i32 to index
        %get3A_393 = arith.constant 144 : index
        %get3A_394 = tpu.vector_load %arg7[%get3A_392, %get3A_393] {strides = array<i32>} : memref<256x256xf32, #tpu.memory_space<vmem>>, vector<16xf32>,
        %sub3A_395 = arith.subf %get3A_394, %get3A_21 : vector<16xf32>
        %mul3A_396 = arith.mulf %sub3A_395, %sub3A_395 : vector<16xf32>
        %add3A_397 = arith.addf %add3A_391, %mul3A_396 : vector<16xf32>
        %get3A_398 = arith.index_cast %add3A_338 : i32 to index
        %get3A_399 = arith.constant 160 : index
        %get3A_400 = tpu.vector_load %arg7[%get3A_398, %get3A_399] {strides = array<i32>} : memref<256x256xf32, #tpu.memory_space<vmem>>, vector<16xf32>,
        %sub3A_401 = arith.subf %get3A_400, %get3A_23 : vector<16xf32>
        %mul3A_402 = arith.mulf %sub3A_401, %sub3A_401 : vector<16xf32>
        %add3A_403 = arith.addf %add3A_397, %mul3A_402 : vector<16xf32>
        %get3A_404 = arith.index_cast %add3A_338 : i32 to index
        %get3A_405 = arith.constant 176 : index
        %get3A_406 = tpu.vector_load %arg7[%get3A_404, %get3A_405] {strides = array<i32>} : memref<256x256xf32, #tpu.memory_space<vmem>>, vector<16xf32>,
        %sub3A_407 = arith.subf %get3A_406, %get3A_25 : vector<16xf32>
        %mul3A_408 = arith.mulf %sub3A_407, %sub3A_407 : vector<16xf32>
        %add3A_409 = arith.addf %add3A_403, %mul3A_408 : vector<16xf32>
        %get3A_410 = arith.index_cast %add3A_338 : i32 to index
        %get3A_411 = arith.constant 192 : index
        %get3A_412 = tpu.vector_load %arg7[%get3A_410, %get3A_411] {strides = array<i32>} : memref<256x256xf32, #tpu.memory_space<vmem>>, vector<16xf32>,
        %sub3A_413 = arith.subf %get3A_412, %get3A_27 : vector<16xf32>
        %mul3A_414 = arith.mulf %sub3A_413, %sub3A_413 : vector<16xf32>
        %add3A_415 = arith.addf %add3A_409, %mul3A_414 : vector<16xf32>
        %get3A_416 = arith.index_cast %add3A_338 : i32 to index
        %get3A_417 = arith.constant 208 : index
        %get3A_418 = tpu.vector_load %arg7[%get3A_416, %get3A_417] {strides = array<i32>} : memref<256x256xf32, #tpu.memory_space<vmem>>, vector<16xf32>,
        %sub3A_419 = arith.subf %get3A_418, %get3A_29 : vector<16xf32>
        %mul3A_420 = arith.mulf %sub3A_419, %sub3A_419 : vector<16xf32>
        %add3A_421 = arith.addf %add3A_415, %mul3A_420 : vector<16xf32>
        %get3A_422 = arith.index_cast %add3A_338 : i32 to index
        %get3A_423 = arith.constant 224 : index
        %get3A_424 = tpu.vector_load %arg7[%get3A_422, %get3A_423] {strides = array<i32>} : memref<256x256xf32, #tpu.memory_space<vmem>>, vector<16xf32>,
        %sub3A_425 = arith.subf %get3A_424, %get3A_31 : vector<16xf32>
        %mul3A_426 = arith.mulf %sub3A_425, %sub3A_425 : vector<16xf32>
        %add3A_427 = arith.addf %add3A_421, %mul3A_426 : vector<16xf32>
        %get3A_428 = arith.index_cast %add3A_338 : i32 to index
        %get3A_429 = arith.constant 240 : index
        %get3A_430 = tpu.vector_load %arg7[%get3A_428, %get3A_429] {strides = array<i32>} : memref<256x256xf32, #tpu.memory_space<vmem>>, vector<16xf32>,
        %sub3A_431 = arith.subf %get3A_430, %get3A_33 : vector<16xf32>
        %mul3A_432 = arith.mulf %sub3A_431, %sub3A_431 : vector<16xf32>
        %add3A_433 = arith.addf %add3A_427, %mul3A_432 : vector<16xf32>
        %add3A_434 = arith.constant 3 : i32
        %add3A_435 = arith.addi %add3A_143, %add3A_434 : i32
        %get3A_436 = arith.index_cast %add3A_435 : i32 to index
        %get3A_437 = arith.constant 0 : index
        %get3A_438 = tpu.vector_load %arg7[%get3A_436, %get3A_437] {strides = array<i32>} : memref<256x256xf32, #tpu.memory_space<vmem>>, vector<16xf32>,
        %sub3A_439 = arith.subf %get3A_438, %get3A_3 : vector<16xf32>
        %mul3A_440 = arith.mulf %sub3A_439, %sub3A_439 : vector<16xf32>
        %get3A_441 = arith.index_cast %add3A_435 : i32 to index
        %get3A_442 = arith.constant 16 : index
        %get3A_443 = tpu.vector_load %arg7[%get3A_441, %get3A_442] {strides = array<i32>} : memref<256x256xf32, #tpu.memory_space<vmem>>, vector<16xf32>,
        %sub3A_444 = arith.subf %get3A_443, %get3A_5 : vector<16xf32>
        %mul3A_445 = arith.mulf %sub3A_444, %sub3A_444 : vector<16xf32>
        %add3A_446 = arith.addf %mul3A_440, %mul3A_445 : vector<16xf32>
        %get3A_447 = arith.index_cast %add3A_435 : i32 to index
        %get3A_448 = arith.constant 32 : index
        %get3A_449 = tpu.vector_load %arg7[%get3A_447, %get3A_448] {strides = array<i32>} : memref<256x256xf32, #tpu.memory_space<vmem>>, vector<16xf32>,
        %sub3A_450 = arith.subf %get3A_449, %get3A_7 : vector<16xf32>
        %mul3A_451 = arith.mulf %sub3A_450, %sub3A_450 : vector<16xf32>
        %add3A_452 = arith.addf %add3A_446, %mul3A_451 : vector<16xf32>
        %get3A_453 = arith.index_cast %add3A_435 : i32 to index
        %get3A_454 = arith.constant 48 : index
        %get3A_455 = tpu.vector_load %arg7[%get3A_453, %get3A_454] {strides = array<i32>} : memref<256x256xf32, #tpu.memory_space<vmem>>, vector<16xf32>,
        %sub3A_456 = arith.subf %get3A_455, %get3A_9 : vector<16xf32>
        %mul3A_457 = arith.mulf %sub3A_456, %sub3A_456 : vector<16xf32>
        %add3A_458 = arith.addf %add3A_452, %mul3A_457 : vector<16xf32>
        %get3A_459 = arith.index_cast %add3A_435 : i32 to index
        %get3A_460 = arith.constant 64 : index
        %get3A_461 = tpu.vector_load %arg7[%get3A_459, %get3A_460] {strides = array<i32>} : memref<256x256xf32, #tpu.memory_space<vmem>>, vector<16xf32>,
        %sub3A_462 = arith.subf %get3A_461, %get3A_11 : vector<16xf32>
        %mul3A_463 = arith.mulf %sub3A_462, %sub3A_462 : vector<16xf32>
        %add3A_464 = arith.addf %add3A_458, %mul3A_463 : vector<16xf32>
        %get3A_465 = arith.index_cast %add3A_435 : i32 to index
        %get3A_466 = arith.constant 80 : index
        %get3A_467 = tpu.vector_load %arg7[%get3A_465, %get3A_466] {strides = array<i32>} : memref<256x256xf32, #tpu.memory_space<vmem>>, vector<16xf32>,
        %sub3A_468 = arith.subf %get3A_467, %get3A_13 : vector<16xf32>
        %mul3A_469 = arith.mulf %sub3A_468, %sub3A_468 : vector<16xf32>
        %add3A_470 = arith.addf %add3A_464, %mul3A_469 : vector<16xf32>
        %get3A_471 = arith.index_cast %add3A_435 : i32 to index
        %get3A_472 = arith.constant 96 : index
        %get3A_473 = tpu.vector_load %arg7[%get3A_471, %get3A_472] {strides = array<i32>} : memref<256x256xf32, #tpu.memory_space<vmem>>, vector<16xf32>,
        %sub3A_474 = arith.subf %get3A_473, %get3A_15 : vector<16xf32>
        %mul3A_475 = arith.mulf %sub3A_474, %sub3A_474 : vector<16xf32>
        %add3A_476 = arith.addf %add3A_470, %mul3A_475 : vector<16xf32>
        %get3A_477 = arith.index_cast %add3A_435 : i32 to index
        %get3A_478 = arith.constant 112 : index
        %get3A_479 = tpu.vector_load %arg7[%get3A_477, %get3A_478] {strides = array<i32>} : memref<256x256xf32, #tpu.memory_space<vmem>>, vector<16xf32>,
        %sub3A_480 = arith.subf %get3A_479, %get3A_17 : vector<16xf32>
        %mul3A_481 = arith.mulf %sub3A_480, %sub3A_480 : vector<16xf32>
        %add3A_482 = arith.addf %add3A_476, %mul3A_481 : vector<16xf32>
        %get3A_483 = arith.index_cast %add3A_435 : i32 to index
        %get3A_484 = arith.constant 128 : index
        %get3A_485 = tpu.vector_load %arg7[%get3A_483, %get3A_484] {strides = array<i32>} : memref<256x256xf32, #tpu.memory_space<vmem>>, vector<16xf32>,
        %sub3A_486 = arith.subf %get3A_485, %get3A_19 : vector<16xf32>
        %mul3A_487 = arith.mulf %sub3A_486, %sub3A_486 : vector<16xf32>
        %add3A_488 = arith.addf %add3A_482, %mul3A_487 : vector<16xf32>
        %get3A_489 = arith.index_cast %add3A_435 : i32 to index
        %get3A_490 = arith.constant 144 : index
        %get3A_491 = tpu.vector_load %arg7[%get3A_489, %get3A_490] {strides = array<i32>} : memref<256x256xf32, #tpu.memory_space<vmem>>, vector<16xf32>,
        %sub3A_492 = arith.subf %get3A_491, %get3A_21 : vector<16xf32>
        %mul3A_493 = arith.mulf %sub3A_492, %sub3A_492 : vector<16xf32>
        %add3A_494 = arith.addf %add3A_488, %mul3A_493 : vector<16xf32>
        %get3A_495 = arith.index_cast %add3A_435 : i32 to index
        %get3A_496 = arith.constant 160 : index
        %get3A_497 = tpu.vector_load %arg7[%get3A_495, %get3A_496] {strides = array<i32>} : memref<256x256xf32, #tpu.memory_space<vmem>>, vector<16xf32>,
        %sub3A_498 = arith.subf %get3A_497, %get3A_23 : vector<16xf32>
        %mul3A_499 = arith.mulf %sub3A_498, %sub3A_498 : vector<16xf32>
        %add3A_500 = arith.addf %add3A_494, %mul3A_499 : vector<16xf32>
        %get3A_501 = arith.index_cast %add3A_435 : i32 to index
        %get3A_502 = arith.constant 176 : index
        %get3A_503 = tpu.vector_load %arg7[%get3A_501, %get3A_502] {strides = array<i32>} : memref<256x256xf32, #tpu.memory_space<vmem>>, vector<16xf32>,
        %sub3A_504 = arith.subf %get3A_503, %get3A_25 : vector<16xf32>
        %mul3A_505 = arith.mulf %sub3A_504, %sub3A_504 : vector<16xf32>
        %add3A_506 = arith.addf %add3A_500, %mul3A_505 : vector<16xf32>
        %get3A_507 = arith.index_cast %add3A_435 : i32 to index
        %get3A_508 = arith.constant 192 : index
        %get3A_509 = tpu.vector_load %arg7[%get3A_507, %get3A_508] {strides = array<i32>} : memref<256x256xf32, #tpu.memory_space<vmem>>, vector<16xf32>,
        %sub3A_510 = arith.subf %get3A_509, %get3A_27 : vector<16xf32>
        %mul3A_511 = arith.mulf %sub3A_510, %sub3A_510 : vector<16xf32>
        %add3A_512 = arith.addf %add3A_506, %mul3A_511 : vector<16xf32>
        %get3A_513 = arith.index_cast %add3A_435 : i32 to index
        %get3A_514 = arith.constant 208 : index
        %get3A_515 = tpu.vector_load %arg7[%get3A_513, %get3A_514] {strides = array<i32>} : memref<256x256xf32, #tpu.memory_space<vmem>>, vector<16xf32>,
        %sub3A_516 = arith.subf %get3A_515, %get3A_29 : vector<16xf32>
        %mul3A_517 = arith.mulf %sub3A_516, %sub3A_516 : vector<16xf32>
        %add3A_518 = arith.addf %add3A_512, %mul3A_517 : vector<16xf32>
        %get3A_519 = arith.index_cast %add3A_435 : i32 to index
        %get3A_520 = arith.constant 224 : index
        %get3A_521 = tpu.vector_load %arg7[%get3A_519, %get3A_520] {strides = array<i32>} : memref<256x256xf32, #tpu.memory_space<vmem>>, vector<16xf32>,
        %sub3A_522 = arith.subf %get3A_521, %get3A_31 : vector<16xf32>
        %mul3A_523 = arith.mulf %sub3A_522, %sub3A_522 : vector<16xf32>
        %add3A_524 = arith.addf %add3A_518, %mul3A_523 : vector<16xf32>
        %get3A_525 = arith.index_cast %add3A_435 : i32 to index
        %get3A_526 = arith.constant 240 : index
        %get3A_527 = tpu.vector_load %arg7[%get3A_525, %get3A_526] {strides = array<i32>} : memref<256x256xf32, #tpu.memory_space<vmem>>, vector<16xf32>,
        %sub3A_528 = arith.subf %get3A_527, %get3A_33 : vector<16xf32>
        %mul3A_529 = arith.mulf %sub3A_528, %sub3A_528 : vector<16xf32>
        %add3A_530 = arith.addf %add3A_524, %mul3A_529 : vector<16xf32>
        %add3A_531 = arith.constant 4 : i32
        %add3A_532 = arith.addi %add3A_143, %add3A_531 : i32
        %get3A_533 = arith.index_cast %add3A_532 : i32 to index
        %get3A_534 = arith.constant 0 : index
        %get3A_535 = tpu.vector_load %arg7[%get3A_533, %get3A_534] {strides = array<i32>} : memref<256x256xf32, #tpu.memory_space<vmem>>, vector<16xf32>,
        %sub3A_536 = arith.subf %get3A_535, %get3A_3 : vector<16xf32>
        %mul3A_537 = arith.mulf %sub3A_536, %sub3A_536 : vector<16xf32>
        %get3A_538 = arith.index_cast %add3A_532 : i32 to index
        %get3A_539 = arith.constant 16 : index
        %get3A_540 = tpu.vector_load %arg7[%get3A_538, %get3A_539] {strides = array<i32>} : memref<256x256xf32, #tpu.memory_space<vmem>>, vector<16xf32>,
        %sub3A_541 = arith.subf %get3A_540, %get3A_5 : vector<16xf32>
        %mul3A_542 = arith.mulf %sub3A_541, %sub3A_541 : vector<16xf32>
        %add3A_543 = arith.addf %mul3A_537, %mul3A_542 : vector<16xf32>
        %get3A_544 = arith.index_cast %add3A_532 : i32 to index
        %get3A_545 = arith.constant 32 : index
        %get3A_546 = tpu.vector_load %arg7[%get3A_544, %get3A_545] {strides = array<i32>} : memref<256x256xf32, #tpu.memory_space<vmem>>, vector<16xf32>,
        %sub3A_547 = arith.subf %get3A_546, %get3A_7 : vector<16xf32>
        %mul3A_548 = arith.mulf %sub3A_547, %sub3A_547 : vector<16xf32>
        %add3A_549 = arith.addf %add3A_543, %mul3A_548 : vector<16xf32>
        %get3A_550 = arith.index_cast %add3A_532 : i32 to index
        %get3A_551 = arith.constant 48 : index
        %get3A_552 = tpu.vector_load %arg7[%get3A_550, %get3A_551] {strides = array<i32>} : memref<256x256xf32, #tpu.memory_space<vmem>>, vector<16xf32>,
        %sub3A_553 = arith.subf %get3A_552, %get3A_9 : vector<16xf32>
        %mul3A_554 = arith.mulf %sub3A_553, %sub3A_553 : vector<16xf32>
        %add3A_555 = arith.addf %add3A_549, %mul3A_554 : vector<16xf32>
        %get3A_556 = arith.index_cast %add3A_532 : i32 to index
        %get3A_557 = arith.constant 64 : index
        %get3A_558 = tpu.vector_load %arg7[%get3A_556, %get3A_557] {strides = array<i32>} : memref<256x256xf32, #tpu.memory_space<vmem>>, vector<16xf32>,
        %sub3A_559 = arith.subf %get3A_558, %get3A_11 : vector<16xf32>
        %mul3A_560 = arith.mulf %sub3A_559, %sub3A_559 : vector<16xf32>
        %add3A_561 = arith.addf %add3A_555, %mul3A_560 : vector<16xf32>
        %get3A_562 = arith.index_cast %add3A_532 : i32 to index
        %get3A_563 = arith.constant 80 : index
        %get3A_564 = tpu.vector_load %arg7[%get3A_562, %get3A_563] {strides = array<i32>} : memref<256x256xf32, #tpu.memory_space<vmem>>, vector<16xf32>,
        %sub3A_565 = arith.subf %get3A_564, %get3A_13 : vector<16xf32>
        %mul3A_566 = arith.mulf %sub3A_565, %sub3A_565 : vector<16xf32>
        %add3A_567 = arith.addf %add3A_561, %mul3A_566 : vector<16xf32>
        %get3A_568 = arith.index_cast %add3A_532 : i32 to index
        %get3A_569 = arith.constant 96 : index
        %get3A_570 = tpu.vector_load %arg7[%get3A_568, %get3A_569] {strides = array<i32>} : memref<256x256xf32, #tpu.memory_space<vmem>>, vector<16xf32>,
        %sub3A_571 = arith.subf %get3A_570, %get3A_15 : vector<16xf32>
        %mul3A_572 = arith.mulf %sub3A_571, %sub3A_571 : vector<16xf32>
        %add3A_573 = arith.addf %add3A_567, %mul3A_572 : vector<16xf32>
        %get3A_574 = arith.index_cast %add3A_532 : i32 to index
        %get3A_575 = arith.constant 112 : index
        %get3A_576 = tpu.vector_load %arg7[%get3A_574, %get3A_575] {strides = array<i32>} : memref<256x256xf32, #tpu.memory_space<vmem>>, vector<16xf32>,
        %sub3A_577 = arith.subf %get3A_576, %get3A_17 : vector<16xf32>
        %mul3A_578 = arith.mulf %sub3A_577, %sub3A_577 : vector<16xf32>
        %add3A_579 = arith.addf %add3A_573, %mul3A_578 : vector<16xf32>
        %get3A_580 = arith.index_cast %add3A_532 : i32 to index
        %get3A_581 = arith.constant 128 : index
        %get3A_582 = tpu.vector_load %arg7[%get3A_580, %get3A_581] {strides = array<i32>} : memref<256x256xf32, #tpu.memory_space<vmem>>, vector<16xf32>,
        %sub3A_583 = arith.subf %get3A_582, %get3A_19 : vector<16xf32>
        %mul3A_584 = arith.mulf %sub3A_583, %sub3A_583 : vector<16xf32>
        %add3A_585 = arith.addf %add3A_579, %mul3A_584 : vector<16xf32>
        %get3A_586 = arith.index_cast %add3A_532 : i32 to index
        %get3A_587 = arith.constant 144 : index
        %get3A_588 = tpu.vector_load %arg7[%get3A_586, %get3A_587] {strides = array<i32>} : memref<256x256xf32, #tpu.memory_space<vmem>>, vector<16xf32>,
        %sub3A_589 = arith.subf %get3A_588, %get3A_21 : vector<16xf32>
        %mul3A_590 = arith.mulf %sub3A_589, %sub3A_589 : vector<16xf32>
        %add3A_591 = arith.addf %add3A_585, %mul3A_590 : vector<16xf32>
        %get3A_592 = arith.index_cast %add3A_532 : i32 to index
        %get3A_593 = arith.constant 160 : index
        %get3A_594 = tpu.vector_load %arg7[%get3A_592, %get3A_593] {strides = array<i32>} : memref<256x256xf32, #tpu.memory_space<vmem>>, vector<16xf32>,
        %sub3A_595 = arith.subf %get3A_594, %get3A_23 : vector<16xf32>
        %mul3A_596 = arith.mulf %sub3A_595, %sub3A_595 : vector<16xf32>
        %add3A_597 = arith.addf %add3A_591, %mul3A_596 : vector<16xf32>
        %get3A_598 = arith.index_cast %add3A_532 : i32 to index
        %get3A_599 = arith.constant 176 : index
        %get3A_600 = tpu.vector_load %arg7[%get3A_598, %get3A_599] {strides = array<i32>} : memref<256x256xf32, #tpu.memory_space<vmem>>, vector<16xf32>,
        %sub3A_601 = arith.subf %get3A_600, %get3A_25 : vector<16xf32>
        %mul3A_602 = arith.mulf %sub3A_601, %sub3A_601 : vector<16xf32>
        %add3A_603 = arith.addf %add3A_597, %mul3A_602 : vector<16xf32>
        %get3A_604 = arith.index_cast %add3A_532 : i32 to index
        %get3A_605 = arith.constant 192 : index
        %get3A_606 = tpu.vector_load %arg7[%get3A_604, %get3A_605] {strides = array<i32>} : memref<256x256xf32, #tpu.memory_space<vmem>>, vector<16xf32>,
        %sub3A_607 = arith.subf %get3A_606, %get3A_27 : vector<16xf32>
        %mul3A_608 = arith.mulf %sub3A_607, %sub3A_607 : vector<16xf32>
        %add3A_609 = arith.addf %add3A_603, %mul3A_608 : vector<16xf32>
        %get3A_610 = arith.index_cast %add3A_532 : i32 to index
        %get3A_611 = arith.constant 208 : index
        %get3A_612 = tpu.vector_load %arg7[%get3A_610, %get3A_611] {strides = array<i32>} : memref<256x256xf32, #tpu.memory_space<vmem>>, vector<16xf32>,
        %sub3A_613 = arith.subf %get3A_612, %get3A_29 : vector<16xf32>
        %mul3A_614 = arith.mulf %sub3A_613, %sub3A_613 : vector<16xf32>
        %add3A_615 = arith.addf %add3A_609, %mul3A_614 : vector<16xf32>
        %get3A_616 = arith.index_cast %add3A_532 : i32 to index
        %get3A_617 = arith.constant 224 : index
        %get3A_618 = tpu.vector_load %arg7[%get3A_616, %get3A_617] {strides = array<i32>} : memref<256x256xf32, #tpu.memory_space<vmem>>, vector<16xf32>,
        %sub3A_619 = arith.subf %get3A_618, %get3A_31 : vector<16xf32>
        %mul3A_620 = arith.mulf %sub3A_619, %sub3A_619 : vector<16xf32>
        %add3A_621 = arith.addf %add3A_615, %mul3A_620 : vector<16xf32>
        %get3A_622 = arith.index_cast %add3A_532 : i32 to index
        %get3A_623 = arith.constant 240 : index
        %get3A_624 = tpu.vector_load %arg7[%get3A_622, %get3A_623] {strides = array<i32>} : memref<256x256xf32, #tpu.memory_space<vmem>>, vector<16xf32>,
        %sub3A_625 = arith.subf %get3A_624, %get3A_33 : vector<16xf32>
        %mul3A_626 = arith.mulf %sub3A_625, %sub3A_625 : vector<16xf32>
        %add3A_627 = arith.addf %add3A_621, %mul3A_626 : vector<16xf32>
        %add3A_628 = arith.constant 5 : i32
        %add3A_629 = arith.addi %add3A_143, %add3A_628 : i32
        %get3A_630 = arith.index_cast %add3A_629 : i32 to index
        %get3A_631 = arith.constant 0 : index
        %get3A_632 = tpu.vector_load %arg7[%get3A_630, %get3A_631] {strides = array<i32>} : memref<256x256xf32, #tpu.memory_space<vmem>>, vector<16xf32>,
        %sub3A_633 = arith.subf %get3A_632, %get3A_3 : vector<16xf32>
        %mul3A_634 = arith.mulf %sub3A_633, %sub3A_633 : vector<16xf32>
        %get3A_635 = arith.index_cast %add3A_629 : i32 to index
        %get3A_636 = arith.constant 16 : index
        %get3A_637 = tpu.vector_load %arg7[%get3A_635, %get3A_636] {strides = array<i32>} : memref<256x256xf32, #tpu.memory_space<vmem>>, vector<16xf32>,
        %sub3A_638 = arith.subf %get3A_637, %get3A_5 : vector<16xf32>
        %mul3A_639 = arith.mulf %sub3A_638, %sub3A_638 : vector<16xf32>
        %add3A_640 = arith.addf %mul3A_634, %mul3A_639 : vector<16xf32>
        %get3A_641 = arith.index_cast %add3A_629 : i32 to index
        %get3A_642 = arith.constant 32 : index
        %get3A_643 = tpu.vector_load %arg7[%get3A_641, %get3A_642] {strides = array<i32>} : memref<256x256xf32, #tpu.memory_space<vmem>>, vector<16xf32>,
        %sub3A_644 = arith.subf %get3A_643, %get3A_7 : vector<16xf32>
        %mul3A_645 = arith.mulf %sub3A_644, %sub3A_644 : vector<16xf32>
        %add3A_646 = arith.addf %add3A_640, %mul3A_645 : vector<16xf32>
        %get3A_647 = arith.index_cast %add3A_629 : i32 to index
        %get3A_648 = arith.constant 48 : index
        %get3A_649 = tpu.vector_load %arg7[%get3A_647, %get3A_648] {strides = array<i32>} : memref<256x256xf32, #tpu.memory_space<vmem>>, vector<16xf32>,
        %sub3A_650 = arith.subf %get3A_649, %get3A_9 : vector<16xf32>
        %mul3A_651 = arith.mulf %sub3A_650, %sub3A_650 : vector<16xf32>
        %add3A_652 = arith.addf %add3A_646, %mul3A_651 : vector<16xf32>
        %get3A_653 = arith.index_cast %add3A_629 : i32 to index
        %get3A_654 = arith.constant 64 : index
        %get3A_655 = tpu.vector_load %arg7[%get3A_653, %get3A_654] {strides = array<i32>} : memref<256x256xf32, #tpu.memory_space<vmem>>, vector<16xf32>,
        %sub3A_656 = arith.subf %get3A_655, %get3A_11 : vector<16xf32>
        %mul3A_657 = arith.mulf %sub3A_656, %sub3A_656 : vector<16xf32>
        %add3A_658 = arith.addf %add3A_652, %mul3A_657 : vector<16xf32>
        %get3A_659 = arith.index_cast %add3A_629 : i32 to index
        %get3A_660 = arith.constant 80 : index
        %get3A_661 = tpu.vector_load %arg7[%get3A_659, %get3A_660] {strides = array<i32>} : memref<256x256xf32, #tpu.memory_space<vmem>>, vector<16xf32>,
        %sub3A_662 = arith.subf %get3A_661, %get3A_13 : vector<16xf32>
        %mul3A_663 = arith.mulf %sub3A_662, %sub3A_662 : vector<16xf32>
        %add3A_664 = arith.addf %add3A_658, %mul3A_663 : vector<16xf32>
        %get3A_665 = arith.index_cast %add3A_629 : i32 to index
        %get3A_666 = arith.constant 96 : index
        %get3A_667 = tpu.vector_load %arg7[%get3A_665, %get3A_666] {strides = array<i32>} : memref<256x256xf32, #tpu.memory_space<vmem>>, vector<16xf32>,
        %sub3A_668 = arith.subf %get3A_667, %get3A_15 : vector<16xf32>
        %mul3A_669 = arith.mulf %sub3A_668, %sub3A_668 : vector<16xf32>
        %add3A_670 = arith.addf %add3A_664, %mul3A_669 : vector<16xf32>
        %get3A_671 = arith.index_cast %add3A_629 : i32 to index
        %get3A_672 = arith.constant 112 : index
        %get3A_673 = tpu.vector_load %arg7[%get3A_671, %get3A_672] {strides = array<i32>} : memref<256x256xf32, #tpu.memory_space<vmem>>, vector<16xf32>,
        %sub3A_674 = arith.subf %get3A_673, %get3A_17 : vector<16xf32>
        %mul3A_675 = arith.mulf %sub3A_674, %sub3A_674 : vector<16xf32>
        %add3A_676 = arith.addf %add3A_670, %mul3A_675 : vector<16xf32>
        %get3A_677 = arith.index_cast %add3A_629 : i32 to index
        %get3A_678 = arith.constant 128 : index
        %get3A_679 = tpu.vector_load %arg7[%get3A_677, %get3A_678] {strides = array<i32>} : memref<256x256xf32, #tpu.memory_space<vmem>>, vector<16xf32>,
        %sub3A_680 = arith.subf %get3A_679, %get3A_19 : vector<16xf32>
        %mul3A_681 = arith.mulf %sub3A_680, %sub3A_680 : vector<16xf32>
        %add3A_682 = arith.addf %add3A_676, %mul3A_681 : vector<16xf32>
        %get3A_683 = arith.index_cast %add3A_629 : i32 to index
        %get3A_684 = arith.constant 144 : index
        %get3A_685 = tpu.vector_load %arg7[%get3A_683, %get3A_684] {strides = array<i32>} : memref<256x256xf32, #tpu.memory_space<vmem>>, vector<16xf32>,
        %sub3A_686 = arith.subf %get3A_685, %get3A_21 : vector<16xf32>
        %mul3A_687 = arith.mulf %sub3A_686, %sub3A_686 : vector<16xf32>
        %add3A_688 = arith.addf %add3A_682, %mul3A_687 : vector<16xf32>
        %get3A_689 = arith.index_cast %add3A_629 : i32 to index
        %get3A_690 = arith.constant 160 : index
        %get3A_691 = tpu.vector_load %arg7[%get3A_689, %get3A_690] {strides = array<i32>} : memref<256x256xf32, #tpu.memory_space<vmem>>, vector<16xf32>,
        %sub3A_692 = arith.subf %get3A_691, %get3A_23 : vector<16xf32>
        %mul3A_693 = arith.mulf %sub3A_692, %sub3A_692 : vector<16xf32>
        %add3A_694 = arith.addf %add3A_688, %mul3A_693 : vector<16xf32>
        %get3A_695 = arith.index_cast %add3A_629 : i32 to index
        %get3A_696 = arith.constant 176 : index
        %get3A_697 = tpu.vector_load %arg7[%get3A_695, %get3A_696] {strides = array<i32>} : memref<256x256xf32, #tpu.memory_space<vmem>>, vector<16xf32>,
        %sub3A_698 = arith.subf %get3A_697, %get3A_25 : vector<16xf32>
        %mul3A_699 = arith.mulf %sub3A_698, %sub3A_698 : vector<16xf32>
        %add3A_700 = arith.addf %add3A_694, %mul3A_699 : vector<16xf32>
        %get3A_701 = arith.index_cast %add3A_629 : i32 to index
        %get3A_702 = arith.constant 192 : index
        %get3A_703 = tpu.vector_load %arg7[%get3A_701, %get3A_702] {strides = array<i32>} : memref<256x256xf32, #tpu.memory_space<vmem>>, vector<16xf32>,
        %sub3A_704 = arith.subf %get3A_703, %get3A_27 : vector<16xf32>
        %mul3A_705 = arith.mulf %sub3A_704, %sub3A_704 : vector<16xf32>
        %add3A_706 = arith.addf %add3A_700, %mul3A_705 : vector<16xf32>
        %get3A_707 = arith.index_cast %add3A_629 : i32 to index
        %get3A_708 = arith.constant 208 : index
        %get3A_709 = tpu.vector_load %arg7[%get3A_707, %get3A_708] {strides = array<i32>} : memref<256x256xf32, #tpu.memory_space<vmem>>, vector<16xf32>,
        %sub3A_710 = arith.subf %get3A_709, %get3A_29 : vector<16xf32>
        %mul3A_711 = arith.mulf %sub3A_710, %sub3A_710 : vector<16xf32>
        %add3A_712 = arith.addf %add3A_706, %mul3A_711 : vector<16xf32>
        %get3A_713 = arith.index_cast %add3A_629 : i32 to index
        %get3A_714 = arith.constant 224 : index
        %get3A_715 = tpu.vector_load %arg7[%get3A_713, %get3A_714] {strides = array<i32>} : memref<256x256xf32, #tpu.memory_space<vmem>>, vector<16xf32>,
        %sub3A_716 = arith.subf %get3A_715, %get3A_31 : vector<16xf32>
        %mul3A_717 = arith.mulf %sub3A_716, %sub3A_716 : vector<16xf32>
        %add3A_718 = arith.addf %add3A_712, %mul3A_717 : vector<16xf32>
        %get3A_719 = arith.index_cast %add3A_629 : i32 to index
        %get3A_720 = arith.constant 240 : index
        %get3A_721 = tpu.vector_load %arg7[%get3A_719, %get3A_720] {strides = array<i32>} : memref<256x256xf32, #tpu.memory_space<vmem>>, vector<16xf32>,
        %sub3A_722 = arith.subf %get3A_721, %get3A_33 : vector<16xf32>
        %mul3A_723 = arith.mulf %sub3A_722, %sub3A_722 : vector<16xf32>
        %add3A_724 = arith.addf %add3A_718, %mul3A_723 : vector<16xf32>
        %add3A_725 = arith.constant 6 : i32
        %add3A_726 = arith.addi %add3A_143, %add3A_725 : i32
        %get3A_727 = arith.index_cast %add3A_726 : i32 to index
        %get3A_728 = arith.constant 0 : index
        %get3A_729 = tpu.vector_load %arg7[%get3A_727, %get3A_728] {strides = array<i32>} : memref<256x256xf32, #tpu.memory_space<vmem>>, vector<16xf32>,
        %sub3A_730 = arith.subf %get3A_729, %get3A_3 : vector<16xf32>
        %mul3A_731 = arith.mulf %sub3A_730, %sub3A_730 : vector<16xf32>
        %get3A_732 = arith.index_cast %add3A_726 : i32 to index
        %get3A_733 = arith.constant 16 : index
        %get3A_734 = tpu.vector_load %arg7[%get3A_732, %get3A_733] {strides = array<i32>} : memref<256x256xf32, #tpu.memory_space<vmem>>, vector<16xf32>,
        %sub3A_735 = arith.subf %get3A_734, %get3A_5 : vector<16xf32>
        %mul3A_736 = arith.mulf %sub3A_735, %sub3A_735 : vector<16xf32>
        %add3A_737 = arith.addf %mul3A_731, %mul3A_736 : vector<16xf32>
        %get3A_738 = arith.index_cast %add3A_726 : i32 to index
        %get3A_739 = arith.constant 32 : index
        %get3A_740 = tpu.vector_load %arg7[%get3A_738, %get3A_739] {strides = array<i32>} : memref<256x256xf32, #tpu.memory_space<vmem>>, vector<16xf32>,
        %sub3A_741 = arith.subf %get3A_740, %get3A_7 : vector<16xf32>
        %mul3A_742 = arith.mulf %sub3A_741, %sub3A_741 : vector<16xf32>
        %add3A_743 = arith.addf %add3A_737, %mul3A_742 : vector<16xf32>
        %get3A_744 = arith.index_cast %add3A_726 : i32 to index
        %get3A_745 = arith.constant 48 : index
        %get3A_746 = tpu.vector_load %arg7[%get3A_744, %get3A_745] {strides = array<i32>} : memref<256x256xf32, #tpu.memory_space<vmem>>, vector<16xf32>,
        %sub3A_747 = arith.subf %get3A_746, %get3A_9 : vector<16xf32>
        %mul3A_748 = arith.mulf %sub3A_747, %sub3A_747 : vector<16xf32>
        %add3A_749 = arith.addf %add3A_743, %mul3A_748 : vector<16xf32>
        %get3A_750 = arith.index_cast %add3A_726 : i32 to index
        %get3A_751 = arith.constant 64 : index
        %get3A_752 = tpu.vector_load %arg7[%get3A_750, %get3A_751] {strides = array<i32>} : memref<256x256xf32, #tpu.memory_space<vmem>>, vector<16xf32>,
        %sub3A_753 = arith.subf %get3A_752, %get3A_11 : vector<16xf32>
        %mul3A_754 = arith.mulf %sub3A_753, %sub3A_753 : vector<16xf32>
        %add3A_755 = arith.addf %add3A_749, %mul3A_754 : vector<16xf32>
        %get3A_756 = arith.index_cast %add3A_726 : i32 to index
        %get3A_757 = arith.constant 80 : index
        %get3A_758 = tpu.vector_load %arg7[%get3A_756, %get3A_757] {strides = array<i32>} : memref<256x256xf32, #tpu.memory_space<vmem>>, vector<16xf32>,
        %sub3A_759 = arith.subf %get3A_758, %get3A_13 : vector<16xf32>
        %mul3A_760 = arith.mulf %sub3A_759, %sub3A_759 : vector<16xf32>
        %add3A_761 = arith.addf %add3A_755, %mul3A_760 : vector<16xf32>
        %get3A_762 = arith.index_cast %add3A_726 : i32 to index
        %get3A_763 = arith.constant 96 : index
        %get3A_764 = tpu.vector_load %arg7[%get3A_762, %get3A_763] {strides = array<i32>} : memref<256x256xf32, #tpu.memory_space<vmem>>, vector<16xf32>,
        %sub3A_765 = arith.subf %get3A_764, %get3A_15 : vector<16xf32>
        %mul3A_766 = arith.mulf %sub3A_765, %sub3A_765 : vector<16xf32>
        %add3A_767 = arith.addf %add3A_761, %mul3A_766 : vector<16xf32>
        %get3A_768 = arith.index_cast %add3A_726 : i32 to index
        %get3A_769 = arith.constant 112 : index
        %get3A_770 = tpu.vector_load %arg7[%get3A_768, %get3A_769] {strides = array<i32>} : memref<256x256xf32, #tpu.memory_space<vmem>>, vector<16xf32>,
        %sub3A_771 = arith.subf %get3A_770, %get3A_17 : vector<16xf32>
        %mul3A_772 = arith.mulf %sub3A_771, %sub3A_771 : vector<16xf32>
        %add3A_773 = arith.addf %add3A_767, %mul3A_772 : vector<16xf32>
        %get3A_774 = arith.index_cast %add3A_726 : i32 to index
        %get3A_775 = arith.constant 128 : index
        %get3A_776 = tpu.vector_load %arg7[%get3A_774, %get3A_775] {strides = array<i32>} : memref<256x256xf32, #tpu.memory_space<vmem>>, vector<16xf32>,
        %sub3A_777 = arith.subf %get3A_776, %get3A_19 : vector<16xf32>
        %mul3A_778 = arith.mulf %sub3A_777, %sub3A_777 : vector<16xf32>
        %add3A_779 = arith.addf %add3A_773, %mul3A_778 : vector<16xf32>
        %get3A_780 = arith.index_cast %add3A_726 : i32 to index
        %get3A_781 = arith.constant 144 : index
        %get3A_782 = tpu.vector_load %arg7[%get3A_780, %get3A_781] {strides = array<i32>} : memref<256x256xf32, #tpu.memory_space<vmem>>, vector<16xf32>,
        %sub3A_783 = arith.subf %get3A_782, %get3A_21 : vector<16xf32>
        %mul3A_784 = arith.mulf %sub3A_783, %sub3A_783 : vector<16xf32>
        %add3A_785 = arith.addf %add3A_779, %mul3A_784 : vector<16xf32>
        %get3A_786 = arith.index_cast %add3A_726 : i32 to index
        %get3A_787 = arith.constant 160 : index
        %get3A_788 = tpu.vector_load %arg7[%get3A_786, %get3A_787] {strides = array<i32>} : memref<256x256xf32, #tpu.memory_space<vmem>>, vector<16xf32>,
        %sub3A_789 = arith.subf %get3A_788, %get3A_23 : vector<16xf32>
        %mul3A_790 = arith.mulf %sub3A_789, %sub3A_789 : vector<16xf32>
        %add3A_791 = arith.addf %add3A_785, %mul3A_790 : vector<16xf32>
        %get3A_792 = arith.index_cast %add3A_726 : i32 to index
        %get3A_793 = arith.constant 176 : index
        %get3A_794 = tpu.vector_load %arg7[%get3A_792, %get3A_793] {strides = array<i32>} : memref<256x256xf32, #tpu.memory_space<vmem>>, vector<16xf32>,
        %sub3A_795 = arith.subf %get3A_794, %get3A_25 : vector<16xf32>
        %mul3A_796 = arith.mulf %sub3A_795, %sub3A_795 : vector<16xf32>
        %add3A_797 = arith.addf %add3A_791, %mul3A_796 : vector<16xf32>
        %get3A_798 = arith.index_cast %add3A_726 : i32 to index
        %get3A_799 = arith.constant 192 : index
        %get3A_800 = tpu.vector_load %arg7[%get3A_798, %get3A_799] {strides = array<i32>} : memref<256x256xf32, #tpu.memory_space<vmem>>, vector<16xf32>,
        %sub3A_801 = arith.subf %get3A_800, %get3A_27 : vector<16xf32>
        %mul3A_802 = arith.mulf %sub3A_801, %sub3A_801 : vector<16xf32>
        %add3A_803 = arith.addf %add3A_797, %mul3A_802 : vector<16xf32>
        %get3A_804 = arith.index_cast %add3A_726 : i32 to index
        %get3A_805 = arith.constant 208 : index
        %get3A_806 = tpu.vector_load %arg7[%get3A_804, %get3A_805] {strides = array<i32>} : memref<256x256xf32, #tpu.memory_space<vmem>>, vector<16xf32>,
        %sub3A_807 = arith.subf %get3A_806, %get3A_29 : vector<16xf32>
        %mul3A_808 = arith.mulf %sub3A_807, %sub3A_807 : vector<16xf32>
        %add3A_809 = arith.addf %add3A_803, %mul3A_808 : vector<16xf32>
        %get3A_810 = arith.index_cast %add3A_726 : i32 to index
        %get3A_811 = arith.constant 224 : index
        %get3A_812 = tpu.vector_load %arg7[%get3A_810, %get3A_811] {strides = array<i32>} : memref<256x256xf32, #tpu.memory_space<vmem>>, vector<16xf32>,
        %sub3A_813 = arith.subf %get3A_812, %get3A_31 : vector<16xf32>
        %mul3A_814 = arith.mulf %sub3A_813, %sub3A_813 : vector<16xf32>
        %add3A_815 = arith.addf %add3A_809, %mul3A_814 : vector<16xf32>
        %get3A_816 = arith.index_cast %add3A_726 : i32 to index
        %get3A_817 = arith.constant 240 : index
        %get3A_818 = tpu.vector_load %arg7[%get3A_816, %get3A_817] {strides = array<i32>} : memref<256x256xf32, #tpu.memory_space<vmem>>, vector<16xf32>,
        %sub3A_819 = arith.subf %get3A_818, %get3A_33 : vector<16xf32>
        %mul3A_820 = arith.mulf %sub3A_819, %sub3A_819 : vector<16xf32>
        %add3A_821 = arith.addf %add3A_815, %mul3A_820 : vector<16xf32>
        %add3A_822 = arith.constant 7 : i32
        %add3A_823 = arith.addi %add3A_143, %add3A_822 : i32
        %get3A_824 = arith.index_cast %add3A_823 : i32 to index
        %get3A_825 = arith.constant 0 : index
        %get3A_826 = tpu.vector_load %arg7[%get3A_824, %get3A_825] {strides = array<i32>} : memref<256x256xf32, #tpu.memory_space<vmem>>, vector<16xf32>,
        %sub3A_827 = arith.subf %get3A_826, %get3A_3 : vector<16xf32>
        %mul3A_828 = arith.mulf %sub3A_827, %sub3A_827 : vector<16xf32>
        %get3A_829 = arith.index_cast %add3A_823 : i32 to index
        %get3A_830 = arith.constant 16 : index
        %get3A_831 = tpu.vector_load %arg7[%get3A_829, %get3A_830] {strides = array<i32>} : memref<256x256xf32, #tpu.memory_space<vmem>>, vector<16xf32>,
        %sub3A_832 = arith.subf %get3A_831, %get3A_5 : vector<16xf32>
        %mul3A_833 = arith.mulf %sub3A_832, %sub3A_832 : vector<16xf32>
        %add3A_834 = arith.addf %mul3A_828, %mul3A_833 : vector<16xf32>
        %get3A_835 = arith.index_cast %add3A_823 : i32 to index
        %get3A_836 = arith.constant 32 : index
        %get3A_837 = tpu.vector_load %arg7[%get3A_835, %get3A_836] {strides = array<i32>} : memref<256x256xf32, #tpu.memory_space<vmem>>, vector<16xf32>,
        %sub3A_838 = arith.subf %get3A_837, %get3A_7 : vector<16xf32>
        %mul3A_839 = arith.mulf %sub3A_838, %sub3A_838 : vector<16xf32>
        %add3A_840 = arith.addf %add3A_834, %mul3A_839 : vector<16xf32>
        %get3A_841 = arith.index_cast %add3A_823 : i32 to index
        %get3A_842 = arith.constant 48 : index
        %get3A_843 = tpu.vector_load %arg7[%get3A_841, %get3A_842] {strides = array<i32>} : memref<256x256xf32, #tpu.memory_space<vmem>>, vector<16xf32>,
        %sub3A_844 = arith.subf %get3A_843, %get3A_9 : vector<16xf32>
        %mul3A_845 = arith.mulf %sub3A_844, %sub3A_844 : vector<16xf32>
        %add3A_846 = arith.addf %add3A_840, %mul3A_845 : vector<16xf32>
        %get3A_847 = arith.index_cast %add3A_823 : i32 to index
        %get3A_848 = arith.constant 64 : index
        %get3A_849 = tpu.vector_load %arg7[%get3A_847, %get3A_848] {strides = array<i32>} : memref<256x256xf32, #tpu.memory_space<vmem>>, vector<16xf32>,
        %sub3A_850 = arith.subf %get3A_849, %get3A_11 : vector<16xf32>
        %mul3A_851 = arith.mulf %sub3A_850, %sub3A_850 : vector<16xf32>
        %add3A_852 = arith.addf %add3A_846, %mul3A_851 : vector<16xf32>
        %get3A_853 = arith.index_cast %add3A_823 : i32 to index
        %get3A_854 = arith.constant 80 : index
        %get3A_855 = tpu.vector_load %arg7[%get3A_853, %get3A_854] {strides = array<i32>} : memref<256x256xf32, #tpu.memory_space<vmem>>, vector<16xf32>,
        %sub3A_856 = arith.subf %get3A_855, %get3A_13 : vector<16xf32>
        %mul3A_857 = arith.mulf %sub3A_856, %sub3A_856 : vector<16xf32>
        %add3A_858 = arith.addf %add3A_852, %mul3A_857 : vector<16xf32>
        %get3A_859 = arith.index_cast %add3A_823 : i32 to index
        %get3A_860 = arith.constant 96 : index
        %get3A_861 = tpu.vector_load %arg7[%get3A_859, %get3A_860] {strides = array<i32>} : memref<256x256xf32, #tpu.memory_space<vmem>>, vector<16xf32>,
        %sub3A_862 = arith.subf %get3A_861, %get3A_15 : vector<16xf32>
        %mul3A_863 = arith.mulf %sub3A_862, %sub3A_862 : vector<16xf32>
        %add3A_864 = arith.addf %add3A_858, %mul3A_863 : vector<16xf32>
        %get3A_865 = arith.index_cast %add3A_823 : i32 to index
        %get3A_866 = arith.constant 112 : index
        %get3A_867 = tpu.vector_load %arg7[%get3A_865, %get3A_866] {strides = array<i32>} : memref<256x256xf32, #tpu.memory_space<vmem>>, vector<16xf32>,
        %sub3A_868 = arith.subf %get3A_867, %get3A_17 : vector<16xf32>
        %mul3A_869 = arith.mulf %sub3A_868, %sub3A_868 : vector<16xf32>
        %add3A_870 = arith.addf %add3A_864, %mul3A_869 : vector<16xf32>
        %get3A_871 = arith.index_cast %add3A_823 : i32 to index
        %get3A_872 = arith.constant 128 : index
        %get3A_873 = tpu.vector_load %arg7[%get3A_871, %get3A_872] {strides = array<i32>} : memref<256x256xf32, #tpu.memory_space<vmem>>, vector<16xf32>,
        %sub3A_874 = arith.subf %get3A_873, %get3A_19 : vector<16xf32>
        %mul3A_875 = arith.mulf %sub3A_874, %sub3A_874 : vector<16xf32>
        %add3A_876 = arith.addf %add3A_870, %mul3A_875 : vector<16xf32>
        %get3A_877 = arith.index_cast %add3A_823 : i32 to index
        %get3A_878 = arith.constant 144 : index
        %get3A_879 = tpu.vector_load %arg7[%get3A_877, %get3A_878] {strides = array<i32>} : memref<256x256xf32, #tpu.memory_space<vmem>>, vector<16xf32>,
        %sub3A_880 = arith.subf %get3A_879, %get3A_21 : vector<16xf32>
        %mul3A_881 = arith.mulf %sub3A_880, %sub3A_880 : vector<16xf32>
        %add3A_882 = arith.addf %add3A_876, %mul3A_881 : vector<16xf32>
        %get3A_883 = arith.index_cast %add3A_823 : i32 to index
        %get3A_884 = arith.constant 160 : index
        %get3A_885 = tpu.vector_load %arg7[%get3A_883, %get3A_884] {strides = array<i32>} : memref<256x256xf32, #tpu.memory_space<vmem>>, vector<16xf32>,
        %sub3A_886 = arith.subf %get3A_885, %get3A_23 : vector<16xf32>
        %mul3A_887 = arith.mulf %sub3A_886, %sub3A_886 : vector<16xf32>
        %add3A_888 = arith.addf %add3A_882, %mul3A_887 : vector<16xf32>
        %get3A_889 = arith.index_cast %add3A_823 : i32 to index
        %get3A_890 = arith.constant 176 : index
        %get3A_891 = tpu.vector_load %arg7[%get3A_889, %get3A_890] {strides = array<i32>} : memref<256x256xf32, #tpu.memory_space<vmem>>, vector<16xf32>,
        %sub3A_892 = arith.subf %get3A_891, %get3A_25 : vector<16xf32>
        %mul3A_893 = arith.mulf %sub3A_892, %sub3A_892 : vector<16xf32>
        %add3A_894 = arith.addf %add3A_888, %mul3A_893 : vector<16xf32>
        %get3A_895 = arith.index_cast %add3A_823 : i32 to index
        %get3A_896 = arith.constant 192 : index
        %get3A_897 = tpu.vector_load %arg7[%get3A_895, %get3A_896] {strides = array<i32>} : memref<256x256xf32, #tpu.memory_space<vmem>>, vector<16xf32>,
        %sub3A_898 = arith.subf %get3A_897, %get3A_27 : vector<16xf32>
        %mul3A_899 = arith.mulf %sub3A_898, %sub3A_898 : vector<16xf32>
        %add3A_900 = arith.addf %add3A_894, %mul3A_899 : vector<16xf32>
        %get3A_901 = arith.index_cast %add3A_823 : i32 to index
        %get3A_902 = arith.constant 208 : index
        %get3A_903 = tpu.vector_load %arg7[%get3A_901, %get3A_902] {strides = array<i32>} : memref<256x256xf32, #tpu.memory_space<vmem>>, vector<16xf32>,
        %sub3A_904 = arith.subf %get3A_903, %get3A_29 : vector<16xf32>
        %mul3A_905 = arith.mulf %sub3A_904, %sub3A_904 : vector<16xf32>
        %add3A_906 = arith.addf %add3A_900, %mul3A_905 : vector<16xf32>
        %get3A_907 = arith.index_cast %add3A_823 : i32 to index
        %get3A_908 = arith.constant 224 : index
        %get3A_909 = tpu.vector_load %arg7[%get3A_907, %get3A_908] {strides = array<i32>} : memref<256x256xf32, #tpu.memory_space<vmem>>, vector<16xf32>,
        %sub3A_910 = arith.subf %get3A_909, %get3A_31 : vector<16xf32>
        %mul3A_911 = arith.mulf %sub3A_910, %sub3A_910 : vector<16xf32>
        %add3A_912 = arith.addf %add3A_906, %mul3A_911 : vector<16xf32>
        %get3A_913 = arith.index_cast %add3A_823 : i32 to index
        %get3A_914 = arith.constant 240 : index
        %get3A_915 = tpu.vector_load %arg7[%get3A_913, %get3A_914] {strides = array<i32>} : memref<256x256xf32, #tpu.memory_space<vmem>>, vector<16xf32>,
        %sub3A_916 = arith.subf %get3A_915, %get3A_33 : vector<16xf32>
        %mul3A_917 = arith.mulf %sub3A_916, %sub3A_916 : vector<16xf32>
        %add3A_918 = arith.addf %add3A_912, %mul3A_917 : vector<16xf32>
        %mul3A_919 = arith.constant 128 : i32
        %mul3A_920 = arith.muli %scan3A_138, %mul3A_919 : i32
        %add3A_921 = arith.constant 0 : i32
        %add3A_922 = arith.addi %mul3A_920, %add3A_921 : i32
        %swap3A_923 = arith.index_cast %add3A_922 : i32 to index
        %swap3A_924 = tpu.vector_load %arg8[%swap3A_923] {strides = array<i32>} : memref<2048xf32, #tpu.memory_space<vmem>>, vector<16xf32>,
        tpu.vector_store %arg8[%swap3A_923], %add3A_239 {strides = array<i32>} : memref<2048xf32, #tpu.memory_space<vmem>>, vector<16xf32>,
        %add3A_925 = arith.constant 16 : i32
        %add3A_926 = arith.addi %mul3A_920, %add3A_925 : i32
        %swap3A_927 = arith.index_cast %add3A_926 : i32 to index
        %swap3A_928 = tpu.vector_load %arg8[%swap3A_927] {strides = array<i32>} : memref<2048xf32, #tpu.memory_space<vmem>>, vector<16xf32>,
        tpu.vector_store %arg8[%swap3A_927], %add3A_336 {strides = array<i32>} : memref<2048xf32, #tpu.memory_space<vmem>>, vector<16xf32>,
        %add3A_929 = arith.constant 32 : i32
        %add3A_930 = arith.addi %mul3A_920, %add3A_929 : i32
        %swap3A_931 = arith.index_cast %add3A_930 : i32 to index
        %swap3A_932 = tpu.vector_load %arg8[%swap3A_931] {strides = array<i32>} : memref<2048xf32, #tpu.memory_space<vmem>>, vector<16xf32>,
        tpu.vector_store %arg8[%swap3A_931], %add3A_433 {strides = array<i32>} : memref<2048xf32, #tpu.memory_space<vmem>>, vector<16xf32>,
        %add3A_933 = arith.constant 48 : i32
        %add3A_934 = arith.addi %mul3A_920, %add3A_933 : i32
        %swap3A_935 = arith.index_cast %add3A_934 : i32 to index
        %swap3A_936 = tpu.vector_load %arg8[%swap3A_935] {strides = array<i32>} : memref<2048xf32, #tpu.memory_space<vmem>>, vector<16xf32>,
        tpu.vector_store %arg8[%swap3A_935], %add3A_530 {strides = array<i32>} : memref<2048xf32, #tpu.memory_space<vmem>>, vector<16xf32>,
        %add3A_937 = arith.constant 64 : i32
        %add3A_938 = arith.addi %mul3A_920, %add3A_937 : i32
        %swap3A_939 = arith.index_cast %add3A_938 : i32 to index
        %swap3A_940 = tpu.vector_load %arg8[%swap3A_939] {strides = array<i32>} : memref<2048xf32, #tpu.memory_space<vmem>>, vector<16xf32>,
        tpu.vector_store %arg8[%swap3A_939], %add3A_627 {strides = array<i32>} : memref<2048xf32, #tpu.memory_space<vmem>>, vector<16xf32>,
        %add3A_941 = arith.constant 80 : i32
        %add3A_942 = arith.addi %mul3A_920, %add3A_941 : i32
        %swap3A_943 = arith.index_cast %add3A_942 : i32 to index
        %swap3A_944 = tpu.vector_load %arg8[%swap3A_943] {strides = array<i32>} : memref<2048xf32, #tpu.memory_space<vmem>>, vector<16xf32>,
        tpu.vector_store %arg8[%swap3A_943], %add3A_724 {strides = array<i32>} : memref<2048xf32, #tpu.memory_space<vmem>>, vector<16xf32>,
        %add3A_945 = arith.constant 96 : i32
        %add3A_946 = arith.addi %mul3A_920, %add3A_945 : i32
        %swap3A_947 = arith.index_cast %add3A_946 : i32 to index
        %swap3A_948 = tpu.vector_load %arg8[%swap3A_947] {strides = array<i32>} : memref<2048xf32, #tpu.memory_space<vmem>>, vector<16xf32>,
        tpu.vector_store %arg8[%swap3A_947], %add3A_821 {strides = array<i32>} : memref<2048xf32, #tpu.memory_space<vmem>>, vector<16xf32>,
        %add3A_949 = arith.constant 112 : i32
        %add3A_950 = arith.addi %mul3A_920, %add3A_949 : i32
        %swap3A_951 = arith.index_cast %add3A_950 : i32 to index
        %swap3A_952 = tpu.vector_load %arg8[%swap3A_951] {strides = array<i32>} : memref<2048xf32, #tpu.memory_space<vmem>>, vector<16xf32>,
        tpu.vector_store %arg8[%swap3A_951], %add3A_918 {strides = array<i32>} : memref<2048xf32, #tpu.memory_space<vmem>>, vector<16xf32>,
        %scan3A_953 = arith.constant 0 : i32
        scf.yield %scan3A_953 : i32
      }
      %scan3A_88 = arith.constant 16 : i32
      %mul3A_89 = arith.constant 128 : i32
      %mul3A_90 = arith.muli %add3A_65, %mul3A_89 : i32
      %add3A_91 = arith.addi %mul3A_2, %mul3A_90 : i32
      %scan3A_92 = arith.constant 0 : i32
      %scan3A_93 = arith.constant 8 : i32
      %scan3A_94 = arith.addi %scan3A_92, %scan3A_93 : i32
      %scan3A_95 = arith.constant 1 : i32
      %scan3A_96:2 = scf.for %scan3A_138 = %scan3A_92 to %scan3A_94 step %scan3A_95 iter_args(%scan3A_139 = %scan3A_60, %scan3A_140 = %scan3A_61) -> (vector<16xf32>, vector<16xi32>)  : i32 {
        %mul3A_141 = arith.constant 256 : i32
        %mul3A_142 = arith.muli %scan3A_138, %mul3A_141 : i32
        %add3A_143 = arith.constant 0 : i32
        %add3A_144 = arith.addi %mul3A_142, %add3A_143 : i32
        %add3A_145 = vector.broadcast %add3A_144 : i32 to vector<16xi32>
        %add3A_146 = arith.addi %mul3A_36, %add3A_145 : vector<16xi32>
        %gather3A = tpu.vector_load_idx %arg8[%add3A_146] : memref<2048xf32, #tpu.memory_space<vmem>>[vector<16xi32>], vector<16xf32>,
        %add3A_147 = arith.constant 1 : i32
        %add3A_148 = arith.addi %mul3A_142, %add3A_147 : i32
        %add3A_149 = vector.broadcast %add3A_148 : i32 to vector<16xi32>
        %add3A_150 = arith.addi %mul3A_36, %add3A_149 : vector<16xi32>
        %gather3A_151 = tpu.vector_load_idx %arg8[%add3A_150] : memref<2048xf32, #tpu.memory_space<vmem>>[vector<16xi32>], vector<16xf32>,
        %add3A_152 = arith.addf %gather3A, %gather3A_151 : vector<16xf32>
        %add3A_153 = arith.constant 2 : i32
        %add3A_154 = arith.addi %mul3A_142, %add3A_153 : i32
        %add3A_155 = vector.broadcast %add3A_154 : i32 to vector<16xi32>
        %add3A_156 = arith.addi %mul3A_36, %add3A_155 : vector<16xi32>
        %gather3A_157 = tpu.vector_load_idx %arg8[%add3A_156] : memref<2048xf32, #tpu.memory_space<vmem>>[vector<16xi32>], vector<16xf32>,
        %add3A_158 = arith.addf %add3A_152, %gather3A_157 : vector<16xf32>
        %add3A_159 = arith.constant 3 : i32
        %add3A_160 = arith.addi %mul3A_142, %add3A_159 : i32
        %add3A_161 = vector.broadcast %add3A_160 : i32 to vector<16xi32>
        %add3A_162 = arith.addi %mul3A_36, %add3A_161 : vector<16xi32>
        %gather3A_163 = tpu.vector_load_idx %arg8[%add3A_162] : memref<2048xf32, #tpu.memory_space<vmem>>[vector<16xi32>], vector<16xf32>,
        %add3A_164 = arith.addf %add3A_158, %gather3A_163 : vector<16xf32>
        %add3A_165 = arith.constant 4 : i32
        %add3A_166 = arith.addi %mul3A_142, %add3A_165 : i32
        %add3A_167 = vector.broadcast %add3A_166 : i32 to vector<16xi32>
        %add3A_168 = arith.addi %mul3A_36, %add3A_167 : vector<16xi32>
        %gather3A_169 = tpu.vector_load_idx %arg8[%add3A_168] : memref<2048xf32, #tpu.memory_space<vmem>>[vector<16xi32>], vector<16xf32>,
        %add3A_170 = arith.addf %add3A_164, %gather3A_169 : vector<16xf32>
        %add3A_171 = arith.constant 5 : i32
        %add3A_172 = arith.addi %mul3A_142, %add3A_171 : i32
        %add3A_173 = vector.broadcast %add3A_172 : i32 to vector<16xi32>
        %add3A_174 = arith.addi %mul3A_36, %add3A_173 : vector<16xi32>
        %gather3A_175 = tpu.vector_load_idx %arg8[%add3A_174] : memref<2048xf32, #tpu.memory_space<vmem>>[vector<16xi32>], vector<16xf32>,
        %add3A_176 = arith.addf %add3A_170, %gather3A_175 : vector<16xf32>
        %add3A_177 = arith.constant 6 : i32
        %add3A_178 = arith.addi %mul3A_142, %add3A_177 : i32
        %add3A_179 = vector.broadcast %add3A_178 : i32 to vector<16xi32>
        %add3A_180 = arith.addi %mul3A_36, %add3A_179 : vector<16xi32>
        %gather3A_181 = tpu.vector_load_idx %arg8[%add3A_180] : memref<2048xf32, #tpu.memory_space<vmem>>[vector<16xi32>], vector<16xf32>,
        %add3A_182 = arith.addf %add3A_176, %gather3A_181 : vector<16xf32>
        %add3A_183 = arith.constant 7 : i32
        %add3A_184 = arith.addi %mul3A_142, %add3A_183 : i32
        %add3A_185 = vector.broadcast %add3A_184 : i32 to vector<16xi32>
        %add3A_186 = arith.addi %mul3A_36, %add3A_185 : vector<16xi32>
        %gather3A_187 = tpu.vector_load_idx %arg8[%add3A_186] : memref<2048xf32, #tpu.memory_space<vmem>>[vector<16xi32>], vector<16xf32>,
        %add3A_188 = arith.addf %add3A_182, %gather3A_187 : vector<16xf32>
        %add3A_189 = arith.constant 8 : i32
        %add3A_190 = arith.addi %mul3A_142, %add3A_189 : i32
        %add3A_191 = vector.broadcast %add3A_190 : i32 to vector<16xi32>
        %add3A_192 = arith.addi %mul3A_36, %add3A_191 : vector<16xi32>
        %gather3A_193 = tpu.vector_load_idx %arg8[%add3A_192] : memref<2048xf32, #tpu.memory_space<vmem>>[vector<16xi32>], vector<16xf32>,
        %add3A_194 = arith.addf %add3A_188, %gather3A_193 : vector<16xf32>
        %add3A_195 = arith.constant 9 : i32
        %add3A_196 = arith.addi %mul3A_142, %add3A_195 : i32
        %add3A_197 = vector.broadcast %add3A_196 : i32 to vector<16xi32>
        %add3A_198 = arith.addi %mul3A_36, %add3A_197 : vector<16xi32>
        %gather3A_199 = tpu.vector_load_idx %arg8[%add3A_198] : memref<2048xf32, #tpu.memory_space<vmem>>[vector<16xi32>], vector<16xf32>,
        %add3A_200 = arith.addf %add3A_194, %gather3A_199 : vector<16xf32>
        %add3A_201 = arith.constant 10 : i32
        %add3A_202 = arith.addi %mul3A_142, %add3A_201 : i32
        %add3A_203 = vector.broadcast %add3A_202 : i32 to vector<16xi32>
        %add3A_204 = arith.addi %mul3A_36, %add3A_203 : vector<16xi32>
        %gather3A_205 = tpu.vector_load_idx %arg8[%add3A_204] : memref<2048xf32, #tpu.memory_space<vmem>>[vector<16xi32>], vector<16xf32>,
        %add3A_206 = arith.addf %add3A_200, %gather3A_205 : vector<16xf32>
        %add3A_207 = arith.constant 11 : i32
        %add3A_208 = arith.addi %mul3A_142, %add3A_207 : i32
        %add3A_209 = vector.broadcast %add3A_208 : i32 to vector<16xi32>
        %add3A_210 = arith.addi %mul3A_36, %add3A_209 : vector<16xi32>
        %gather3A_211 = tpu.vector_load_idx %arg8[%add3A_210] : memref<2048xf32, #tpu.memory_space<vmem>>[vector<16xi32>], vector<16xf32>,
        %add3A_212 = arith.addf %add3A_206, %gather3A_211 : vector<16xf32>
        %add3A_213 = arith.constant 12 : i32
        %add3A_214 = arith.addi %mul3A_142, %add3A_213 : i32
        %add3A_215 = vector.broadcast %add3A_214 : i32 to vector<16xi32>
        %add3A_216 = arith.addi %mul3A_36, %add3A_215 : vector<16xi32>
        %gather3A_217 = tpu.vector_load_idx %arg8[%add3A_216] : memref<2048xf32, #tpu.memory_space<vmem>>[vector<16xi32>], vector<16xf32>,
        %add3A_218 = arith.addf %add3A_212, %gather3A_217 : vector<16xf32>
        %add3A_219 = arith.constant 13 : i32
        %add3A_220 = arith.addi %mul3A_142, %add3A_219 : i32
        %add3A_221 = vector.broadcast %add3A_220 : i32 to vector<16xi32>
        %add3A_222 = arith.addi %mul3A_36, %add3A_221 : vector<16xi32>
        %gather3A_223 = tpu.vector_load_idx %arg8[%add3A_222] : memref<2048xf32, #tpu.memory_space<vmem>>[vector<16xi32>], vector<16xf32>,
        %add3A_224 = arith.addf %add3A_218, %gather3A_223 : vector<16xf32>
        %add3A_225 = arith.constant 14 : i32
        %add3A_226 = arith.addi %mul3A_142, %add3A_225 : i32
        %add3A_227 = vector.broadcast %add3A_226 : i32 to vector<16xi32>
        %add3A_228 = arith.addi %mul3A_36, %add3A_227 : vector<16xi32>
        %gather3A_229 = tpu.vector_load_idx %arg8[%add3A_228] : memref<2048xf32, #tpu.memory_space<vmem>>[vector<16xi32>], vector<16xf32>,
        %add3A_230 = arith.addf %add3A_224, %gather3A_229 : vector<16xf32>
        %add3A_231 = arith.constant 15 : i32
        %add3A_232 = arith.addi %mul3A_142, %add3A_231 : i32
        %add3A_233 = vector.broadcast %add3A_232 : i32 to vector<16xi32>
        %add3A_234 = arith.addi %mul3A_36, %add3A_233 : vector<16xi32>
        %gather3A_235 = tpu.vector_load_idx %arg8[%add3A_234] : memref<2048xf32, #tpu.memory_space<vmem>>[vector<16xi32>], vector<16xf32>,
        %add3A_236 = arith.addf %add3A_230, %gather3A_235 : vector<16xf32>
        %mul3A_237 = arith.constant 16 : i32
        %mul3A_238 = arith.muli %scan3A_138, %mul3A_237 : i32
        %add3A_239 = arith.addi %add3A_91, %mul3A_238 : i32
        %add3A_240 = vector.broadcast %add3A_239 : i32 to vector<16xi32>
        %add3A_241 = arith.addi %iota3A, %add3A_240 : vector<16xi32>
        %lt3A_242 = arith.cmpf olt, %add3A_236, %scan3A_139 : vector<16xf32>
        %select_n3A = arith.select %lt3A_242, %add3A_236, %scan3A_139 : vector<16xi1>, vector<16xf32>
        %select_n3A_243 = arith.select %lt3A_242, %add3A_241, %scan3A_140 : vector<16xi1>, vector<16xi32>
        scf.yield %select_n3A, %select_n3A_243 : vector<16xf32>, vector<16xi32>
      }
      %scan3A_97 = arith.constant 8 : i32
      %mul3A_98 = arith.constant 2 : i32
      %mul3A_99 = arith.muli %scan3A_59, %mul3A_98 : i32
      %add3A_100 = arith.constant 1 : i32
      %add3A_101 = arith.addi %mul3A_99, %add3A_100 : i32
      %mul3A_102 = arith.constant 128 : i32
      %mul3A_103 = arith.muli %add3A_101, %mul3A_102 : i32
      %add3A_104 = arith.addi %mul3A_2, %mul3A_103 : i32
      %dma_wait3A_105 = arith.constant 128 : i32
      %dma_wait3A_106 = arith.constant 0 : i32
      %dma_wait3A_107 = tpu.memref_slice %arg7[%dma_wait3A_105, %dma_wait3A_106] : memref<256x256xf32, #tpu.memory_space<vmem>> -> memref<128x256xf32, #tpu.memory_space<vmem>>
      %dma_wait3A_108 = arith.constant 0 : i32
      %dma_wait3A_109 = tpu.memref_slice %arg3[%add3A_104, %dma_wait3A_108] : memref<65536x256xf32, #tpu.memory_space<hbm>> -> memref<128x256xf32, #tpu.memory_space<hbm>>
      %dma_wait3A_110 = arith.constant 128 : i32
      %dma_wait3A_111 = arith.constant 0 : i32
      %dma_wait3A_112 = tpu.memref_slice %arg7[%dma_wait3A_110, %dma_wait3A_111] : memref<256x256xf32, #tpu.memory_space<vmem>> -> memref<128x256xf32, #tpu.memory_space<vmem>>
      %dma_wait3A_113 = arith.constant 0 : i32
      %dma_wait3A_114 = tpu.memref_slice %arg3[%add3A_104, %dma_wait3A_113] : memref<65536x256xf32, #tpu.memory_space<hbm>> -> memref<128x256xf32, #tpu.memory_space<hbm>>
      tpu.wait_dma2 semaphore(%arg12 : memref<!tpu.dma_semaphore, #tpu.memory_space<semaphore_mem>>) src(%dma_wait3A_114 : memref<128x256xf32, #tpu.memory_space<hbm>>) dst(%dma_wait3A_112 : memref<128x256xf32, #tpu.memory_space<vmem>>)
      %add3A_115 = arith.constant 1 : i32
      %add3A_116 = arith.addi %add3A_101, %add3A_115 : i32
      %lt3A_117 = arith.constant 4 : i32
      %lt3A_118 = arith.cmpi slt, %add3A_116, %lt3A_117 : i32
      %convert_element_type3A_119 = arith.extui %lt3A_118 : i1 to i32
      %cond3A_120 = arith.constant 0 : i32
      %cond3A_121 = arith.cmpi ne, %convert_element_type3A_119, %cond3A_120 : i32
      scf.if %cond3A_121 {
        %add3A_138 = arith.constant 1 : i32
        %add3A_139 = arith.addi %add3A_101, %add3A_138 : i32
        %mul3A_140 = arith.constant 128 : i32
        %mul3A_141 = arith.muli %add3A_139, %mul3A_140 : i32
        %add3A_142 = arith.addi %mul3A_2, %mul3A_141 : i32
        %dma_start3A_143 = arith.constant 0 : i32
        %dma_start3A_144 = arith.constant 0 : i32
        %dma_start3A_145 = tpu.memref_slice %arg7[%dma_start3A_143, %dma_start3A_144] : memref<256x256xf32, #tpu.memory_space<vmem>> -> memref<128x256xf32, #tpu.memory_space<vmem>>
        %dma_start3A_146 = arith.constant 0 : i32
        %dma_start3A_147 = tpu.memref_slice %arg3[%add3A_142, %dma_start3A_146] : memref<65536x256xf32, #tpu.memory_space<hbm>> -> memref<128x256xf32, #tpu.memory_space<hbm>>
        %dma_start3A_148 = arith.constant 0 : i32
        %dma_start3A_149 = arith.constant 0 : i32
        %dma_start3A_150 = tpu.memref_slice %arg7[%dma_start3A_148, %dma_start3A_149] : memref<256x256xf32, #tpu.memory_space<vmem>> -> memref<128x256xf32, #tpu.memory_space<vmem>>
        %dma_start3A_151 = arith.constant 0 : i32
        %dma_start3A_152 = tpu.memref_slice %arg3[%add3A_142, %dma_start3A_151] : memref<65536x256xf32, #tpu.memory_space<hbm>> -> memref<128x256xf32, #tpu.memory_space<hbm>>
        tpu.enqueue_dma source(%dma_start3A_152 : memref<128x256xf32, #tpu.memory_space<hbm>>) target(%dma_start3A_150 : memref<128x256xf32, #tpu.memory_space<vmem>>) target_semaphore(%arg11 : memref<!tpu.dma_semaphore, #tpu.memory_space<semaphore_mem>>)
      } else {
      }
      %scan3A_122 = arith.constant 0 : i32
      %scan3A_123 = arith.constant 0 : i32
      %scan3A_124 = arith.constant 16 : i32
      %scan3A_125 = arith.addi %scan3A_123, %scan3A_124 : i32
      %scan3A_126 = arith.constant 1 : i32
      %scan3A_127 = scf.for %scan3A_138 = %scan3A_123 to %scan3A_125 step %scan3A_126 iter_args(%scan3A_139 = %scan3A_122) -> (i32)  : i32 {
        %mul3A_140 = arith.constant 8 : i32
        %mul3A_141 = arith.muli %scan3A_138, %mul3A_140 : i32
        %add3A_142 = arith.constant 128 : i32
        %add3A_143 = arith.addi %add3A_142, %mul3A_141 : i32
        %add3A_144 = arith.constant 0 : i32
        %add3A_145 = arith.addi %add3A_143, %add3A_144 : i32
        %get3A_146 = arith.index_cast %add3A_145 : i32 to index
        %get3A_147 = arith.constant 0 : index
        %get3A_148 = tpu.vector_load %arg7[%get3A_146, %get3A_147] {strides = array<i32>} : memref<256x256xf32, #tpu.memory_space<vmem>>, vector<16xf32>,
        %sub3A = arith.subf %get3A_148, %get3A_3 : vector<16xf32>
        %mul3A_149 = arith.mulf %sub3A, %sub3A : vector<16xf32>
        %get3A_150 = arith.index_cast %add3A_145 : i32 to index
        %get3A_151 = arith.constant 16 : index
        %get3A_152 = tpu.vector_load %arg7[%get3A_150, %get3A_151] {strides = array<i32>} : memref<256x256xf32, #tpu.memory_space<vmem>>, vector<16xf32>,
        %sub3A_153 = arith.subf %get3A_152, %get3A_5 : vector<16xf32>
        %mul3A_154 = arith.mulf %sub3A_153, %sub3A_153 : vector<16xf32>
        %add3A_155 = arith.addf %mul3A_149, %mul3A_154 : vector<16xf32>
        %get3A_156 = arith.index_cast %add3A_145 : i32 to index
        %get3A_157 = arith.constant 32 : index
        %get3A_158 = tpu.vector_load %arg7[%get3A_156, %get3A_157] {strides = array<i32>} : memref<256x256xf32, #tpu.memory_space<vmem>>, vector<16xf32>,
        %sub3A_159 = arith.subf %get3A_158, %get3A_7 : vector<16xf32>
        %mul3A_160 = arith.mulf %sub3A_159, %sub3A_159 : vector<16xf32>
        %add3A_161 = arith.addf %add3A_155, %mul3A_160 : vector<16xf32>
        %get3A_162 = arith.index_cast %add3A_145 : i32 to index
        %get3A_163 = arith.constant 48 : index
        %get3A_164 = tpu.vector_load %arg7[%get3A_162, %get3A_163] {strides = array<i32>} : memref<256x256xf32, #tpu.memory_space<vmem>>, vector<16xf32>,
        %sub3A_165 = arith.subf %get3A_164, %get3A_9 : vector<16xf32>
        %mul3A_166 = arith.mulf %sub3A_165, %sub3A_165 : vector<16xf32>
        %add3A_167 = arith.addf %add3A_161, %mul3A_166 : vector<16xf32>
        %get3A_168 = arith.index_cast %add3A_145 : i32 to index
        %get3A_169 = arith.constant 64 : index
        %get3A_170 = tpu.vector_load %arg7[%get3A_168, %get3A_169] {strides = array<i32>} : memref<256x256xf32, #tpu.memory_space<vmem>>, vector<16xf32>,
        %sub3A_171 = arith.subf %get3A_170, %get3A_11 : vector<16xf32>
        %mul3A_172 = arith.mulf %sub3A_171, %sub3A_171 : vector<16xf32>
        %add3A_173 = arith.addf %add3A_167, %mul3A_172 : vector<16xf32>
        %get3A_174 = arith.index_cast %add3A_145 : i32 to index
        %get3A_175 = arith.constant 80 : index
        %get3A_176 = tpu.vector_load %arg7[%get3A_174, %get3A_175] {strides = array<i32>} : memref<256x256xf32, #tpu.memory_space<vmem>>, vector<16xf32>,
        %sub3A_177 = arith.subf %get3A_176, %get3A_13 : vector<16xf32>
        %mul3A_178 = arith.mulf %sub3A_177, %sub3A_177 : vector<16xf32>
        %add3A_179 = arith.addf %add3A_173, %mul3A_178 : vector<16xf32>
        %get3A_180 = arith.index_cast %add3A_145 : i32 to index
        %get3A_181 = arith.constant 96 : index
        %get3A_182 = tpu.vector_load %arg7[%get3A_180, %get3A_181] {strides = array<i32>} : memref<256x256xf32, #tpu.memory_space<vmem>>, vector<16xf32>,
        %sub3A_183 = arith.subf %get3A_182, %get3A_15 : vector<16xf32>
        %mul3A_184 = arith.mulf %sub3A_183, %sub3A_183 : vector<16xf32>
        %add3A_185 = arith.addf %add3A_179, %mul3A_184 : vector<16xf32>
        %get3A_186 = arith.index_cast %add3A_145 : i32 to index
        %get3A_187 = arith.constant 112 : index
        %get3A_188 = tpu.vector_load %arg7[%get3A_186, %get3A_187] {strides = array<i32>} : memref<256x256xf32, #tpu.memory_space<vmem>>, vector<16xf32>,
        %sub3A_189 = arith.subf %get3A_188, %get3A_17 : vector<16xf32>
        %mul3A_190 = arith.mulf %sub3A_189, %sub3A_189 : vector<16xf32>
        %add3A_191 = arith.addf %add3A_185, %mul3A_190 : vector<16xf32>
        %get3A_192 = arith.index_cast %add3A_145 : i32 to index
        %get3A_193 = arith.constant 128 : index
        %get3A_194 = tpu.vector_load %arg7[%get3A_192, %get3A_193] {strides = array<i32>} : memref<256x256xf32, #tpu.memory_space<vmem>>, vector<16xf32>,
        %sub3A_195 = arith.subf %get3A_194, %get3A_19 : vector<16xf32>
        %mul3A_196 = arith.mulf %sub3A_195, %sub3A_195 : vector<16xf32>
        %add3A_197 = arith.addf %add3A_191, %mul3A_196 : vector<16xf32>
        %get3A_198 = arith.index_cast %add3A_145 : i32 to index
        %get3A_199 = arith.constant 144 : index
        %get3A_200 = tpu.vector_load %arg7[%get3A_198, %get3A_199] {strides = array<i32>} : memref<256x256xf32, #tpu.memory_space<vmem>>, vector<16xf32>,
        %sub3A_201 = arith.subf %get3A_200, %get3A_21 : vector<16xf32>
        %mul3A_202 = arith.mulf %sub3A_201, %sub3A_201 : vector<16xf32>
        %add3A_203 = arith.addf %add3A_197, %mul3A_202 : vector<16xf32>
        %get3A_204 = arith.index_cast %add3A_145 : i32 to index
        %get3A_205 = arith.constant 160 : index
        %get3A_206 = tpu.vector_load %arg7[%get3A_204, %get3A_205] {strides = array<i32>} : memref<256x256xf32, #tpu.memory_space<vmem>>, vector<16xf32>,
        %sub3A_207 = arith.subf %get3A_206, %get3A_23 : vector<16xf32>
        %mul3A_208 = arith.mulf %sub3A_207, %sub3A_207 : vector<16xf32>
        %add3A_209 = arith.addf %add3A_203, %mul3A_208 : vector<16xf32>
        %get3A_210 = arith.index_cast %add3A_145 : i32 to index
        %get3A_211 = arith.constant 176 : index
        %get3A_212 = tpu.vector_load %arg7[%get3A_210, %get3A_211] {strides = array<i32>} : memref<256x256xf32, #tpu.memory_space<vmem>>, vector<16xf32>,
        %sub3A_213 = arith.subf %get3A_212, %get3A_25 : vector<16xf32>
        %mul3A_214 = arith.mulf %sub3A_213, %sub3A_213 : vector<16xf32>
        %add3A_215 = arith.addf %add3A_209, %mul3A_214 : vector<16xf32>
        %get3A_216 = arith.index_cast %add3A_145 : i32 to index
        %get3A_217 = arith.constant 192 : index
        %get3A_218 = tpu.vector_load %arg7[%get3A_216, %get3A_217] {strides = array<i32>} : memref<256x256xf32, #tpu.memory_space<vmem>>, vector<16xf32>,
        %sub3A_219 = arith.subf %get3A_218, %get3A_27 : vector<16xf32>
        %mul3A_220 = arith.mulf %sub3A_219, %sub3A_219 : vector<16xf32>
        %add3A_221 = arith.addf %add3A_215, %mul3A_220 : vector<16xf32>
        %get3A_222 = arith.index_cast %add3A_145 : i32 to index
        %get3A_223 = arith.constant 208 : index
        %get3A_224 = tpu.vector_load %arg7[%get3A_222, %get3A_223] {strides = array<i32>} : memref<256x256xf32, #tpu.memory_space<vmem>>, vector<16xf32>,
        %sub3A_225 = arith.subf %get3A_224, %get3A_29 : vector<16xf32>
        %mul3A_226 = arith.mulf %sub3A_225, %sub3A_225 : vector<16xf32>
        %add3A_227 = arith.addf %add3A_221, %mul3A_226 : vector<16xf32>
        %get3A_228 = arith.index_cast %add3A_145 : i32 to index
        %get3A_229 = arith.constant 224 : index
        %get3A_230 = tpu.vector_load %arg7[%get3A_228, %get3A_229] {strides = array<i32>} : memref<256x256xf32, #tpu.memory_space<vmem>>, vector<16xf32>,
        %sub3A_231 = arith.subf %get3A_230, %get3A_31 : vector<16xf32>
        %mul3A_232 = arith.mulf %sub3A_231, %sub3A_231 : vector<16xf32>
        %add3A_233 = arith.addf %add3A_227, %mul3A_232 : vector<16xf32>
        %get3A_234 = arith.index_cast %add3A_145 : i32 to index
        %get3A_235 = arith.constant 240 : index
        %get3A_236 = tpu.vector_load %arg7[%get3A_234, %get3A_235] {strides = array<i32>} : memref<256x256xf32, #tpu.memory_space<vmem>>, vector<16xf32>,
        %sub3A_237 = arith.subf %get3A_236, %get3A_33 : vector<16xf32>
        %mul3A_238 = arith.mulf %sub3A_237, %sub3A_237 : vector<16xf32>
        %add3A_239 = arith.addf %add3A_233, %mul3A_238 : vector<16xf32>
        %add3A_240 = arith.constant 1 : i32
        %add3A_241 = arith.addi %add3A_143, %add3A_240 : i32
        %get3A_242 = arith.index_cast %add3A_241 : i32 to index
        %get3A_243 = arith.constant 0 : index
        %get3A_244 = tpu.vector_load %arg7[%get3A_242, %get3A_243] {strides = array<i32>} : memref<256x256xf32, #tpu.memory_space<vmem>>, vector<16xf32>,
        %sub3A_245 = arith.subf %get3A_244, %get3A_3 : vector<16xf32>
        %mul3A_246 = arith.mulf %sub3A_245, %sub3A_245 : vector<16xf32>
        %get3A_247 = arith.index_cast %add3A_241 : i32 to index
        %get3A_248 = arith.constant 16 : index
        %get3A_249 = tpu.vector_load %arg7[%get3A_247, %get3A_248] {strides = array<i32>} : memref<256x256xf32, #tpu.memory_space<vmem>>, vector<16xf32>,
        %sub3A_250 = arith.subf %get3A_249, %get3A_5 : vector<16xf32>
        %mul3A_251 = arith.mulf %sub3A_250, %sub3A_250 : vector<16xf32>
        %add3A_252 = arith.addf %mul3A_246, %mul3A_251 : vector<16xf32>
        %get3A_253 = arith.index_cast %add3A_241 : i32 to index
        %get3A_254 = arith.constant 32 : index
        %get3A_255 = tpu.vector_load %arg7[%get3A_253, %get3A_254] {strides = array<i32>} : memref<256x256xf32, #tpu.memory_space<vmem>>, vector<16xf32>,
        %sub3A_256 = arith.subf %get3A_255, %get3A_7 : vector<16xf32>
        %mul3A_257 = arith.mulf %sub3A_256, %sub3A_256 : vector<16xf32>
        %add3A_258 = arith.addf %add3A_252, %mul3A_257 : vector<16xf32>
        %get3A_259 = arith.index_cast %add3A_241 : i32 to index
        %get3A_260 = arith.constant 48 : index
        %get3A_261 = tpu.vector_load %arg7[%get3A_259, %get3A_260] {strides = array<i32>} : memref<256x256xf32, #tpu.memory_space<vmem>>, vector<16xf32>,
        %sub3A_262 = arith.subf %get3A_261, %get3A_9 : vector<16xf32>
        %mul3A_263 = arith.mulf %sub3A_262, %sub3A_262 : vector<16xf32>
        %add3A_264 = arith.addf %add3A_258, %mul3A_263 : vector<16xf32>
        %get3A_265 = arith.index_cast %add3A_241 : i32 to index
        %get3A_266 = arith.constant 64 : index
        %get3A_267 = tpu.vector_load %arg7[%get3A_265, %get3A_266] {strides = array<i32>} : memref<256x256xf32, #tpu.memory_space<vmem>>, vector<16xf32>,
        %sub3A_268 = arith.subf %get3A_267, %get3A_11 : vector<16xf32>
        %mul3A_269 = arith.mulf %sub3A_268, %sub3A_268 : vector<16xf32>
        %add3A_270 = arith.addf %add3A_264, %mul3A_269 : vector<16xf32>
        %get3A_271 = arith.index_cast %add3A_241 : i32 to index
        %get3A_272 = arith.constant 80 : index
        %get3A_273 = tpu.vector_load %arg7[%get3A_271, %get3A_272] {strides = array<i32>} : memref<256x256xf32, #tpu.memory_space<vmem>>, vector<16xf32>,
        %sub3A_274 = arith.subf %get3A_273, %get3A_13 : vector<16xf32>
        %mul3A_275 = arith.mulf %sub3A_274, %sub3A_274 : vector<16xf32>
        %add3A_276 = arith.addf %add3A_270, %mul3A_275 : vector<16xf32>
        %get3A_277 = arith.index_cast %add3A_241 : i32 to index
        %get3A_278 = arith.constant 96 : index
        %get3A_279 = tpu.vector_load %arg7[%get3A_277, %get3A_278] {strides = array<i32>} : memref<256x256xf32, #tpu.memory_space<vmem>>, vector<16xf32>,
        %sub3A_280 = arith.subf %get3A_279, %get3A_15 : vector<16xf32>
        %mul3A_281 = arith.mulf %sub3A_280, %sub3A_280 : vector<16xf32>
        %add3A_282 = arith.addf %add3A_276, %mul3A_281 : vector<16xf32>
        %get3A_283 = arith.index_cast %add3A_241 : i32 to index
        %get3A_284 = arith.constant 112 : index
        %get3A_285 = tpu.vector_load %arg7[%get3A_283, %get3A_284] {strides = array<i32>} : memref<256x256xf32, #tpu.memory_space<vmem>>, vector<16xf32>,
        %sub3A_286 = arith.subf %get3A_285, %get3A_17 : vector<16xf32>
        %mul3A_287 = arith.mulf %sub3A_286, %sub3A_286 : vector<16xf32>
        %add3A_288 = arith.addf %add3A_282, %mul3A_287 : vector<16xf32>
        %get3A_289 = arith.index_cast %add3A_241 : i32 to index
        %get3A_290 = arith.constant 128 : index
        %get3A_291 = tpu.vector_load %arg7[%get3A_289, %get3A_290] {strides = array<i32>} : memref<256x256xf32, #tpu.memory_space<vmem>>, vector<16xf32>,
        %sub3A_292 = arith.subf %get3A_291, %get3A_19 : vector<16xf32>
        %mul3A_293 = arith.mulf %sub3A_292, %sub3A_292 : vector<16xf32>
        %add3A_294 = arith.addf %add3A_288, %mul3A_293 : vector<16xf32>
        %get3A_295 = arith.index_cast %add3A_241 : i32 to index
        %get3A_296 = arith.constant 144 : index
        %get3A_297 = tpu.vector_load %arg7[%get3A_295, %get3A_296] {strides = array<i32>} : memref<256x256xf32, #tpu.memory_space<vmem>>, vector<16xf32>,
        %sub3A_298 = arith.subf %get3A_297, %get3A_21 : vector<16xf32>
        %mul3A_299 = arith.mulf %sub3A_298, %sub3A_298 : vector<16xf32>
        %add3A_300 = arith.addf %add3A_294, %mul3A_299 : vector<16xf32>
        %get3A_301 = arith.index_cast %add3A_241 : i32 to index
        %get3A_302 = arith.constant 160 : index
        %get3A_303 = tpu.vector_load %arg7[%get3A_301, %get3A_302] {strides = array<i32>} : memref<256x256xf32, #tpu.memory_space<vmem>>, vector<16xf32>,
        %sub3A_304 = arith.subf %get3A_303, %get3A_23 : vector<16xf32>
        %mul3A_305 = arith.mulf %sub3A_304, %sub3A_304 : vector<16xf32>
        %add3A_306 = arith.addf %add3A_300, %mul3A_305 : vector<16xf32>
        %get3A_307 = arith.index_cast %add3A_241 : i32 to index
        %get3A_308 = arith.constant 176 : index
        %get3A_309 = tpu.vector_load %arg7[%get3A_307, %get3A_308] {strides = array<i32>} : memref<256x256xf32, #tpu.memory_space<vmem>>, vector<16xf32>,
        %sub3A_310 = arith.subf %get3A_309, %get3A_25 : vector<16xf32>
        %mul3A_311 = arith.mulf %sub3A_310, %sub3A_310 : vector<16xf32>
        %add3A_312 = arith.addf %add3A_306, %mul3A_311 : vector<16xf32>
        %get3A_313 = arith.index_cast %add3A_241 : i32 to index
        %get3A_314 = arith.constant 192 : index
        %get3A_315 = tpu.vector_load %arg7[%get3A_313, %get3A_314] {strides = array<i32>} : memref<256x256xf32, #tpu.memory_space<vmem>>, vector<16xf32>,
        %sub3A_316 = arith.subf %get3A_315, %get3A_27 : vector<16xf32>
        %mul3A_317 = arith.mulf %sub3A_316, %sub3A_316 : vector<16xf32>
        %add3A_318 = arith.addf %add3A_312, %mul3A_317 : vector<16xf32>
        %get3A_319 = arith.index_cast %add3A_241 : i32 to index
        %get3A_320 = arith.constant 208 : index
        %get3A_321 = tpu.vector_load %arg7[%get3A_319, %get3A_320] {strides = array<i32>} : memref<256x256xf32, #tpu.memory_space<vmem>>, vector<16xf32>,
        %sub3A_322 = arith.subf %get3A_321, %get3A_29 : vector<16xf32>
        %mul3A_323 = arith.mulf %sub3A_322, %sub3A_322 : vector<16xf32>
        %add3A_324 = arith.addf %add3A_318, %mul3A_323 : vector<16xf32>
        %get3A_325 = arith.index_cast %add3A_241 : i32 to index
        %get3A_326 = arith.constant 224 : index
        %get3A_327 = tpu.vector_load %arg7[%get3A_325, %get3A_326] {strides = array<i32>} : memref<256x256xf32, #tpu.memory_space<vmem>>, vector<16xf32>,
        %sub3A_328 = arith.subf %get3A_327, %get3A_31 : vector<16xf32>
        %mul3A_329 = arith.mulf %sub3A_328, %sub3A_328 : vector<16xf32>
        %add3A_330 = arith.addf %add3A_324, %mul3A_329 : vector<16xf32>
        %get3A_331 = arith.index_cast %add3A_241 : i32 to index
        %get3A_332 = arith.constant 240 : index
        %get3A_333 = tpu.vector_load %arg7[%get3A_331, %get3A_332] {strides = array<i32>} : memref<256x256xf32, #tpu.memory_space<vmem>>, vector<16xf32>,
        %sub3A_334 = arith.subf %get3A_333, %get3A_33 : vector<16xf32>
        %mul3A_335 = arith.mulf %sub3A_334, %sub3A_334 : vector<16xf32>
        %add3A_336 = arith.addf %add3A_330, %mul3A_335 : vector<16xf32>
        %add3A_337 = arith.constant 2 : i32
        %add3A_338 = arith.addi %add3A_143, %add3A_337 : i32
        %get3A_339 = arith.index_cast %add3A_338 : i32 to index
        %get3A_340 = arith.constant 0 : index
        %get3A_341 = tpu.vector_load %arg7[%get3A_339, %get3A_340] {strides = array<i32>} : memref<256x256xf32, #tpu.memory_space<vmem>>, vector<16xf32>,
        %sub3A_342 = arith.subf %get3A_341, %get3A_3 : vector<16xf32>
        %mul3A_343 = arith.mulf %sub3A_342, %sub3A_342 : vector<16xf32>
        %get3A_344 = arith.index_cast %add3A_338 : i32 to index
        %get3A_345 = arith.constant 16 : index
        %get3A_346 = tpu.vector_load %arg7[%get3A_344, %get3A_345] {strides = array<i32>} : memref<256x256xf32, #tpu.memory_space<vmem>>, vector<16xf32>,
        %sub3A_347 = arith.subf %get3A_346, %get3A_5 : vector<16xf32>
        %mul3A_348 = arith.mulf %sub3A_347, %sub3A_347 : vector<16xf32>
        %add3A_349 = arith.addf %mul3A_343, %mul3A_348 : vector<16xf32>
        %get3A_350 = arith.index_cast %add3A_338 : i32 to index
        %get3A_351 = arith.constant 32 : index
        %get3A_352 = tpu.vector_load %arg7[%get3A_350, %get3A_351] {strides = array<i32>} : memref<256x256xf32, #tpu.memory_space<vmem>>, vector<16xf32>,
        %sub3A_353 = arith.subf %get3A_352, %get3A_7 : vector<16xf32>
        %mul3A_354 = arith.mulf %sub3A_353, %sub3A_353 : vector<16xf32>
        %add3A_355 = arith.addf %add3A_349, %mul3A_354 : vector<16xf32>
        %get3A_356 = arith.index_cast %add3A_338 : i32 to index
        %get3A_357 = arith.constant 48 : index
        %get3A_358 = tpu.vector_load %arg7[%get3A_356, %get3A_357] {strides = array<i32>} : memref<256x256xf32, #tpu.memory_space<vmem>>, vector<16xf32>,
        %sub3A_359 = arith.subf %get3A_358, %get3A_9 : vector<16xf32>
        %mul3A_360 = arith.mulf %sub3A_359, %sub3A_359 : vector<16xf32>
        %add3A_361 = arith.addf %add3A_355, %mul3A_360 : vector<16xf32>
        %get3A_362 = arith.index_cast %add3A_338 : i32 to index
        %get3A_363 = arith.constant 64 : index
        %get3A_364 = tpu.vector_load %arg7[%get3A_362, %get3A_363] {strides = array<i32>} : memref<256x256xf32, #tpu.memory_space<vmem>>, vector<16xf32>,
        %sub3A_365 = arith.subf %get3A_364, %get3A_11 : vector<16xf32>
        %mul3A_366 = arith.mulf %sub3A_365, %sub3A_365 : vector<16xf32>
        %add3A_367 = arith.addf %add3A_361, %mul3A_366 : vector<16xf32>
        %get3A_368 = arith.index_cast %add3A_338 : i32 to index
        %get3A_369 = arith.constant 80 : index
        %get3A_370 = tpu.vector_load %arg7[%get3A_368, %get3A_369] {strides = array<i32>} : memref<256x256xf32, #tpu.memory_space<vmem>>, vector<16xf32>,
        %sub3A_371 = arith.subf %get3A_370, %get3A_13 : vector<16xf32>
        %mul3A_372 = arith.mulf %sub3A_371, %sub3A_371 : vector<16xf32>
        %add3A_373 = arith.addf %add3A_367, %mul3A_372 : vector<16xf32>
        %get3A_374 = arith.index_cast %add3A_338 : i32 to index
        %get3A_375 = arith.constant 96 : index
        %get3A_376 = tpu.vector_load %arg7[%get3A_374, %get3A_375] {strides = array<i32>} : memref<256x256xf32, #tpu.memory_space<vmem>>, vector<16xf32>,
        %sub3A_377 = arith.subf %get3A_376, %get3A_15 : vector<16xf32>
        %mul3A_378 = arith.mulf %sub3A_377, %sub3A_377 : vector<16xf32>
        %add3A_379 = arith.addf %add3A_373, %mul3A_378 : vector<16xf32>
        %get3A_380 = arith.index_cast %add3A_338 : i32 to index
        %get3A_381 = arith.constant 112 : index
        %get3A_382 = tpu.vector_load %arg7[%get3A_380, %get3A_381] {strides = array<i32>} : memref<256x256xf32, #tpu.memory_space<vmem>>, vector<16xf32>,
        %sub3A_383 = arith.subf %get3A_382, %get3A_17 : vector<16xf32>
        %mul3A_384 = arith.mulf %sub3A_383, %sub3A_383 : vector<16xf32>
        %add3A_385 = arith.addf %add3A_379, %mul3A_384 : vector<16xf32>
        %get3A_386 = arith.index_cast %add3A_338 : i32 to index
        %get3A_387 = arith.constant 128 : index
        %get3A_388 = tpu.vector_load %arg7[%get3A_386, %get3A_387] {strides = array<i32>} : memref<256x256xf32, #tpu.memory_space<vmem>>, vector<16xf32>,
        %sub3A_389 = arith.subf %get3A_388, %get3A_19 : vector<16xf32>
        %mul3A_390 = arith.mulf %sub3A_389, %sub3A_389 : vector<16xf32>
        %add3A_391 = arith.addf %add3A_385, %mul3A_390 : vector<16xf32>
        %get3A_392 = arith.index_cast %add3A_338 : i32 to index
        %get3A_393 = arith.constant 144 : index
        %get3A_394 = tpu.vector_load %arg7[%get3A_392, %get3A_393] {strides = array<i32>} : memref<256x256xf32, #tpu.memory_space<vmem>>, vector<16xf32>,
        %sub3A_395 = arith.subf %get3A_394, %get3A_21 : vector<16xf32>
        %mul3A_396 = arith.mulf %sub3A_395, %sub3A_395 : vector<16xf32>
        %add3A_397 = arith.addf %add3A_391, %mul3A_396 : vector<16xf32>
        %get3A_398 = arith.index_cast %add3A_338 : i32 to index
        %get3A_399 = arith.constant 160 : index
        %get3A_400 = tpu.vector_load %arg7[%get3A_398, %get3A_399] {strides = array<i32>} : memref<256x256xf32, #tpu.memory_space<vmem>>, vector<16xf32>,
        %sub3A_401 = arith.subf %get3A_400, %get3A_23 : vector<16xf32>
        %mul3A_402 = arith.mulf %sub3A_401, %sub3A_401 : vector<16xf32>
        %add3A_403 = arith.addf %add3A_397, %mul3A_402 : vector<16xf32>
        %get3A_404 = arith.index_cast %add3A_338 : i32 to index
        %get3A_405 = arith.constant 176 : index
        %get3A_406 = tpu.vector_load %arg7[%get3A_404, %get3A_405] {strides = array<i32>} : memref<256x256xf32, #tpu.memory_space<vmem>>, vector<16xf32>,
        %sub3A_407 = arith.subf %get3A_406, %get3A_25 : vector<16xf32>
        %mul3A_408 = arith.mulf %sub3A_407, %sub3A_407 : vector<16xf32>
        %add3A_409 = arith.addf %add3A_403, %mul3A_408 : vector<16xf32>
        %get3A_410 = arith.index_cast %add3A_338 : i32 to index
        %get3A_411 = arith.constant 192 : index
        %get3A_412 = tpu.vector_load %arg7[%get3A_410, %get3A_411] {strides = array<i32>} : memref<256x256xf32, #tpu.memory_space<vmem>>, vector<16xf32>,
        %sub3A_413 = arith.subf %get3A_412, %get3A_27 : vector<16xf32>
        %mul3A_414 = arith.mulf %sub3A_413, %sub3A_413 : vector<16xf32>
        %add3A_415 = arith.addf %add3A_409, %mul3A_414 : vector<16xf32>
        %get3A_416 = arith.index_cast %add3A_338 : i32 to index
        %get3A_417 = arith.constant 208 : index
        %get3A_418 = tpu.vector_load %arg7[%get3A_416, %get3A_417] {strides = array<i32>} : memref<256x256xf32, #tpu.memory_space<vmem>>, vector<16xf32>,
        %sub3A_419 = arith.subf %get3A_418, %get3A_29 : vector<16xf32>
        %mul3A_420 = arith.mulf %sub3A_419, %sub3A_419 : vector<16xf32>
        %add3A_421 = arith.addf %add3A_415, %mul3A_420 : vector<16xf32>
        %get3A_422 = arith.index_cast %add3A_338 : i32 to index
        %get3A_423 = arith.constant 224 : index
        %get3A_424 = tpu.vector_load %arg7[%get3A_422, %get3A_423] {strides = array<i32>} : memref<256x256xf32, #tpu.memory_space<vmem>>, vector<16xf32>,
        %sub3A_425 = arith.subf %get3A_424, %get3A_31 : vector<16xf32>
        %mul3A_426 = arith.mulf %sub3A_425, %sub3A_425 : vector<16xf32>
        %add3A_427 = arith.addf %add3A_421, %mul3A_426 : vector<16xf32>
        %get3A_428 = arith.index_cast %add3A_338 : i32 to index
        %get3A_429 = arith.constant 240 : index
        %get3A_430 = tpu.vector_load %arg7[%get3A_428, %get3A_429] {strides = array<i32>} : memref<256x256xf32, #tpu.memory_space<vmem>>, vector<16xf32>,
        %sub3A_431 = arith.subf %get3A_430, %get3A_33 : vector<16xf32>
        %mul3A_432 = arith.mulf %sub3A_431, %sub3A_431 : vector<16xf32>
        %add3A_433 = arith.addf %add3A_427, %mul3A_432 : vector<16xf32>
        %add3A_434 = arith.constant 3 : i32
        %add3A_435 = arith.addi %add3A_143, %add3A_434 : i32
        %get3A_436 = arith.index_cast %add3A_435 : i32 to index
        %get3A_437 = arith.constant 0 : index
        %get3A_438 = tpu.vector_load %arg7[%get3A_436, %get3A_437] {strides = array<i32>} : memref<256x256xf32, #tpu.memory_space<vmem>>, vector<16xf32>,
        %sub3A_439 = arith.subf %get3A_438, %get3A_3 : vector<16xf32>
        %mul3A_440 = arith.mulf %sub3A_439, %sub3A_439 : vector<16xf32>
        %get3A_441 = arith.index_cast %add3A_435 : i32 to index
        %get3A_442 = arith.constant 16 : index
        %get3A_443 = tpu.vector_load %arg7[%get3A_441, %get3A_442] {strides = array<i32>} : memref<256x256xf32, #tpu.memory_space<vmem>>, vector<16xf32>,
        %sub3A_444 = arith.subf %get3A_443, %get3A_5 : vector<16xf32>
        %mul3A_445 = arith.mulf %sub3A_444, %sub3A_444 : vector<16xf32>
        %add3A_446 = arith.addf %mul3A_440, %mul3A_445 : vector<16xf32>
        %get3A_447 = arith.index_cast %add3A_435 : i32 to index
        %get3A_448 = arith.constant 32 : index
        %get3A_449 = tpu.vector_load %arg7[%get3A_447, %get3A_448] {strides = array<i32>} : memref<256x256xf32, #tpu.memory_space<vmem>>, vector<16xf32>,
        %sub3A_450 = arith.subf %get3A_449, %get3A_7 : vector<16xf32>
        %mul3A_451 = arith.mulf %sub3A_450, %sub3A_450 : vector<16xf32>
        %add3A_452 = arith.addf %add3A_446, %mul3A_451 : vector<16xf32>
        %get3A_453 = arith.index_cast %add3A_435 : i32 to index
        %get3A_454 = arith.constant 48 : index
        %get3A_455 = tpu.vector_load %arg7[%get3A_453, %get3A_454] {strides = array<i32>} : memref<256x256xf32, #tpu.memory_space<vmem>>, vector<16xf32>,
        %sub3A_456 = arith.subf %get3A_455, %get3A_9 : vector<16xf32>
        %mul3A_457 = arith.mulf %sub3A_456, %sub3A_456 : vector<16xf32>
        %add3A_458 = arith.addf %add3A_452, %mul3A_457 : vector<16xf32>
        %get3A_459 = arith.index_cast %add3A_435 : i32 to index
        %get3A_460 = arith.constant 64 : index
        %get3A_461 = tpu.vector_load %arg7[%get3A_459, %get3A_460] {strides = array<i32>} : memref<256x256xf32, #tpu.memory_space<vmem>>, vector<16xf32>,
        %sub3A_462 = arith.subf %get3A_461, %get3A_11 : vector<16xf32>
        %mul3A_463 = arith.mulf %sub3A_462, %sub3A_462 : vector<16xf32>
        %add3A_464 = arith.addf %add3A_458, %mul3A_463 : vector<16xf32>
        %get3A_465 = arith.index_cast %add3A_435 : i32 to index
        %get3A_466 = arith.constant 80 : index
        %get3A_467 = tpu.vector_load %arg7[%get3A_465, %get3A_466] {strides = array<i32>} : memref<256x256xf32, #tpu.memory_space<vmem>>, vector<16xf32>,
        %sub3A_468 = arith.subf %get3A_467, %get3A_13 : vector<16xf32>
        %mul3A_469 = arith.mulf %sub3A_468, %sub3A_468 : vector<16xf32>
        %add3A_470 = arith.addf %add3A_464, %mul3A_469 : vector<16xf32>
        %get3A_471 = arith.index_cast %add3A_435 : i32 to index
        %get3A_472 = arith.constant 96 : index
        %get3A_473 = tpu.vector_load %arg7[%get3A_471, %get3A_472] {strides = array<i32>} : memref<256x256xf32, #tpu.memory_space<vmem>>, vector<16xf32>,
        %sub3A_474 = arith.subf %get3A_473, %get3A_15 : vector<16xf32>
        %mul3A_475 = arith.mulf %sub3A_474, %sub3A_474 : vector<16xf32>
        %add3A_476 = arith.addf %add3A_470, %mul3A_475 : vector<16xf32>
        %get3A_477 = arith.index_cast %add3A_435 : i32 to index
        %get3A_478 = arith.constant 112 : index
        %get3A_479 = tpu.vector_load %arg7[%get3A_477, %get3A_478] {strides = array<i32>} : memref<256x256xf32, #tpu.memory_space<vmem>>, vector<16xf32>,
        %sub3A_480 = arith.subf %get3A_479, %get3A_17 : vector<16xf32>
        %mul3A_481 = arith.mulf %sub3A_480, %sub3A_480 : vector<16xf32>
        %add3A_482 = arith.addf %add3A_476, %mul3A_481 : vector<16xf32>
        %get3A_483 = arith.index_cast %add3A_435 : i32 to index
        %get3A_484 = arith.constant 128 : index
        %get3A_485 = tpu.vector_load %arg7[%get3A_483, %get3A_484] {strides = array<i32>} : memref<256x256xf32, #tpu.memory_space<vmem>>, vector<16xf32>,
        %sub3A_486 = arith.subf %get3A_485, %get3A_19 : vector<16xf32>
        %mul3A_487 = arith.mulf %sub3A_486, %sub3A_486 : vector<16xf32>
        %add3A_488 = arith.addf %add3A_482, %mul3A_487 : vector<16xf32>
        %get3A_489 = arith.index_cast %add3A_435 : i32 to index
        %get3A_490 = arith.constant 144 : index
        %get3A_491 = tpu.vector_load %arg7[%get3A_489, %get3A_490] {strides = array<i32>} : memref<256x256xf32, #tpu.memory_space<vmem>>, vector<16xf32>,
        %sub3A_492 = arith.subf %get3A_491, %get3A_21 : vector<16xf32>
        %mul3A_493 = arith.mulf %sub3A_492, %sub3A_492 : vector<16xf32>
        %add3A_494 = arith.addf %add3A_488, %mul3A_493 : vector<16xf32>
        %get3A_495 = arith.index_cast %add3A_435 : i32 to index
        %get3A_496 = arith.constant 160 : index
        %get3A_497 = tpu.vector_load %arg7[%get3A_495, %get3A_496] {strides = array<i32>} : memref<256x256xf32, #tpu.memory_space<vmem>>, vector<16xf32>,
        %sub3A_498 = arith.subf %get3A_497, %get3A_23 : vector<16xf32>
        %mul3A_499 = arith.mulf %sub3A_498, %sub3A_498 : vector<16xf32>
        %add3A_500 = arith.addf %add3A_494, %mul3A_499 : vector<16xf32>
        %get3A_501 = arith.index_cast %add3A_435 : i32 to index
        %get3A_502 = arith.constant 176 : index
        %get3A_503 = tpu.vector_load %arg7[%get3A_501, %get3A_502] {strides = array<i32>} : memref<256x256xf32, #tpu.memory_space<vmem>>, vector<16xf32>,
        %sub3A_504 = arith.subf %get3A_503, %get3A_25 : vector<16xf32>
        %mul3A_505 = arith.mulf %sub3A_504, %sub3A_504 : vector<16xf32>
        %add3A_506 = arith.addf %add3A_500, %mul3A_505 : vector<16xf32>
        %get3A_507 = arith.index_cast %add3A_435 : i32 to index
        %get3A_508 = arith.constant 192 : index
        %get3A_509 = tpu.vector_load %arg7[%get3A_507, %get3A_508] {strides = array<i32>} : memref<256x256xf32, #tpu.memory_space<vmem>>, vector<16xf32>,
        %sub3A_510 = arith.subf %get3A_509, %get3A_27 : vector<16xf32>
        %mul3A_511 = arith.mulf %sub3A_510, %sub3A_510 : vector<16xf32>
        %add3A_512 = arith.addf %add3A_506, %mul3A_511 : vector<16xf32>
        %get3A_513 = arith.index_cast %add3A_435 : i32 to index
        %get3A_514 = arith.constant 208 : index
        %get3A_515 = tpu.vector_load %arg7[%get3A_513, %get3A_514] {strides = array<i32>} : memref<256x256xf32, #tpu.memory_space<vmem>>, vector<16xf32>,
        %sub3A_516 = arith.subf %get3A_515, %get3A_29 : vector<16xf32>
        %mul3A_517 = arith.mulf %sub3A_516, %sub3A_516 : vector<16xf32>
        %add3A_518 = arith.addf %add3A_512, %mul3A_517 : vector<16xf32>
        %get3A_519 = arith.index_cast %add3A_435 : i32 to index
        %get3A_520 = arith.constant 224 : index
        %get3A_521 = tpu.vector_load %arg7[%get3A_519, %get3A_520] {strides = array<i32>} : memref<256x256xf32, #tpu.memory_space<vmem>>, vector<16xf32>,
        %sub3A_522 = arith.subf %get3A_521, %get3A_31 : vector<16xf32>
        %mul3A_523 = arith.mulf %sub3A_522, %sub3A_522 : vector<16xf32>
        %add3A_524 = arith.addf %add3A_518, %mul3A_523 : vector<16xf32>
        %get3A_525 = arith.index_cast %add3A_435 : i32 to index
        %get3A_526 = arith.constant 240 : index
        %get3A_527 = tpu.vector_load %arg7[%get3A_525, %get3A_526] {strides = array<i32>} : memref<256x256xf32, #tpu.memory_space<vmem>>, vector<16xf32>,
        %sub3A_528 = arith.subf %get3A_527, %get3A_33 : vector<16xf32>
        %mul3A_529 = arith.mulf %sub3A_528, %sub3A_528 : vector<16xf32>
        %add3A_530 = arith.addf %add3A_524, %mul3A_529 : vector<16xf32>
        %add3A_531 = arith.constant 4 : i32
        %add3A_532 = arith.addi %add3A_143, %add3A_531 : i32
        %get3A_533 = arith.index_cast %add3A_532 : i32 to index
        %get3A_534 = arith.constant 0 : index
        %get3A_535 = tpu.vector_load %arg7[%get3A_533, %get3A_534] {strides = array<i32>} : memref<256x256xf32, #tpu.memory_space<vmem>>, vector<16xf32>,
        %sub3A_536 = arith.subf %get3A_535, %get3A_3 : vector<16xf32>
        %mul3A_537 = arith.mulf %sub3A_536, %sub3A_536 : vector<16xf32>
        %get3A_538 = arith.index_cast %add3A_532 : i32 to index
        %get3A_539 = arith.constant 16 : index
        %get3A_540 = tpu.vector_load %arg7[%get3A_538, %get3A_539] {strides = array<i32>} : memref<256x256xf32, #tpu.memory_space<vmem>>, vector<16xf32>,
        %sub3A_541 = arith.subf %get3A_540, %get3A_5 : vector<16xf32>
        %mul3A_542 = arith.mulf %sub3A_541, %sub3A_541 : vector<16xf32>
        %add3A_543 = arith.addf %mul3A_537, %mul3A_542 : vector<16xf32>
        %get3A_544 = arith.index_cast %add3A_532 : i32 to index
        %get3A_545 = arith.constant 32 : index
        %get3A_546 = tpu.vector_load %arg7[%get3A_544, %get3A_545] {strides = array<i32>} : memref<256x256xf32, #tpu.memory_space<vmem>>, vector<16xf32>,
        %sub3A_547 = arith.subf %get3A_546, %get3A_7 : vector<16xf32>
        %mul3A_548 = arith.mulf %sub3A_547, %sub3A_547 : vector<16xf32>
        %add3A_549 = arith.addf %add3A_543, %mul3A_548 : vector<16xf32>
        %get3A_550 = arith.index_cast %add3A_532 : i32 to index
        %get3A_551 = arith.constant 48 : index
        %get3A_552 = tpu.vector_load %arg7[%get3A_550, %get3A_551] {strides = array<i32>} : memref<256x256xf32, #tpu.memory_space<vmem>>, vector<16xf32>,
        %sub3A_553 = arith.subf %get3A_552, %get3A_9 : vector<16xf32>
        %mul3A_554 = arith.mulf %sub3A_553, %sub3A_553 : vector<16xf32>
        %add3A_555 = arith.addf %add3A_549, %mul3A_554 : vector<16xf32>
        %get3A_556 = arith.index_cast %add3A_532 : i32 to index
        %get3A_557 = arith.constant 64 : index
        %get3A_558 = tpu.vector_load %arg7[%get3A_556, %get3A_557] {strides = array<i32>} : memref<256x256xf32, #tpu.memory_space<vmem>>, vector<16xf32>,
        %sub3A_559 = arith.subf %get3A_558, %get3A_11 : vector<16xf32>
        %mul3A_560 = arith.mulf %sub3A_559, %sub3A_559 : vector<16xf32>
        %add3A_561 = arith.addf %add3A_555, %mul3A_560 : vector<16xf32>
        %get3A_562 = arith.index_cast %add3A_532 : i32 to index
        %get3A_563 = arith.constant 80 : index
        %get3A_564 = tpu.vector_load %arg7[%get3A_562, %get3A_563] {strides = array<i32>} : memref<256x256xf32, #tpu.memory_space<vmem>>, vector<16xf32>,
        %sub3A_565 = arith.subf %get3A_564, %get3A_13 : vector<16xf32>
        %mul3A_566 = arith.mulf %sub3A_565, %sub3A_565 : vector<16xf32>
        %add3A_567 = arith.addf %add3A_561, %mul3A_566 : vector<16xf32>
        %get3A_568 = arith.index_cast %add3A_532 : i32 to index
        %get3A_569 = arith.constant 96 : index
        %get3A_570 = tpu.vector_load %arg7[%get3A_568, %get3A_569] {strides = array<i32>} : memref<256x256xf32, #tpu.memory_space<vmem>>, vector<16xf32>,
        %sub3A_571 = arith.subf %get3A_570, %get3A_15 : vector<16xf32>
        %mul3A_572 = arith.mulf %sub3A_571, %sub3A_571 : vector<16xf32>
        %add3A_573 = arith.addf %add3A_567, %mul3A_572 : vector<16xf32>
        %get3A_574 = arith.index_cast %add3A_532 : i32 to index
        %get3A_575 = arith.constant 112 : index
        %get3A_576 = tpu.vector_load %arg7[%get3A_574, %get3A_575] {strides = array<i32>} : memref<256x256xf32, #tpu.memory_space<vmem>>, vector<16xf32>,
        %sub3A_577 = arith.subf %get3A_576, %get3A_17 : vector<16xf32>
        %mul3A_578 = arith.mulf %sub3A_577, %sub3A_577 : vector<16xf32>
        %add3A_579 = arith.addf %add3A_573, %mul3A_578 : vector<16xf32>
        %get3A_580 = arith.index_cast %add3A_532 : i32 to index
        %get3A_581 = arith.constant 128 : index
        %get3A_582 = tpu.vector_load %arg7[%get3A_580, %get3A_581] {strides = array<i32>} : memref<256x256xf32, #tpu.memory_space<vmem>>, vector<16xf32>,
        %sub3A_583 = arith.subf %get3A_582, %get3A_19 : vector<16xf32>
        %mul3A_584 = arith.mulf %sub3A_583, %sub3A_583 : vector<16xf32>
        %add3A_585 = arith.addf %add3A_579, %mul3A_584 : vector<16xf32>
        %get3A_586 = arith.index_cast %add3A_532 : i32 to index
        %get3A_587 = arith.constant 144 : index
        %get3A_588 = tpu.vector_load %arg7[%get3A_586, %get3A_587] {strides = array<i32>} : memref<256x256xf32, #tpu.memory_space<vmem>>, vector<16xf32>,
        %sub3A_589 = arith.subf %get3A_588, %get3A_21 : vector<16xf32>
        %mul3A_590 = arith.mulf %sub3A_589, %sub3A_589 : vector<16xf32>
        %add3A_591 = arith.addf %add3A_585, %mul3A_590 : vector<16xf32>
        %get3A_592 = arith.index_cast %add3A_532 : i32 to index
        %get3A_593 = arith.constant 160 : index
        %get3A_594 = tpu.vector_load %arg7[%get3A_592, %get3A_593] {strides = array<i32>} : memref<256x256xf32, #tpu.memory_space<vmem>>, vector<16xf32>,
        %sub3A_595 = arith.subf %get3A_594, %get3A_23 : vector<16xf32>
        %mul3A_596 = arith.mulf %sub3A_595, %sub3A_595 : vector<16xf32>
        %add3A_597 = arith.addf %add3A_591, %mul3A_596 : vector<16xf32>
        %get3A_598 = arith.index_cast %add3A_532 : i32 to index
        %get3A_599 = arith.constant 176 : index
        %get3A_600 = tpu.vector_load %arg7[%get3A_598, %get3A_599] {strides = array<i32>} : memref<256x256xf32, #tpu.memory_space<vmem>>, vector<16xf32>,
        %sub3A_601 = arith.subf %get3A_600, %get3A_25 : vector<16xf32>
        %mul3A_602 = arith.mulf %sub3A_601, %sub3A_601 : vector<16xf32>
        %add3A_603 = arith.addf %add3A_597, %mul3A_602 : vector<16xf32>
        %get3A_604 = arith.index_cast %add3A_532 : i32 to index
        %get3A_605 = arith.constant 192 : index
        %get3A_606 = tpu.vector_load %arg7[%get3A_604, %get3A_605] {strides = array<i32>} : memref<256x256xf32, #tpu.memory_space<vmem>>, vector<16xf32>,
        %sub3A_607 = arith.subf %get3A_606, %get3A_27 : vector<16xf32>
        %mul3A_608 = arith.mulf %sub3A_607, %sub3A_607 : vector<16xf32>
        %add3A_609 = arith.addf %add3A_603, %mul3A_608 : vector<16xf32>
        %get3A_610 = arith.index_cast %add3A_532 : i32 to index
        %get3A_611 = arith.constant 208 : index
        %get3A_612 = tpu.vector_load %arg7[%get3A_610, %get3A_611] {strides = array<i32>} : memref<256x256xf32, #tpu.memory_space<vmem>>, vector<16xf32>,
        %sub3A_613 = arith.subf %get3A_612, %get3A_29 : vector<16xf32>
        %mul3A_614 = arith.mulf %sub3A_613, %sub3A_613 : vector<16xf32>
        %add3A_615 = arith.addf %add3A_609, %mul3A_614 : vector<16xf32>
        %get3A_616 = arith.index_cast %add3A_532 : i32 to index
        %get3A_617 = arith.constant 224 : index
        %get3A_618 = tpu.vector_load %arg7[%get3A_616, %get3A_617] {strides = array<i32>} : memref<256x256xf32, #tpu.memory_space<vmem>>, vector<16xf32>,
        %sub3A_619 = arith.subf %get3A_618, %get3A_31 : vector<16xf32>
        %mul3A_620 = arith.mulf %sub3A_619, %sub3A_619 : vector<16xf32>
        %add3A_621 = arith.addf %add3A_615, %mul3A_620 : vector<16xf32>
        %get3A_622 = arith.index_cast %add3A_532 : i32 to index
        %get3A_623 = arith.constant 240 : index
        %get3A_624 = tpu.vector_load %arg7[%get3A_622, %get3A_623] {strides = array<i32>} : memref<256x256xf32, #tpu.memory_space<vmem>>, vector<16xf32>,
        %sub3A_625 = arith.subf %get3A_624, %get3A_33 : vector<16xf32>
        %mul3A_626 = arith.mulf %sub3A_625, %sub3A_625 : vector<16xf32>
        %add3A_627 = arith.addf %add3A_621, %mul3A_626 : vector<16xf32>
        %add3A_628 = arith.constant 5 : i32
        %add3A_629 = arith.addi %add3A_143, %add3A_628 : i32
        %get3A_630 = arith.index_cast %add3A_629 : i32 to index
        %get3A_631 = arith.constant 0 : index
        %get3A_632 = tpu.vector_load %arg7[%get3A_630, %get3A_631] {strides = array<i32>} : memref<256x256xf32, #tpu.memory_space<vmem>>, vector<16xf32>,
        %sub3A_633 = arith.subf %get3A_632, %get3A_3 : vector<16xf32>
        %mul3A_634 = arith.mulf %sub3A_633, %sub3A_633 : vector<16xf32>
        %get3A_635 = arith.index_cast %add3A_629 : i32 to index
        %get3A_636 = arith.constant 16 : index
        %get3A_637 = tpu.vector_load %arg7[%get3A_635, %get3A_636] {strides = array<i32>} : memref<256x256xf32, #tpu.memory_space<vmem>>, vector<16xf32>,
        %sub3A_638 = arith.subf %get3A_637, %get3A_5 : vector<16xf32>
        %mul3A_639 = arith.mulf %sub3A_638, %sub3A_638 : vector<16xf32>
        %add3A_640 = arith.addf %mul3A_634, %mul3A_639 : vector<16xf32>
        %get3A_641 = arith.index_cast %add3A_629 : i32 to index
        %get3A_642 = arith.constant 32 : index
        %get3A_643 = tpu.vector_load %arg7[%get3A_641, %get3A_642] {strides = array<i32>} : memref<256x256xf32, #tpu.memory_space<vmem>>, vector<16xf32>,
        %sub3A_644 = arith.subf %get3A_643, %get3A_7 : vector<16xf32>
        %mul3A_645 = arith.mulf %sub3A_644, %sub3A_644 : vector<16xf32>
        %add3A_646 = arith.addf %add3A_640, %mul3A_645 : vector<16xf32>
        %get3A_647 = arith.index_cast %add3A_629 : i32 to index
        %get3A_648 = arith.constant 48 : index
        %get3A_649 = tpu.vector_load %arg7[%get3A_647, %get3A_648] {strides = array<i32>} : memref<256x256xf32, #tpu.memory_space<vmem>>, vector<16xf32>,
        %sub3A_650 = arith.subf %get3A_649, %get3A_9 : vector<16xf32>
        %mul3A_651 = arith.mulf %sub3A_650, %sub3A_650 : vector<16xf32>
        %add3A_652 = arith.addf %add3A_646, %mul3A_651 : vector<16xf32>
        %get3A_653 = arith.index_cast %add3A_629 : i32 to index
        %get3A_654 = arith.constant 64 : index
        %get3A_655 = tpu.vector_load %arg7[%get3A_653, %get3A_654] {strides = array<i32>} : memref<256x256xf32, #tpu.memory_space<vmem>>, vector<16xf32>,
        %sub3A_656 = arith.subf %get3A_655, %get3A_11 : vector<16xf32>
        %mul3A_657 = arith.mulf %sub3A_656, %sub3A_656 : vector<16xf32>
        %add3A_658 = arith.addf %add3A_652, %mul3A_657 : vector<16xf32>
        %get3A_659 = arith.index_cast %add3A_629 : i32 to index
        %get3A_660 = arith.constant 80 : index
        %get3A_661 = tpu.vector_load %arg7[%get3A_659, %get3A_660] {strides = array<i32>} : memref<256x256xf32, #tpu.memory_space<vmem>>, vector<16xf32>,
        %sub3A_662 = arith.subf %get3A_661, %get3A_13 : vector<16xf32>
        %mul3A_663 = arith.mulf %sub3A_662, %sub3A_662 : vector<16xf32>
        %add3A_664 = arith.addf %add3A_658, %mul3A_663 : vector<16xf32>
        %get3A_665 = arith.index_cast %add3A_629 : i32 to index
        %get3A_666 = arith.constant 96 : index
        %get3A_667 = tpu.vector_load %arg7[%get3A_665, %get3A_666] {strides = array<i32>} : memref<256x256xf32, #tpu.memory_space<vmem>>, vector<16xf32>,
        %sub3A_668 = arith.subf %get3A_667, %get3A_15 : vector<16xf32>
        %mul3A_669 = arith.mulf %sub3A_668, %sub3A_668 : vector<16xf32>
        %add3A_670 = arith.addf %add3A_664, %mul3A_669 : vector<16xf32>
        %get3A_671 = arith.index_cast %add3A_629 : i32 to index
        %get3A_672 = arith.constant 112 : index
        %get3A_673 = tpu.vector_load %arg7[%get3A_671, %get3A_672] {strides = array<i32>} : memref<256x256xf32, #tpu.memory_space<vmem>>, vector<16xf32>,
        %sub3A_674 = arith.subf %get3A_673, %get3A_17 : vector<16xf32>
        %mul3A_675 = arith.mulf %sub3A_674, %sub3A_674 : vector<16xf32>
        %add3A_676 = arith.addf %add3A_670, %mul3A_675 : vector<16xf32>
        %get3A_677 = arith.index_cast %add3A_629 : i32 to index
        %get3A_678 = arith.constant 128 : index
        %get3A_679 = tpu.vector_load %arg7[%get3A_677, %get3A_678] {strides = array<i32>} : memref<256x256xf32, #tpu.memory_space<vmem>>, vector<16xf32>,
        %sub3A_680 = arith.subf %get3A_679, %get3A_19 : vector<16xf32>
        %mul3A_681 = arith.mulf %sub3A_680, %sub3A_680 : vector<16xf32>
        %add3A_682 = arith.addf %add3A_676, %mul3A_681 : vector<16xf32>
        %get3A_683 = arith.index_cast %add3A_629 : i32 to index
        %get3A_684 = arith.constant 144 : index
        %get3A_685 = tpu.vector_load %arg7[%get3A_683, %get3A_684] {strides = array<i32>} : memref<256x256xf32, #tpu.memory_space<vmem>>, vector<16xf32>,
        %sub3A_686 = arith.subf %get3A_685, %get3A_21 : vector<16xf32>
        %mul3A_687 = arith.mulf %sub3A_686, %sub3A_686 : vector<16xf32>
        %add3A_688 = arith.addf %add3A_682, %mul3A_687 : vector<16xf32>
        %get3A_689 = arith.index_cast %add3A_629 : i32 to index
        %get3A_690 = arith.constant 160 : index
        %get3A_691 = tpu.vector_load %arg7[%get3A_689, %get3A_690] {strides = array<i32>} : memref<256x256xf32, #tpu.memory_space<vmem>>, vector<16xf32>,
        %sub3A_692 = arith.subf %get3A_691, %get3A_23 : vector<16xf32>
        %mul3A_693 = arith.mulf %sub3A_692, %sub3A_692 : vector<16xf32>
        %add3A_694 = arith.addf %add3A_688, %mul3A_693 : vector<16xf32>
        %get3A_695 = arith.index_cast %add3A_629 : i32 to index
        %get3A_696 = arith.constant 176 : index
        %get3A_697 = tpu.vector_load %arg7[%get3A_695, %get3A_696] {strides = array<i32>} : memref<256x256xf32, #tpu.memory_space<vmem>>, vector<16xf32>,
        %sub3A_698 = arith.subf %get3A_697, %get3A_25 : vector<16xf32>
        %mul3A_699 = arith.mulf %sub3A_698, %sub3A_698 : vector<16xf32>
        %add3A_700 = arith.addf %add3A_694, %mul3A_699 : vector<16xf32>
        %get3A_701 = arith.index_cast %add3A_629 : i32 to index
        %get3A_702 = arith.constant 192 : index
        %get3A_703 = tpu.vector_load %arg7[%get3A_701, %get3A_702] {strides = array<i32>} : memref<256x256xf32, #tpu.memory_space<vmem>>, vector<16xf32>,
        %sub3A_704 = arith.subf %get3A_703, %get3A_27 : vector<16xf32>
        %mul3A_705 = arith.mulf %sub3A_704, %sub3A_704 : vector<16xf32>
        %add3A_706 = arith.addf %add3A_700, %mul3A_705 : vector<16xf32>
        %get3A_707 = arith.index_cast %add3A_629 : i32 to index
        %get3A_708 = arith.constant 208 : index
        %get3A_709 = tpu.vector_load %arg7[%get3A_707, %get3A_708] {strides = array<i32>} : memref<256x256xf32, #tpu.memory_space<vmem>>, vector<16xf32>,
        %sub3A_710 = arith.subf %get3A_709, %get3A_29 : vector<16xf32>
        %mul3A_711 = arith.mulf %sub3A_710, %sub3A_710 : vector<16xf32>
        %add3A_712 = arith.addf %add3A_706, %mul3A_711 : vector<16xf32>
        %get3A_713 = arith.index_cast %add3A_629 : i32 to index
        %get3A_714 = arith.constant 224 : index
        %get3A_715 = tpu.vector_load %arg7[%get3A_713, %get3A_714] {strides = array<i32>} : memref<256x256xf32, #tpu.memory_space<vmem>>, vector<16xf32>,
        %sub3A_716 = arith.subf %get3A_715, %get3A_31 : vector<16xf32>
        %mul3A_717 = arith.mulf %sub3A_716, %sub3A_716 : vector<16xf32>
        %add3A_718 = arith.addf %add3A_712, %mul3A_717 : vector<16xf32>
        %get3A_719 = arith.index_cast %add3A_629 : i32 to index
        %get3A_720 = arith.constant 240 : index
        %get3A_721 = tpu.vector_load %arg7[%get3A_719, %get3A_720] {strides = array<i32>} : memref<256x256xf32, #tpu.memory_space<vmem>>, vector<16xf32>,
        %sub3A_722 = arith.subf %get3A_721, %get3A_33 : vector<16xf32>
        %mul3A_723 = arith.mulf %sub3A_722, %sub3A_722 : vector<16xf32>
        %add3A_724 = arith.addf %add3A_718, %mul3A_723 : vector<16xf32>
        %add3A_725 = arith.constant 6 : i32
        %add3A_726 = arith.addi %add3A_143, %add3A_725 : i32
        %get3A_727 = arith.index_cast %add3A_726 : i32 to index
        %get3A_728 = arith.constant 0 : index
        %get3A_729 = tpu.vector_load %arg7[%get3A_727, %get3A_728] {strides = array<i32>} : memref<256x256xf32, #tpu.memory_space<vmem>>, vector<16xf32>,
        %sub3A_730 = arith.subf %get3A_729, %get3A_3 : vector<16xf32>
        %mul3A_731 = arith.mulf %sub3A_730, %sub3A_730 : vector<16xf32>
        %get3A_732 = arith.index_cast %add3A_726 : i32 to index
        %get3A_733 = arith.constant 16 : index
        %get3A_734 = tpu.vector_load %arg7[%get3A_732, %get3A_733] {strides = array<i32>} : memref<256x256xf32, #tpu.memory_space<vmem>>, vector<16xf32>,
        %sub3A_735 = arith.subf %get3A_734, %get3A_5 : vector<16xf32>
        %mul3A_736 = arith.mulf %sub3A_735, %sub3A_735 : vector<16xf32>
        %add3A_737 = arith.addf %mul3A_731, %mul3A_736 : vector<16xf32>
        %get3A_738 = arith.index_cast %add3A_726 : i32 to index
        %get3A_739 = arith.constant 32 : index
        %get3A_740 = tpu.vector_load %arg7[%get3A_738, %get3A_739] {strides = array<i32>} : memref<256x256xf32, #tpu.memory_space<vmem>>, vector<16xf32>,
        %sub3A_741 = arith.subf %get3A_740, %get3A_7 : vector<16xf32>
        %mul3A_742 = arith.mulf %sub3A_741, %sub3A_741 : vector<16xf32>
        %add3A_743 = arith.addf %add3A_737, %mul3A_742 : vector<16xf32>
        %get3A_744 = arith.index_cast %add3A_726 : i32 to index
        %get3A_745 = arith.constant 48 : index
        %get3A_746 = tpu.vector_load %arg7[%get3A_744, %get3A_745] {strides = array<i32>} : memref<256x256xf32, #tpu.memory_space<vmem>>, vector<16xf32>,
        %sub3A_747 = arith.subf %get3A_746, %get3A_9 : vector<16xf32>
        %mul3A_748 = arith.mulf %sub3A_747, %sub3A_747 : vector<16xf32>
        %add3A_749 = arith.addf %add3A_743, %mul3A_748 : vector<16xf32>
        %get3A_750 = arith.index_cast %add3A_726 : i32 to index
        %get3A_751 = arith.constant 64 : index
        %get3A_752 = tpu.vector_load %arg7[%get3A_750, %get3A_751] {strides = array<i32>} : memref<256x256xf32, #tpu.memory_space<vmem>>, vector<16xf32>,
        %sub3A_753 = arith.subf %get3A_752, %get3A_11 : vector<16xf32>
        %mul3A_754 = arith.mulf %sub3A_753, %sub3A_753 : vector<16xf32>
        %add3A_755 = arith.addf %add3A_749, %mul3A_754 : vector<16xf32>
        %get3A_756 = arith.index_cast %add3A_726 : i32 to index
        %get3A_757 = arith.constant 80 : index
        %get3A_758 = tpu.vector_load %arg7[%get3A_756, %get3A_757] {strides = array<i32>} : memref<256x256xf32, #tpu.memory_space<vmem>>, vector<16xf32>,
        %sub3A_759 = arith.subf %get3A_758, %get3A_13 : vector<16xf32>
        %mul3A_760 = arith.mulf %sub3A_759, %sub3A_759 : vector<16xf32>
        %add3A_761 = arith.addf %add3A_755, %mul3A_760 : vector<16xf32>
        %get3A_762 = arith.index_cast %add3A_726 : i32 to index
        %get3A_763 = arith.constant 96 : index
        %get3A_764 = tpu.vector_load %arg7[%get3A_762, %get3A_763] {strides = array<i32>} : memref<256x256xf32, #tpu.memory_space<vmem>>, vector<16xf32>,
        %sub3A_765 = arith.subf %get3A_764, %get3A_15 : vector<16xf32>
        %mul3A_766 = arith.mulf %sub3A_765, %sub3A_765 : vector<16xf32>
        %add3A_767 = arith.addf %add3A_761, %mul3A_766 : vector<16xf32>
        %get3A_768 = arith.index_cast %add3A_726 : i32 to index
        %get3A_769 = arith.constant 112 : index
        %get3A_770 = tpu.vector_load %arg7[%get3A_768, %get3A_769] {strides = array<i32>} : memref<256x256xf32, #tpu.memory_space<vmem>>, vector<16xf32>,
        %sub3A_771 = arith.subf %get3A_770, %get3A_17 : vector<16xf32>
        %mul3A_772 = arith.mulf %sub3A_771, %sub3A_771 : vector<16xf32>
        %add3A_773 = arith.addf %add3A_767, %mul3A_772 : vector<16xf32>
        %get3A_774 = arith.index_cast %add3A_726 : i32 to index
        %get3A_775 = arith.constant 128 : index
        %get3A_776 = tpu.vector_load %arg7[%get3A_774, %get3A_775] {strides = array<i32>} : memref<256x256xf32, #tpu.memory_space<vmem>>, vector<16xf32>,
        %sub3A_777 = arith.subf %get3A_776, %get3A_19 : vector<16xf32>
        %mul3A_778 = arith.mulf %sub3A_777, %sub3A_777 : vector<16xf32>
        %add3A_779 = arith.addf %add3A_773, %mul3A_778 : vector<16xf32>
        %get3A_780 = arith.index_cast %add3A_726 : i32 to index
        %get3A_781 = arith.constant 144 : index
        %get3A_782 = tpu.vector_load %arg7[%get3A_780, %get3A_781] {strides = array<i32>} : memref<256x256xf32, #tpu.memory_space<vmem>>, vector<16xf32>,
        %sub3A_783 = arith.subf %get3A_782, %get3A_21 : vector<16xf32>
        %mul3A_784 = arith.mulf %sub3A_783, %sub3A_783 : vector<16xf32>
        %add3A_785 = arith.addf %add3A_779, %mul3A_784 : vector<16xf32>
        %get3A_786 = arith.index_cast %add3A_726 : i32 to index
        %get3A_787 = arith.constant 160 : index
        %get3A_788 = tpu.vector_load %arg7[%get3A_786, %get3A_787] {strides = array<i32>} : memref<256x256xf32, #tpu.memory_space<vmem>>, vector<16xf32>,
        %sub3A_789 = arith.subf %get3A_788, %get3A_23 : vector<16xf32>
        %mul3A_790 = arith.mulf %sub3A_789, %sub3A_789 : vector<16xf32>
        %add3A_791 = arith.addf %add3A_785, %mul3A_790 : vector<16xf32>
        %get3A_792 = arith.index_cast %add3A_726 : i32 to index
        %get3A_793 = arith.constant 176 : index
        %get3A_794 = tpu.vector_load %arg7[%get3A_792, %get3A_793] {strides = array<i32>} : memref<256x256xf32, #tpu.memory_space<vmem>>, vector<16xf32>,
        %sub3A_795 = arith.subf %get3A_794, %get3A_25 : vector<16xf32>
        %mul3A_796 = arith.mulf %sub3A_795, %sub3A_795 : vector<16xf32>
        %add3A_797 = arith.addf %add3A_791, %mul3A_796 : vector<16xf32>
        %get3A_798 = arith.index_cast %add3A_726 : i32 to index
        %get3A_799 = arith.constant 192 : index
        %get3A_800 = tpu.vector_load %arg7[%get3A_798, %get3A_799] {strides = array<i32>} : memref<256x256xf32, #tpu.memory_space<vmem>>, vector<16xf32>,
        %sub3A_801 = arith.subf %get3A_800, %get3A_27 : vector<16xf32>
        %mul3A_802 = arith.mulf %sub3A_801, %sub3A_801 : vector<16xf32>
        %add3A_803 = arith.addf %add3A_797, %mul3A_802 : vector<16xf32>
        %get3A_804 = arith.index_cast %add3A_726 : i32 to index
        %get3A_805 = arith.constant 208 : index
        %get3A_806 = tpu.vector_load %arg7[%get3A_804, %get3A_805] {strides = array<i32>} : memref<256x256xf32, #tpu.memory_space<vmem>>, vector<16xf32>,
        %sub3A_807 = arith.subf %get3A_806, %get3A_29 : vector<16xf32>
        %mul3A_808 = arith.mulf %sub3A_807, %sub3A_807 : vector<16xf32>
        %add3A_809 = arith.addf %add3A_803, %mul3A_808 : vector<16xf32>
        %get3A_810 = arith.index_cast %add3A_726 : i32 to index
        %get3A_811 = arith.constant 224 : index
        %get3A_812 = tpu.vector_load %arg7[%get3A_810, %get3A_811] {strides = array<i32>} : memref<256x256xf32, #tpu.memory_space<vmem>>, vector<16xf32>,
        %sub3A_813 = arith.subf %get3A_812, %get3A_31 : vector<16xf32>
        %mul3A_814 = arith.mulf %sub3A_813, %sub3A_813 : vector<16xf32>
        %add3A_815 = arith.addf %add3A_809, %mul3A_814 : vector<16xf32>
        %get3A_816 = arith.index_cast %add3A_726 : i32 to index
        %get3A_817 = arith.constant 240 : index
        %get3A_818 = tpu.vector_load %arg7[%get3A_816, %get3A_817] {strides = array<i32>} : memref<256x256xf32, #tpu.memory_space<vmem>>, vector<16xf32>,
        %sub3A_819 = arith.subf %get3A_818, %get3A_33 : vector<16xf32>
        %mul3A_820 = arith.mulf %sub3A_819, %sub3A_819 : vector<16xf32>
        %add3A_821 = arith.addf %add3A_815, %mul3A_820 : vector<16xf32>
        %add3A_822 = arith.constant 7 : i32
        %add3A_823 = arith.addi %add3A_143, %add3A_822 : i32
        %get3A_824 = arith.index_cast %add3A_823 : i32 to index
        %get3A_825 = arith.constant 0 : index
        %get3A_826 = tpu.vector_load %arg7[%get3A_824, %get3A_825] {strides = array<i32>} : memref<256x256xf32, #tpu.memory_space<vmem>>, vector<16xf32>,
        %sub3A_827 = arith.subf %get3A_826, %get3A_3 : vector<16xf32>
        %mul3A_828 = arith.mulf %sub3A_827, %sub3A_827 : vector<16xf32>
        %get3A_829 = arith.index_cast %add3A_823 : i32 to index
        %get3A_830 = arith.constant 16 : index
        %get3A_831 = tpu.vector_load %arg7[%get3A_829, %get3A_830] {strides = array<i32>} : memref<256x256xf32, #tpu.memory_space<vmem>>, vector<16xf32>,
        %sub3A_832 = arith.subf %get3A_831, %get3A_5 : vector<16xf32>
        %mul3A_833 = arith.mulf %sub3A_832, %sub3A_832 : vector<16xf32>
        %add3A_834 = arith.addf %mul3A_828, %mul3A_833 : vector<16xf32>
        %get3A_835 = arith.index_cast %add3A_823 : i32 to index
        %get3A_836 = arith.constant 32 : index
        %get3A_837 = tpu.vector_load %arg7[%get3A_835, %get3A_836] {strides = array<i32>} : memref<256x256xf32, #tpu.memory_space<vmem>>, vector<16xf32>,
        %sub3A_838 = arith.subf %get3A_837, %get3A_7 : vector<16xf32>
        %mul3A_839 = arith.mulf %sub3A_838, %sub3A_838 : vector<16xf32>
        %add3A_840 = arith.addf %add3A_834, %mul3A_839 : vector<16xf32>
        %get3A_841 = arith.index_cast %add3A_823 : i32 to index
        %get3A_842 = arith.constant 48 : index
        %get3A_843 = tpu.vector_load %arg7[%get3A_841, %get3A_842] {strides = array<i32>} : memref<256x256xf32, #tpu.memory_space<vmem>>, vector<16xf32>,
        %sub3A_844 = arith.subf %get3A_843, %get3A_9 : vector<16xf32>
        %mul3A_845 = arith.mulf %sub3A_844, %sub3A_844 : vector<16xf32>
        %add3A_846 = arith.addf %add3A_840, %mul3A_845 : vector<16xf32>
        %get3A_847 = arith.index_cast %add3A_823 : i32 to index
        %get3A_848 = arith.constant 64 : index
        %get3A_849 = tpu.vector_load %arg7[%get3A_847, %get3A_848] {strides = array<i32>} : memref<256x256xf32, #tpu.memory_space<vmem>>, vector<16xf32>,
        %sub3A_850 = arith.subf %get3A_849, %get3A_11 : vector<16xf32>
        %mul3A_851 = arith.mulf %sub3A_850, %sub3A_850 : vector<16xf32>
        %add3A_852 = arith.addf %add3A_846, %mul3A_851 : vector<16xf32>
        %get3A_853 = arith.index_cast %add3A_823 : i32 to index
        %get3A_854 = arith.constant 80 : index
        %get3A_855 = tpu.vector_load %arg7[%get3A_853, %get3A_854] {strides = array<i32>} : memref<256x256xf32, #tpu.memory_space<vmem>>, vector<16xf32>,
        %sub3A_856 = arith.subf %get3A_855, %get3A_13 : vector<16xf32>
        %mul3A_857 = arith.mulf %sub3A_856, %sub3A_856 : vector<16xf32>
        %add3A_858 = arith.addf %add3A_852, %mul3A_857 : vector<16xf32>
        %get3A_859 = arith.index_cast %add3A_823 : i32 to index
        %get3A_860 = arith.constant 96 : index
        %get3A_861 = tpu.vector_load %arg7[%get3A_859, %get3A_860] {strides = array<i32>} : memref<256x256xf32, #tpu.memory_space<vmem>>, vector<16xf32>,
        %sub3A_862 = arith.subf %get3A_861, %get3A_15 : vector<16xf32>
        %mul3A_863 = arith.mulf %sub3A_862, %sub3A_862 : vector<16xf32>
        %add3A_864 = arith.addf %add3A_858, %mul3A_863 : vector<16xf32>
        %get3A_865 = arith.index_cast %add3A_823 : i32 to index
        %get3A_866 = arith.constant 112 : index
        %get3A_867 = tpu.vector_load %arg7[%get3A_865, %get3A_866] {strides = array<i32>} : memref<256x256xf32, #tpu.memory_space<vmem>>, vector<16xf32>,
        %sub3A_868 = arith.subf %get3A_867, %get3A_17 : vector<16xf32>
        %mul3A_869 = arith.mulf %sub3A_868, %sub3A_868 : vector<16xf32>
        %add3A_870 = arith.addf %add3A_864, %mul3A_869 : vector<16xf32>
        %get3A_871 = arith.index_cast %add3A_823 : i32 to index
        %get3A_872 = arith.constant 128 : index
        %get3A_873 = tpu.vector_load %arg7[%get3A_871, %get3A_872] {strides = array<i32>} : memref<256x256xf32, #tpu.memory_space<vmem>>, vector<16xf32>,
        %sub3A_874 = arith.subf %get3A_873, %get3A_19 : vector<16xf32>
        %mul3A_875 = arith.mulf %sub3A_874, %sub3A_874 : vector<16xf32>
        %add3A_876 = arith.addf %add3A_870, %mul3A_875 : vector<16xf32>
        %get3A_877 = arith.index_cast %add3A_823 : i32 to index
        %get3A_878 = arith.constant 144 : index
        %get3A_879 = tpu.vector_load %arg7[%get3A_877, %get3A_878] {strides = array<i32>} : memref<256x256xf32, #tpu.memory_space<vmem>>, vector<16xf32>,
        %sub3A_880 = arith.subf %get3A_879, %get3A_21 : vector<16xf32>
        %mul3A_881 = arith.mulf %sub3A_880, %sub3A_880 : vector<16xf32>
        %add3A_882 = arith.addf %add3A_876, %mul3A_881 : vector<16xf32>
        %get3A_883 = arith.index_cast %add3A_823 : i32 to index
        %get3A_884 = arith.constant 160 : index
        %get3A_885 = tpu.vector_load %arg7[%get3A_883, %get3A_884] {strides = array<i32>} : memref<256x256xf32, #tpu.memory_space<vmem>>, vector<16xf32>,
        %sub3A_886 = arith.subf %get3A_885, %get3A_23 : vector<16xf32>
        %mul3A_887 = arith.mulf %sub3A_886, %sub3A_886 : vector<16xf32>
        %add3A_888 = arith.addf %add3A_882, %mul3A_887 : vector<16xf32>
        %get3A_889 = arith.index_cast %add3A_823 : i32 to index
        %get3A_890 = arith.constant 176 : index
        %get3A_891 = tpu.vector_load %arg7[%get3A_889, %get3A_890] {strides = array<i32>} : memref<256x256xf32, #tpu.memory_space<vmem>>, vector<16xf32>,
        %sub3A_892 = arith.subf %get3A_891, %get3A_25 : vector<16xf32>
        %mul3A_893 = arith.mulf %sub3A_892, %sub3A_892 : vector<16xf32>
        %add3A_894 = arith.addf %add3A_888, %mul3A_893 : vector<16xf32>
        %get3A_895 = arith.index_cast %add3A_823 : i32 to index
        %get3A_896 = arith.constant 192 : index
        %get3A_897 = tpu.vector_load %arg7[%get3A_895, %get3A_896] {strides = array<i32>} : memref<256x256xf32, #tpu.memory_space<vmem>>, vector<16xf32>,
        %sub3A_898 = arith.subf %get3A_897, %get3A_27 : vector<16xf32>
        %mul3A_899 = arith.mulf %sub3A_898, %sub3A_898 : vector<16xf32>
        %add3A_900 = arith.addf %add3A_894, %mul3A_899 : vector<16xf32>
        %get3A_901 = arith.index_cast %add3A_823 : i32 to index
        %get3A_902 = arith.constant 208 : index
        %get3A_903 = tpu.vector_load %arg7[%get3A_901, %get3A_902] {strides = array<i32>} : memref<256x256xf32, #tpu.memory_space<vmem>>, vector<16xf32>,
        %sub3A_904 = arith.subf %get3A_903, %get3A_29 : vector<16xf32>
        %mul3A_905 = arith.mulf %sub3A_904, %sub3A_904 : vector<16xf32>
        %add3A_906 = arith.addf %add3A_900, %mul3A_905 : vector<16xf32>
        %get3A_907 = arith.index_cast %add3A_823 : i32 to index
        %get3A_908 = arith.constant 224 : index
        %get3A_909 = tpu.vector_load %arg7[%get3A_907, %get3A_908] {strides = array<i32>} : memref<256x256xf32, #tpu.memory_space<vmem>>, vector<16xf32>,
        %sub3A_910 = arith.subf %get3A_909, %get3A_31 : vector<16xf32>
        %mul3A_911 = arith.mulf %sub3A_910, %sub3A_910 : vector<16xf32>
        %add3A_912 = arith.addf %add3A_906, %mul3A_911 : vector<16xf32>
        %get3A_913 = arith.index_cast %add3A_823 : i32 to index
        %get3A_914 = arith.constant 240 : index
        %get3A_915 = tpu.vector_load %arg7[%get3A_913, %get3A_914] {strides = array<i32>} : memref<256x256xf32, #tpu.memory_space<vmem>>, vector<16xf32>,
        %sub3A_916 = arith.subf %get3A_915, %get3A_33 : vector<16xf32>
        %mul3A_917 = arith.mulf %sub3A_916, %sub3A_916 : vector<16xf32>
        %add3A_918 = arith.addf %add3A_912, %mul3A_917 : vector<16xf32>
        %mul3A_919 = arith.constant 128 : i32
        %mul3A_920 = arith.muli %scan3A_138, %mul3A_919 : i32
        %add3A_921 = arith.constant 0 : i32
        %add3A_922 = arith.addi %mul3A_920, %add3A_921 : i32
        %swap3A_923 = arith.index_cast %add3A_922 : i32 to index
        %swap3A_924 = tpu.vector_load %arg8[%swap3A_923] {strides = array<i32>} : memref<2048xf32, #tpu.memory_space<vmem>>, vector<16xf32>,
        tpu.vector_store %arg8[%swap3A_923], %add3A_239 {strides = array<i32>} : memref<2048xf32, #tpu.memory_space<vmem>>, vector<16xf32>,
        %add3A_925 = arith.constant 16 : i32
        %add3A_926 = arith.addi %mul3A_920, %add3A_925 : i32
        %swap3A_927 = arith.index_cast %add3A_926 : i32 to index
        %swap3A_928 = tpu.vector_load %arg8[%swap3A_927] {strides = array<i32>} : memref<2048xf32, #tpu.memory_space<vmem>>, vector<16xf32>,
        tpu.vector_store %arg8[%swap3A_927], %add3A_336 {strides = array<i32>} : memref<2048xf32, #tpu.memory_space<vmem>>, vector<16xf32>,
        %add3A_929 = arith.constant 32 : i32
        %add3A_930 = arith.addi %mul3A_920, %add3A_929 : i32
        %swap3A_931 = arith.index_cast %add3A_930 : i32 to index
        %swap3A_932 = tpu.vector_load %arg8[%swap3A_931] {strides = array<i32>} : memref<2048xf32, #tpu.memory_space<vmem>>, vector<16xf32>,
        tpu.vector_store %arg8[%swap3A_931], %add3A_433 {strides = array<i32>} : memref<2048xf32, #tpu.memory_space<vmem>>, vector<16xf32>,
        %add3A_933 = arith.constant 48 : i32
        %add3A_934 = arith.addi %mul3A_920, %add3A_933 : i32
        %swap3A_935 = arith.index_cast %add3A_934 : i32 to index
        %swap3A_936 = tpu.vector_load %arg8[%swap3A_935] {strides = array<i32>} : memref<2048xf32, #tpu.memory_space<vmem>>, vector<16xf32>,
        tpu.vector_store %arg8[%swap3A_935], %add3A_530 {strides = array<i32>} : memref<2048xf32, #tpu.memory_space<vmem>>, vector<16xf32>,
        %add3A_937 = arith.constant 64 : i32
        %add3A_938 = arith.addi %mul3A_920, %add3A_937 : i32
        %swap3A_939 = arith.index_cast %add3A_938 : i32 to index
        %swap3A_940 = tpu.vector_load %arg8[%swap3A_939] {strides = array<i32>} : memref<2048xf32, #tpu.memory_space<vmem>>, vector<16xf32>,
        tpu.vector_store %arg8[%swap3A_939], %add3A_627 {strides = array<i32>} : memref<2048xf32, #tpu.memory_space<vmem>>, vector<16xf32>,
        %add3A_941 = arith.constant 80 : i32
        %add3A_942 = arith.addi %mul3A_920, %add3A_941 : i32
        %swap3A_943 = arith.index_cast %add3A_942 : i32 to index
        %swap3A_944 = tpu.vector_load %arg8[%swap3A_943] {strides = array<i32>} : memref<2048xf32, #tpu.memory_space<vmem>>, vector<16xf32>,
        tpu.vector_store %arg8[%swap3A_943], %add3A_724 {strides = array<i32>} : memref<2048xf32, #tpu.memory_space<vmem>>, vector<16xf32>,
        %add3A_945 = arith.constant 96 : i32
        %add3A_946 = arith.addi %mul3A_920, %add3A_945 : i32
        %swap3A_947 = arith.index_cast %add3A_946 : i32 to index
        %swap3A_948 = tpu.vector_load %arg8[%swap3A_947] {strides = array<i32>} : memref<2048xf32, #tpu.memory_space<vmem>>, vector<16xf32>,
        tpu.vector_store %arg8[%swap3A_947], %add3A_821 {strides = array<i32>} : memref<2048xf32, #tpu.memory_space<vmem>>, vector<16xf32>,
        %add3A_949 = arith.constant 112 : i32
        %add3A_950 = arith.addi %mul3A_920, %add3A_949 : i32
        %swap3A_951 = arith.index_cast %add3A_950 : i32 to index
        %swap3A_952 = tpu.vector_load %arg8[%swap3A_951] {strides = array<i32>} : memref<2048xf32, #tpu.memory_space<vmem>>, vector<16xf32>,
        tpu.vector_store %arg8[%swap3A_951], %add3A_918 {strides = array<i32>} : memref<2048xf32, #tpu.memory_space<vmem>>, vector<16xf32>,
        %scan3A_953 = arith.constant 0 : i32
        scf.yield %scan3A_953 : i32
      }
      %scan3A_128 = arith.constant 16 : i32
      %mul3A_129 = arith.constant 128 : i32
      %mul3A_130 = arith.muli %add3A_101, %mul3A_129 : i32
      %add3A_131 = arith.addi %mul3A_2, %mul3A_130 : i32
      %scan3A_132 = arith.constant 0 : i32
      %scan3A_133 = arith.constant 8 : i32
      %scan3A_134 = arith.addi %scan3A_132, %scan3A_133 : i32
      %scan3A_135 = arith.constant 1 : i32
      %scan3A_136:2 = scf.for %scan3A_138 = %scan3A_132 to %scan3A_134 step %scan3A_135 iter_args(%scan3A_139 = %scan3A_96#0, %scan3A_140 = %scan3A_96#1) -> (vector<16xf32>, vector<16xi32>)  : i32 {
        %mul3A_141 = arith.constant 256 : i32
        %mul3A_142 = arith.muli %scan3A_138, %mul3A_141 : i32
        %add3A_143 = arith.constant 0 : i32
        %add3A_144 = arith.addi %mul3A_142, %add3A_143 : i32
        %add3A_145 = vector.broadcast %add3A_144 : i32 to vector<16xi32>
        %add3A_146 = arith.addi %mul3A_36, %add3A_145 : vector<16xi32>
        %gather3A = tpu.vector_load_idx %arg8[%add3A_146] : memref<2048xf32, #tpu.memory_space<vmem>>[vector<16xi32>], vector<16xf32>,
        %add3A_147 = arith.constant 1 : i32
        %add3A_148 = arith.addi %mul3A_142, %add3A_147 : i32
        %add3A_149 = vector.broadcast %add3A_148 : i32 to vector<16xi32>
        %add3A_150 = arith.addi %mul3A_36, %add3A_149 : vector<16xi32>
        %gather3A_151 = tpu.vector_load_idx %arg8[%add3A_150] : memref<2048xf32, #tpu.memory_space<vmem>>[vector<16xi32>], vector<16xf32>,
        %add3A_152 = arith.addf %gather3A, %gather3A_151 : vector<16xf32>
        %add3A_153 = arith.constant 2 : i32
        %add3A_154 = arith.addi %mul3A_142, %add3A_153 : i32
        %add3A_155 = vector.broadcast %add3A_154 : i32 to vector<16xi32>
        %add3A_156 = arith.addi %mul3A_36, %add3A_155 : vector<16xi32>
        %gather3A_157 = tpu.vector_load_idx %arg8[%add3A_156] : memref<2048xf32, #tpu.memory_space<vmem>>[vector<16xi32>], vector<16xf32>,
        %add3A_158 = arith.addf %add3A_152, %gather3A_157 : vector<16xf32>
        %add3A_159 = arith.constant 3 : i32
        %add3A_160 = arith.addi %mul3A_142, %add3A_159 : i32
        %add3A_161 = vector.broadcast %add3A_160 : i32 to vector<16xi32>
        %add3A_162 = arith.addi %mul3A_36, %add3A_161 : vector<16xi32>
        %gather3A_163 = tpu.vector_load_idx %arg8[%add3A_162] : memref<2048xf32, #tpu.memory_space<vmem>>[vector<16xi32>], vector<16xf32>,
        %add3A_164 = arith.addf %add3A_158, %gather3A_163 : vector<16xf32>
        %add3A_165 = arith.constant 4 : i32
        %add3A_166 = arith.addi %mul3A_142, %add3A_165 : i32
        %add3A_167 = vector.broadcast %add3A_166 : i32 to vector<16xi32>
        %add3A_168 = arith.addi %mul3A_36, %add3A_167 : vector<16xi32>
        %gather3A_169 = tpu.vector_load_idx %arg8[%add3A_168] : memref<2048xf32, #tpu.memory_space<vmem>>[vector<16xi32>], vector<16xf32>,
        %add3A_170 = arith.addf %add3A_164, %gather3A_169 : vector<16xf32>
        %add3A_171 = arith.constant 5 : i32
        %add3A_172 = arith.addi %mul3A_142, %add3A_171 : i32
        %add3A_173 = vector.broadcast %add3A_172 : i32 to vector<16xi32>
        %add3A_174 = arith.addi %mul3A_36, %add3A_173 : vector<16xi32>
        %gather3A_175 = tpu.vector_load_idx %arg8[%add3A_174] : memref<2048xf32, #tpu.memory_space<vmem>>[vector<16xi32>], vector<16xf32>,
        %add3A_176 = arith.addf %add3A_170, %gather3A_175 : vector<16xf32>
        %add3A_177 = arith.constant 6 : i32
        %add3A_178 = arith.addi %mul3A_142, %add3A_177 : i32
        %add3A_179 = vector.broadcast %add3A_178 : i32 to vector<16xi32>
        %add3A_180 = arith.addi %mul3A_36, %add3A_179 : vector<16xi32>
        %gather3A_181 = tpu.vector_load_idx %arg8[%add3A_180] : memref<2048xf32, #tpu.memory_space<vmem>>[vector<16xi32>], vector<16xf32>,
        %add3A_182 = arith.addf %add3A_176, %gather3A_181 : vector<16xf32>
        %add3A_183 = arith.constant 7 : i32
        %add3A_184 = arith.addi %mul3A_142, %add3A_183 : i32
        %add3A_185 = vector.broadcast %add3A_184 : i32 to vector<16xi32>
        %add3A_186 = arith.addi %mul3A_36, %add3A_185 : vector<16xi32>
        %gather3A_187 = tpu.vector_load_idx %arg8[%add3A_186] : memref<2048xf32, #tpu.memory_space<vmem>>[vector<16xi32>], vector<16xf32>,
        %add3A_188 = arith.addf %add3A_182, %gather3A_187 : vector<16xf32>
        %add3A_189 = arith.constant 8 : i32
        %add3A_190 = arith.addi %mul3A_142, %add3A_189 : i32
        %add3A_191 = vector.broadcast %add3A_190 : i32 to vector<16xi32>
        %add3A_192 = arith.addi %mul3A_36, %add3A_191 : vector<16xi32>
        %gather3A_193 = tpu.vector_load_idx %arg8[%add3A_192] : memref<2048xf32, #tpu.memory_space<vmem>>[vector<16xi32>], vector<16xf32>,
        %add3A_194 = arith.addf %add3A_188, %gather3A_193 : vector<16xf32>
        %add3A_195 = arith.constant 9 : i32
        %add3A_196 = arith.addi %mul3A_142, %add3A_195 : i32
        %add3A_197 = vector.broadcast %add3A_196 : i32 to vector<16xi32>
        %add3A_198 = arith.addi %mul3A_36, %add3A_197 : vector<16xi32>
        %gather3A_199 = tpu.vector_load_idx %arg8[%add3A_198] : memref<2048xf32, #tpu.memory_space<vmem>>[vector<16xi32>], vector<16xf32>,
        %add3A_200 = arith.addf %add3A_194, %gather3A_199 : vector<16xf32>
        %add3A_201 = arith.constant 10 : i32
        %add3A_202 = arith.addi %mul3A_142, %add3A_201 : i32
        %add3A_203 = vector.broadcast %add3A_202 : i32 to vector<16xi32>
        %add3A_204 = arith.addi %mul3A_36, %add3A_203 : vector<16xi32>
        %gather3A_205 = tpu.vector_load_idx %arg8[%add3A_204] : memref<2048xf32, #tpu.memory_space<vmem>>[vector<16xi32>], vector<16xf32>,
        %add3A_206 = arith.addf %add3A_200, %gather3A_205 : vector<16xf32>
        %add3A_207 = arith.constant 11 : i32
        %add3A_208 = arith.addi %mul3A_142, %add3A_207 : i32
        %add3A_209 = vector.broadcast %add3A_208 : i32 to vector<16xi32>
        %add3A_210 = arith.addi %mul3A_36, %add3A_209 : vector<16xi32>
        %gather3A_211 = tpu.vector_load_idx %arg8[%add3A_210] : memref<2048xf32, #tpu.memory_space<vmem>>[vector<16xi32>], vector<16xf32>,
        %add3A_212 = arith.addf %add3A_206, %gather3A_211 : vector<16xf32>
        %add3A_213 = arith.constant 12 : i32
        %add3A_214 = arith.addi %mul3A_142, %add3A_213 : i32
        %add3A_215 = vector.broadcast %add3A_214 : i32 to vector<16xi32>
        %add3A_216 = arith.addi %mul3A_36, %add3A_215 : vector<16xi32>
        %gather3A_217 = tpu.vector_load_idx %arg8[%add3A_216] : memref<2048xf32, #tpu.memory_space<vmem>>[vector<16xi32>], vector<16xf32>,
        %add3A_218 = arith.addf %add3A_212, %gather3A_217 : vector<16xf32>
        %add3A_219 = arith.constant 13 : i32
        %add3A_220 = arith.addi %mul3A_142, %add3A_219 : i32
        %add3A_221 = vector.broadcast %add3A_220 : i32 to vector<16xi32>
        %add3A_222 = arith.addi %mul3A_36, %add3A_221 : vector<16xi32>
        %gather3A_223 = tpu.vector_load_idx %arg8[%add3A_222] : memref<2048xf32, #tpu.memory_space<vmem>>[vector<16xi32>], vector<16xf32>,
        %add3A_224 = arith.addf %add3A_218, %gather3A_223 : vector<16xf32>
        %add3A_225 = arith.constant 14 : i32
        %add3A_226 = arith.addi %mul3A_142, %add3A_225 : i32
        %add3A_227 = vector.broadcast %add3A_226 : i32 to vector<16xi32>
        %add3A_228 = arith.addi %mul3A_36, %add3A_227 : vector<16xi32>
        %gather3A_229 = tpu.vector_load_idx %arg8[%add3A_228] : memref<2048xf32, #tpu.memory_space<vmem>>[vector<16xi32>], vector<16xf32>,
        %add3A_230 = arith.addf %add3A_224, %gather3A_229 : vector<16xf32>
        %add3A_231 = arith.constant 15 : i32
        %add3A_232 = arith.addi %mul3A_142, %add3A_231 : i32
        %add3A_233 = vector.broadcast %add3A_232 : i32 to vector<16xi32>
        %add3A_234 = arith.addi %mul3A_36, %add3A_233 : vector<16xi32>
        %gather3A_235 = tpu.vector_load_idx %arg8[%add3A_234] : memref<2048xf32, #tpu.memory_space<vmem>>[vector<16xi32>], vector<16xf32>,
        %add3A_236 = arith.addf %add3A_230, %gather3A_235 : vector<16xf32>
        %mul3A_237 = arith.constant 16 : i32
        %mul3A_238 = arith.muli %scan3A_138, %mul3A_237 : i32
        %add3A_239 = arith.addi %add3A_131, %mul3A_238 : i32
        %add3A_240 = vector.broadcast %add3A_239 : i32 to vector<16xi32>
        %add3A_241 = arith.addi %iota3A, %add3A_240 : vector<16xi32>
        %lt3A_242 = arith.cmpf olt, %add3A_236, %scan3A_139 : vector<16xf32>
        %select_n3A = arith.select %lt3A_242, %add3A_236, %scan3A_139 : vector<16xi1>, vector<16xf32>
        %select_n3A_243 = arith.select %lt3A_242, %add3A_241, %scan3A_140 : vector<16xi1>, vector<16xi32>
        scf.yield %select_n3A, %select_n3A_243 : vector<16xf32>, vector<16xi32>
      }
      %scan3A_137 = arith.constant 8 : i32
      scf.yield %scan3A_136#0, %scan3A_136#1 : vector<16xf32>, vector<16xi32>
    }
    %scan3A_55 = arith.constant 2 : i32
    %swap3A = arith.constant 0 : index
    %swap3A_56 = tpu.vector_load %arg9[%swap3A] {strides = array<i32>} : memref<16xf32, #tpu.memory_space<vmem>>, vector<16xf32>,
    tpu.vector_store %arg9[%swap3A], %scan3A_54#0 {strides = array<i32>} : memref<16xf32, #tpu.memory_space<vmem>>, vector<16xf32>,
    %swap3A_57 = arith.constant 0 : index
    %swap3A_58 = tpu.vector_load %arg10[%swap3A_57] {strides = array<i32>} : memref<16xi32, #tpu.memory_space<vmem>>, vector<16xi32>,
    tpu.vector_store %arg10[%swap3A_57], %scan3A_54#1 {strides = array<i32>} : memref<16xi32, #tpu.memory_space<vmem>>, vector<16xi32>,
    "tpu.region"() ({
      %run_scoped3A = tpu.sem_alloc : memref<!tpu.dma_semaphore, #tpu.memory_space<semaphore_mem>>
      %dma_start3A_59 = arith.constant 0 : i32
      %dma_start3A_60 = tpu.memref_slice %arg4[%add3A, %dma_start3A_59] : memref<16x16xf32, #tpu.memory_space<hbm>> -> memref<1x16xf32, #tpu.memory_space<hbm>>
      %dma_start3A_61 = tpu.memref_squeeze %dma_start3A_60 : memref<1x16xf32, #tpu.memory_space<hbm>> -> memref<16xf32, #tpu.memory_space<hbm>>
      %dma_start3A_62 = arith.constant 0 : i32
      %dma_start3A_63 = tpu.memref_slice %arg4[%add3A, %dma_start3A_62] : memref<16x16xf32, #tpu.memory_space<hbm>> -> memref<1x16xf32, #tpu.memory_space<hbm>>
      %dma_start3A_64 = tpu.memref_squeeze %dma_start3A_63 : memref<1x16xf32, #tpu.memory_space<hbm>> -> memref<16xf32, #tpu.memory_space<hbm>>
      tpu.enqueue_dma source(%arg9 : memref<16xf32, #tpu.memory_space<vmem>>) target(%dma_start3A_64 : memref<16xf32, #tpu.memory_space<hbm>>) target_semaphore(%run_scoped3A : memref<!tpu.dma_semaphore, #tpu.memory_space<semaphore_mem>>)
      %dma_wait3A = arith.constant 0 : i32
      %dma_wait3A_65 = tpu.memref_slice %arg4[%add3A, %dma_wait3A] : memref<16x16xf32, #tpu.memory_space<hbm>> -> memref<1x16xf32, #tpu.memory_space<hbm>>
      %dma_wait3A_66 = tpu.memref_squeeze %dma_wait3A_65 : memref<1x16xf32, #tpu.memory_space<hbm>> -> memref<16xf32, #tpu.memory_space<hbm>>
      %dma_wait3A_67 = arith.constant 0 : i32
      %dma_wait3A_68 = tpu.memref_slice %arg4[%add3A, %dma_wait3A_67] : memref<16x16xf32, #tpu.memory_space<hbm>> -> memref<1x16xf32, #tpu.memory_space<hbm>>
      %dma_wait3A_69 = tpu.memref_squeeze %dma_wait3A_68 : memref<1x16xf32, #tpu.memory_space<hbm>> -> memref<16xf32, #tpu.memory_space<hbm>>
      tpu.wait_dma2 semaphore(%run_scoped3A : memref<!tpu.dma_semaphore, #tpu.memory_space<semaphore_mem>>) src(%arg9 : memref<16xf32, #tpu.memory_space<vmem>>) dst(%dma_wait3A_69 : memref<16xf32, #tpu.memory_space<hbm>>)
      tpu.yield
    }) : () -> ()
    "tpu.region"() ({
      %run_scoped3A = tpu.sem_alloc : memref<!tpu.dma_semaphore, #tpu.memory_space<semaphore_mem>>
      %dma_start3A_59 = arith.constant 0 : i32
      %dma_start3A_60 = tpu.memref_slice %arg5[%add3A, %dma_start3A_59] : memref<16x16xi32, #tpu.memory_space<hbm>> -> memref<1x16xi32, #tpu.memory_space<hbm>>
      %dma_start3A_61 = tpu.memref_squeeze %dma_start3A_60 : memref<1x16xi32, #tpu.memory_space<hbm>> -> memref<16xi32, #tpu.memory_space<hbm>>
      %dma_start3A_62 = arith.constant 0 : i32
      %dma_start3A_63 = tpu.memref_slice %arg5[%add3A, %dma_start3A_62] : memref<16x16xi32, #tpu.memory_space<hbm>> -> memref<1x16xi32, #tpu.memory_space<hbm>>
      %dma_start3A_64 = tpu.memref_squeeze %dma_start3A_63 : memref<1x16xi32, #tpu.memory_space<hbm>> -> memref<16xi32, #tpu.memory_space<hbm>>
      tpu.enqueue_dma source(%arg10 : memref<16xi32, #tpu.memory_space<vmem>>) target(%dma_start3A_64 : memref<16xi32, #tpu.memory_space<hbm>>) target_semaphore(%run_scoped3A : memref<!tpu.dma_semaphore, #tpu.memory_space<semaphore_mem>>)
      %dma_wait3A = arith.constant 0 : i32
      %dma_wait3A_65 = tpu.memref_slice %arg5[%add3A, %dma_wait3A] : memref<16x16xi32, #tpu.memory_space<hbm>> -> memref<1x16xi32, #tpu.memory_space<hbm>>
      %dma_wait3A_66 = tpu.memref_squeeze %dma_wait3A_65 : memref<1x16xi32, #tpu.memory_space<hbm>> -> memref<16xi32, #tpu.memory_space<hbm>>
      %dma_wait3A_67 = arith.constant 0 : i32
      %dma_wait3A_68 = tpu.memref_slice %arg5[%add3A, %dma_wait3A_67] : memref<16x16xi32, #tpu.memory_space<hbm>> -> memref<1x16xi32, #tpu.memory_space<hbm>>
      %dma_wait3A_69 = tpu.memref_squeeze %dma_wait3A_68 : memref<1x16xi32, #tpu.memory_space<hbm>> -> memref<16xi32, #tpu.memory_space<hbm>>
      tpu.wait_dma2 semaphore(%run_scoped3A : memref<!tpu.dma_semaphore, #tpu.memory_space<semaphore_mem>>) src(%arg10 : memref<16xi32, #tpu.memory_space<vmem>>) dst(%dma_wait3A_69 : memref<16xi32, #tpu.memory_space<hbm>>)
      tpu.yield
    }) : () -> ()
    return
  }
}

module attributes {stable_mosaic.version = 14 : i64} {
  func.func @_tc_finish_body(%arg0: memref<16x16xf32, #tpu.memory_space<vmem>>, %arg1: memref<16x16xi32, #tpu.memory_space<vmem>>, %arg2: memref<8x128xf32, #tpu.memory_space<vmem>>, %arg3: memref<8x128xi32, #tpu.memory_space<vmem>>, %arg4: memref<1xf32, #tpu.memory_space<smem>>, %arg5: memref<256x256xf32, #tpu.memory_space<vmem>>) attributes {dimension_semantics = [], scalar_prefetch = 0 : i64, scratch_operands = 0 : i64, tpu.core_type = #tpu.core_type<tc>} {
    %get3A = arith.constant 0 : index
    %get3A_0 = arith.constant 0 : index
    %get3A_1 = vector.load %arg0[%get3A, %get3A_0] : memref<16x16xf32, #tpu.memory_space<vmem>>, vector<16x16xf32>
    %get3A_2 = arith.constant 0 : index
    %get3A_3 = arith.constant 0 : index
    %get3A_4 = vector.load %arg1[%get3A_2, %get3A_3] : memref<16x16xi32, #tpu.memory_space<vmem>>, vector<16x16xi32>
    %get3A_5 = arith.constant 0 : index
    %get3A_6 = arith.constant 0 : index
    %get3A_7 = vector.load %arg2[%get3A_5, %get3A_6] : memref<8x128xf32, #tpu.memory_space<vmem>>, vector<8x128xf32>
    %get3A_8 = arith.constant 0 : index
    %get3A_9 = arith.constant 0 : index
    %get3A_10 = vector.load %arg3[%get3A_8, %get3A_9] : memref<8x128xi32, #tpu.memory_space<vmem>>, vector<8x128xi32>
    %reduce_min3A = vector.shape_cast %get3A_1 : vector<16x16xf32> to vector<1x16x16xf32>
    %reduce_min3A_11 = arith.constant dense<0x7F800000> : vector<1xf32>
    %reduce_min3A_12 = vector.multi_reduction <minimumf>, %reduce_min3A, %reduce_min3A_11 [1, 2] : vector<1x16x16xf32> to vector<1xf32>
    %reduce_min3A_13 = vector.shape_cast %reduce_min3A_12 : vector<1xf32> to vector<1x1x1xf32>
    %reduce_min3A_14 = vector.extract %reduce_min3A_13[0, 0, 0] : f32 from vector<1x1x1xf32>
    %reduce_min3A_15 = vector.shape_cast %get3A_7 : vector<8x128xf32> to vector<1x8x128xf32>
    %reduce_min3A_16 = arith.constant dense<0x7F800000> : vector<1xf32>
    %reduce_min3A_17 = vector.multi_reduction <minimumf>, %reduce_min3A_15, %reduce_min3A_16 [1, 2] : vector<1x8x128xf32> to vector<1xf32>
    %reduce_min3A_18 = vector.shape_cast %reduce_min3A_17 : vector<1xf32> to vector<1x1x1xf32>
    %reduce_min3A_19 = vector.extract %reduce_min3A_18[0, 0, 0] : f32 from vector<1x1x1xf32>
    %min3A = arith.minimumf %reduce_min3A_14, %reduce_min3A_19 : f32
    %eq3A = vector.broadcast %min3A : f32 to vector<16x16xf32>
    %eq3A_20 = arith.cmpf oeq, %get3A_1, %eq3A : vector<16x16xf32>
    %jit3A = arith.constant 65536 : i32
    %broadcast_in_dim3A = vector.broadcast %jit3A : i32 to vector<16x16xi32>
    %select_n3A = arith.select %eq3A_20, %get3A_4, %broadcast_in_dim3A : vector<16x16xi1>, vector<16x16xi32>
    %reduce_min3A_21 = vector.shape_cast %select_n3A : vector<16x16xi32> to vector<1x16x16xi32>
    %reduce_min3A_22 = arith.constant dense<2147483647> : vector<1xi32>
    %reduce_min3A_23 = vector.multi_reduction <minsi>, %reduce_min3A_21, %reduce_min3A_22 [1, 2] : vector<1x16x16xi32> to vector<1xi32>
    %reduce_min3A_24 = vector.shape_cast %reduce_min3A_23 : vector<1xi32> to vector<1x1x1xi32>
    %reduce_min3A_25 = vector.extract %reduce_min3A_24[0, 0, 0] : i32 from vector<1x1x1xi32>
    %eq3A_26 = vector.broadcast %min3A : f32 to vector<8x128xf32>
    %eq3A_27 = arith.cmpf oeq, %get3A_7, %eq3A_26 : vector<8x128xf32>
    %jit3A_28 = arith.constant 65536 : i32
    %broadcast_in_dim3A_29 = vector.broadcast %jit3A_28 : i32 to vector<8x128xi32>
    %select_n3A_30 = arith.select %eq3A_27, %get3A_10, %broadcast_in_dim3A_29 : vector<8x128xi1>, vector<8x128xi32>
    %reduce_min3A_31 = vector.shape_cast %select_n3A_30 : vector<8x128xi32> to vector<1x8x128xi32>
    %reduce_min3A_32 = arith.constant dense<2147483647> : vector<1xi32>
    %reduce_min3A_33 = vector.multi_reduction <minsi>, %reduce_min3A_31, %reduce_min3A_32 [1, 2] : vector<1x8x128xi32> to vector<1xi32>
    %reduce_min3A_34 = vector.shape_cast %reduce_min3A_33 : vector<1xi32> to vector<1x1x1xi32>
    %reduce_min3A_35 = vector.extract %reduce_min3A_34[0, 0, 0] : i32 from vector<1x1x1xi32>
    %min3A_36 = arith.minsi %reduce_min3A_25, %reduce_min3A_35 : i32
    %jit3A_37 = arith.constant 256 : i32
    %div3A = arith.divsi %min3A_36, %jit3A_37 : i32
    %sign3A = arith.constant 0 : i32
    %sign3A_38 = arith.cmpi sgt, %min3A_36, %sign3A : i32
    %sign3A_39 = arith.extui %sign3A_38 : i1 to i32
    %sign3A_40 = arith.constant 0 : i32
    %sign3A_41 = arith.cmpi slt, %min3A_36, %sign3A_40 : i32
    %sign3A_42 = arith.extui %sign3A_41 : i1 to i32
    %sign3A_43 = arith.subi %sign3A_39, %sign3A_42 : i32
    %sign3A_44 = arith.constant 0 : i32
    %sign3A_45 = arith.cmpi sgt, %jit3A_37, %sign3A_44 : i32
    %sign3A_46 = arith.extui %sign3A_45 : i1 to i32
    %sign3A_47 = arith.constant 0 : i32
    %sign3A_48 = arith.cmpi slt, %jit3A_37, %sign3A_47 : i32
    %sign3A_49 = arith.extui %sign3A_48 : i1 to i32
    %sign3A_50 = arith.subi %sign3A_46, %sign3A_49 : i32
    %ne3A = arith.cmpi ne, %sign3A_43, %sign3A_50 : i32
    %rem3A = arith.remsi %min3A_36, %jit3A_37 : i32
    %ne3A_51 = arith.constant 0 : i32
    %ne3A_52 = arith.cmpi ne, %rem3A, %ne3A_51 : i32
    %and3A = arith.andi %ne3A, %ne3A_52 : i1
    %sub3A = arith.constant 1 : i32
    %sub3A_53 = arith.subi %div3A, %sub3A : i32
    %select_n3A_54 = arith.select %and3A, %sub3A_53, %div3A : i32
    %convert_element_type3A = arith.sitofp %select_n3A_54 : i32 to f32
    %jit3A_55 = arith.constant 256 : i32
    %eq3A_56 = arith.constant 0 : i32
    %eq3A_57 = arith.cmpi eq, %jit3A_55, %eq3A_56 : i32
    %jit3A_58 = arith.constant 1 : i32
    %select_n3A_59 = arith.select %eq3A_57, %jit3A_58, %jit3A_55 : i32
    %rem3A_60 = arith.remsi %min3A_36, %select_n3A_59 : i32
    %ne3A_61 = arith.constant 0 : i32
    %ne3A_62 = arith.cmpi ne, %rem3A_60, %ne3A_61 : i32
    %lt3A = arith.constant 0 : i32
    %lt3A_63 = arith.cmpi slt, %rem3A_60, %lt3A : i32
    %lt3A_64 = arith.constant 0 : i32
    %lt3A_65 = arith.cmpi slt, %select_n3A_59, %lt3A_64 : i32
    %ne3A_66 = arith.xori %lt3A_63, %lt3A_65 : i1
    %and3A_67 = arith.andi %ne3A_66, %ne3A_62 : i1
    %add3A = arith.addi %rem3A_60, %select_n3A_59 : i32
    %select_n3A_68 = arith.select %and3A_67, %add3A, %rem3A_60 : i32
    %convert_element_type3A_69 = arith.sitofp %select_n3A_68 : i32 to f32
    %iota3A = tpu.iota {dimensions = array<i32: 0>} : vector<256x256xi32>
    %convert_element_type3A_70 = arith.sitofp %iota3A : vector<256x256xi32> to vector<256x256xf32>
    %iota3A_71 = tpu.iota {dimensions = array<i32: 1>} : vector<256x256xi32>
    %convert_element_type3A_72 = arith.sitofp %iota3A_71 : vector<256x256xi32> to vector<256x256xf32>
    %get3A_73 = arith.constant 0 : index
    %get3A_74 = memref.load %arg4[%get3A_73] : memref<1xf32, #tpu.memory_space<smem>>
    %sub3A_75 = vector.broadcast %convert_element_type3A : f32 to vector<256x256xf32>
    %sub3A_76 = arith.subf %convert_element_type3A_70, %sub3A_75 : vector<256x256xf32>
    %integer_pow3A = arith.mulf %sub3A_76, %sub3A_76 : vector<256x256xf32>
    %sub3A_77 = vector.broadcast %convert_element_type3A_69 : f32 to vector<256x256xf32>
    %sub3A_78 = arith.subf %convert_element_type3A_72, %sub3A_77 : vector<256x256xf32>
    %integer_pow3A_79 = arith.mulf %sub3A_78, %sub3A_78 : vector<256x256xf32>
    %add3A_80 = arith.addf %integer_pow3A, %integer_pow3A_79 : vector<256x256xf32>
    %mul3A = vector.broadcast %get3A_74 : f32 to vector<256x256xf32>
    %mul3A_81 = arith.mulf %add3A_80, %mul3A : vector<256x256xf32>
    %exp3A = math.exp %mul3A_81 : vector<256x256xf32>
    %swap3A = arith.constant 0 : index
    %swap3A_82 = arith.constant 0 : index
    %swap3A_83 = vector.load %arg5[%swap3A, %swap3A_82] : memref<256x256xf32, #tpu.memory_space<vmem>>, vector<256x256xf32>
    tpu.vector_store %arg5[%swap3A, %swap3A_82], %exp3A {strides = array<i32>} : memref<256x256xf32, #tpu.memory_space<vmem>>, vector<256x256xf32>,
    return
  }
}

module attributes {stable_mosaic.version = 14 : i64} {
  func.func @_tc_scan_body(%arg0: memref<1x256xf32, #tpu.memory_space<vmem>>, %arg1: memref<128x128xf32, #tpu.memory_space<vmem>>, %arg2: memref<512x128x256xf32, #tpu.memory_space<hbm>>, %arg3: memref<8x128xf32, #tpu.memory_space<vmem>>, %arg4: memref<8x128xi32, #tpu.memory_space<vmem>>, %arg5: memref<48x128x256xf32, #tpu.memory_space<vmem>>, %arg6: memref<6x!tpu.dma_semaphore, #tpu.memory_space<semaphore_mem>>) attributes {dimension_semantics = [], scalar_prefetch = 0 : i64, scratch_operands = 2 : i64, tpu.core_type = #tpu.core_type<tc>} {
    %get3A = arith.constant 0 : index
    %get3A_0 = arith.constant 0 : index
    %get3A_1 = vector.load %arg0[%get3A, %get3A_0] : memref<1x256xf32, #tpu.memory_space<vmem>>, vector<1x256xf32>
    %squeeze3A = vector.shape_cast %get3A_1 : vector<1x256xf32> to vector<256xf32>
    %get3A_2 = arith.constant 0 : index
    %get3A_3 = arith.constant 0 : index
    %get3A_4 = vector.load %arg1[%get3A_2, %get3A_3] : memref<128x128xf32, #tpu.memory_space<vmem>>, vector<128x128xf32>
    %dma_start3A = arith.constant 0 : i32
    %dma_start3A_5 = tpu.memref_slice %arg6[%dma_start3A] : memref<6x!tpu.dma_semaphore, #tpu.memory_space<semaphore_mem>> -> memref<1x!tpu.dma_semaphore, #tpu.memory_space<semaphore_mem>>
    %dma_start3A_6 = tpu.memref_squeeze %dma_start3A_5 : memref<1x!tpu.dma_semaphore, #tpu.memory_space<semaphore_mem>> -> memref<!tpu.dma_semaphore, #tpu.memory_space<semaphore_mem>>
    %dma_start3A_7 = arith.constant 0 : i32
    %dma_start3A_8 = arith.constant 0 : i32
    %dma_start3A_9 = arith.constant 0 : i32
    %dma_start3A_10 = tpu.memref_slice %arg5[%dma_start3A_7, %dma_start3A_8, %dma_start3A_9] : memref<48x128x256xf32, #tpu.memory_space<vmem>> -> memref<8x128x256xf32, #tpu.memory_space<vmem>>
    %dma_start3A_11 = arith.constant 64 : i32
    %dma_start3A_12 = arith.constant 0 : i32
    %dma_start3A_13 = arith.constant 0 : i32
    %dma_start3A_14 = tpu.memref_slice %arg2[%dma_start3A_11, %dma_start3A_12, %dma_start3A_13] : memref<512x128x256xf32, #tpu.memory_space<hbm>> -> memref<8x128x256xf32, #tpu.memory_space<hbm>>
    tpu.enqueue_dma source(%dma_start3A_14 : memref<8x128x256xf32, #tpu.memory_space<hbm>>) target(%dma_start3A_10 : memref<8x128x256xf32, #tpu.memory_space<vmem>>) target_semaphore(%dma_start3A_6 : memref<!tpu.dma_semaphore, #tpu.memory_space<semaphore_mem>>)
    %dma_start3A_15 = arith.constant 1 : i32
    %dma_start3A_16 = tpu.memref_slice %arg6[%dma_start3A_15] : memref<6x!tpu.dma_semaphore, #tpu.memory_space<semaphore_mem>> -> memref<1x!tpu.dma_semaphore, #tpu.memory_space<semaphore_mem>>
    %dma_start3A_17 = tpu.memref_squeeze %dma_start3A_16 : memref<1x!tpu.dma_semaphore, #tpu.memory_space<semaphore_mem>> -> memref<!tpu.dma_semaphore, #tpu.memory_space<semaphore_mem>>
    %dma_start3A_18 = arith.constant 8 : i32
    %dma_start3A_19 = arith.constant 0 : i32
    %dma_start3A_20 = arith.constant 0 : i32
    %dma_start3A_21 = tpu.memref_slice %arg5[%dma_start3A_18, %dma_start3A_19, %dma_start3A_20] : memref<48x128x256xf32, #tpu.memory_space<vmem>> -> memref<8x128x256xf32, #tpu.memory_space<vmem>>
    %dma_start3A_22 = arith.constant 72 : i32
    %dma_start3A_23 = arith.constant 0 : i32
    %dma_start3A_24 = arith.constant 0 : i32
    %dma_start3A_25 = tpu.memref_slice %arg2[%dma_start3A_22, %dma_start3A_23, %dma_start3A_24] : memref<512x128x256xf32, #tpu.memory_space<hbm>> -> memref<8x128x256xf32, #tpu.memory_space<hbm>>
    tpu.enqueue_dma source(%dma_start3A_25 : memref<8x128x256xf32, #tpu.memory_space<hbm>>) target(%dma_start3A_21 : memref<8x128x256xf32, #tpu.memory_space<vmem>>) target_semaphore(%dma_start3A_17 : memref<!tpu.dma_semaphore, #tpu.memory_space<semaphore_mem>>)
    %dma_start3A_26 = arith.constant 2 : i32
    %dma_start3A_27 = tpu.memref_slice %arg6[%dma_start3A_26] : memref<6x!tpu.dma_semaphore, #tpu.memory_space<semaphore_mem>> -> memref<1x!tpu.dma_semaphore, #tpu.memory_space<semaphore_mem>>
    %dma_start3A_28 = tpu.memref_squeeze %dma_start3A_27 : memref<1x!tpu.dma_semaphore, #tpu.memory_space<semaphore_mem>> -> memref<!tpu.dma_semaphore, #tpu.memory_space<semaphore_mem>>
    %dma_start3A_29 = arith.constant 16 : i32
    %dma_start3A_30 = arith.constant 0 : i32
    %dma_start3A_31 = arith.constant 0 : i32
    %dma_start3A_32 = tpu.memref_slice %arg5[%dma_start3A_29, %dma_start3A_30, %dma_start3A_31] : memref<48x128x256xf32, #tpu.memory_space<vmem>> -> memref<8x128x256xf32, #tpu.memory_space<vmem>>
    %dma_start3A_33 = arith.constant 80 : i32
    %dma_start3A_34 = arith.constant 0 : i32
    %dma_start3A_35 = arith.constant 0 : i32
    %dma_start3A_36 = tpu.memref_slice %arg2[%dma_start3A_33, %dma_start3A_34, %dma_start3A_35] : memref<512x128x256xf32, #tpu.memory_space<hbm>> -> memref<8x128x256xf32, #tpu.memory_space<hbm>>
    tpu.enqueue_dma source(%dma_start3A_36 : memref<8x128x256xf32, #tpu.memory_space<hbm>>) target(%dma_start3A_32 : memref<8x128x256xf32, #tpu.memory_space<vmem>>) target_semaphore(%dma_start3A_28 : memref<!tpu.dma_semaphore, #tpu.memory_space<semaphore_mem>>)
    %dma_start3A_37 = arith.constant 3 : i32
    %dma_start3A_38 = tpu.memref_slice %arg6[%dma_start3A_37] : memref<6x!tpu.dma_semaphore, #tpu.memory_space<semaphore_mem>> -> memref<1x!tpu.dma_semaphore, #tpu.memory_space<semaphore_mem>>
    %dma_start3A_39 = tpu.memref_squeeze %dma_start3A_38 : memref<1x!tpu.dma_semaphore, #tpu.memory_space<semaphore_mem>> -> memref<!tpu.dma_semaphore, #tpu.memory_space<semaphore_mem>>
    %dma_start3A_40 = arith.constant 24 : i32
    %dma_start3A_41 = arith.constant 0 : i32
    %dma_start3A_42 = arith.constant 0 : i32
    %dma_start3A_43 = tpu.memref_slice %arg5[%dma_start3A_40, %dma_start3A_41, %dma_start3A_42] : memref<48x128x256xf32, #tpu.memory_space<vmem>> -> memref<8x128x256xf32, #tpu.memory_space<vmem>>
    %dma_start3A_44 = arith.constant 88 : i32
    %dma_start3A_45 = arith.constant 0 : i32
    %dma_start3A_46 = arith.constant 0 : i32
    %dma_start3A_47 = tpu.memref_slice %arg2[%dma_start3A_44, %dma_start3A_45, %dma_start3A_46] : memref<512x128x256xf32, #tpu.memory_space<hbm>> -> memref<8x128x256xf32, #tpu.memory_space<hbm>>
    tpu.enqueue_dma source(%dma_start3A_47 : memref<8x128x256xf32, #tpu.memory_space<hbm>>) target(%dma_start3A_43 : memref<8x128x256xf32, #tpu.memory_space<vmem>>) target_semaphore(%dma_start3A_39 : memref<!tpu.dma_semaphore, #tpu.memory_space<semaphore_mem>>)
    %dma_start3A_48 = arith.constant 4 : i32
    %dma_start3A_49 = tpu.memref_slice %arg6[%dma_start3A_48] : memref<6x!tpu.dma_semaphore, #tpu.memory_space<semaphore_mem>> -> memref<1x!tpu.dma_semaphore, #tpu.memory_space<semaphore_mem>>
    %dma_start3A_50 = tpu.memref_squeeze %dma_start3A_49 : memref<1x!tpu.dma_semaphore, #tpu.memory_space<semaphore_mem>> -> memref<!tpu.dma_semaphore, #tpu.memory_space<semaphore_mem>>
    %dma_start3A_51 = arith.constant 32 : i32
    %dma_start3A_52 = arith.constant 0 : i32
    %dma_start3A_53 = arith.constant 0 : i32
    %dma_start3A_54 = tpu.memref_slice %arg5[%dma_start3A_51, %dma_start3A_52, %dma_start3A_53] : memref<48x128x256xf32, #tpu.memory_space<vmem>> -> memref<8x128x256xf32, #tpu.memory_space<vmem>>
    %dma_start3A_55 = arith.constant 96 : i32
    %dma_start3A_56 = arith.constant 0 : i32
    %dma_start3A_57 = arith.constant 0 : i32
    %dma_start3A_58 = tpu.memref_slice %arg2[%dma_start3A_55, %dma_start3A_56, %dma_start3A_57] : memref<512x128x256xf32, #tpu.memory_space<hbm>> -> memref<8x128x256xf32, #tpu.memory_space<hbm>>
    tpu.enqueue_dma source(%dma_start3A_58 : memref<8x128x256xf32, #tpu.memory_space<hbm>>) target(%dma_start3A_54 : memref<8x128x256xf32, #tpu.memory_space<vmem>>) target_semaphore(%dma_start3A_50 : memref<!tpu.dma_semaphore, #tpu.memory_space<semaphore_mem>>)
    %scan3A = arith.constant 0x7F800000 : f32
    %scan3A_59 = arith.constant 0 : i32
    %scan3A_60 = arith.constant 0 : i32
    %scan3A_61 = arith.constant 56 : i32
    %scan3A_62 = arith.addi %scan3A_60, %scan3A_61 : i32
    %scan3A_63 = arith.constant 1 : i32
    %scan3A_64:2 = scf.for %scan3A_119 = %scan3A_60 to %scan3A_62 step %scan3A_63 iter_args(%scan3A_120 = %scan3A, %scan3A_121 = %scan3A_59) -> (f32, i32)  : i32 {
      %rem3A = arith.constant 6 : i32
      %rem3A_122 = arith.remsi %scan3A_119, %rem3A : i32
      %add3A_123 = arith.constant 8 : i32
      %add3A_124 = arith.addi %add3A_123, %scan3A_119 : i32
      %mul3A_125 = arith.constant 8 : i32
      %mul3A_126 = arith.muli %add3A_124, %mul3A_125 : i32
      %mul3A_127 = arith.constant 8 : i32
      %mul3A_128 = arith.muli %rem3A_122, %mul3A_127 : i32
      %dma_wait3A_129 = tpu.memref_slice %arg6[%rem3A_122] : memref<6x!tpu.dma_semaphore, #tpu.memory_space<semaphore_mem>> -> memref<1x!tpu.dma_semaphore, #tpu.memory_space<semaphore_mem>>
      %dma_wait3A_130 = tpu.memref_squeeze %dma_wait3A_129 : memref<1x!tpu.dma_semaphore, #tpu.memory_space<semaphore_mem>> -> memref<!tpu.dma_semaphore, #tpu.memory_space<semaphore_mem>>
      %dma_wait3A_131 = arith.constant 0 : i32
      %dma_wait3A_132 = arith.constant 0 : i32
      %dma_wait3A_133 = tpu.memref_slice %arg5[%mul3A_128, %dma_wait3A_131, %dma_wait3A_132] : memref<48x128x256xf32, #tpu.memory_space<vmem>> -> memref<8x128x256xf32, #tpu.memory_space<vmem>>
      %dma_wait3A_134 = arith.constant 0 : i32
      %dma_wait3A_135 = arith.constant 0 : i32
      %dma_wait3A_136 = tpu.memref_slice %arg2[%mul3A_126, %dma_wait3A_134, %dma_wait3A_135] : memref<512x128x256xf32, #tpu.memory_space<hbm>> -> memref<8x128x256xf32, #tpu.memory_space<hbm>>
      tpu.wait_dma2 semaphore(%dma_wait3A_130 : memref<!tpu.dma_semaphore, #tpu.memory_space<semaphore_mem>>) src(%dma_wait3A_136 : memref<8x128x256xf32, #tpu.memory_space<hbm>>) dst(%dma_wait3A_133 : memref<8x128x256xf32, #tpu.memory_space<vmem>>)
      %add3A_137 = arith.constant 5 : i32
      %add3A_138 = arith.addi %scan3A_119, %add3A_137 : i32
      %lt3A = arith.constant 56 : i32
      %lt3A_139 = arith.cmpi slt, %add3A_138, %lt3A : i32
      %convert_element_type3A = arith.extui %lt3A_139 : i1 to i32
      %cond3A = arith.constant 0 : i32
      %cond3A_140 = arith.cmpi ne, %convert_element_type3A, %cond3A : i32
      scf.if %cond3A_140 {
        %rem3A_165 = arith.constant 6 : i32
        %rem3A_166 = arith.remsi %add3A_138, %rem3A_165 : i32
        %add3A_167 = arith.constant 8 : i32
        %add3A_168 = arith.addi %add3A_167, %add3A_138 : i32
        %mul3A_169 = arith.constant 8 : i32
        %mul3A_170 = arith.muli %add3A_168, %mul3A_169 : i32
        %mul3A_171 = arith.constant 8 : i32
        %mul3A_172 = arith.muli %rem3A_166, %mul3A_171 : i32
        %dma_start3A_173 = tpu.memref_slice %arg6[%rem3A_166] : memref<6x!tpu.dma_semaphore, #tpu.memory_space<semaphore_mem>> -> memref<1x!tpu.dma_semaphore, #tpu.memory_space<semaphore_mem>>
        %dma_start3A_174 = tpu.memref_squeeze %dma_start3A_173 : memref<1x!tpu.dma_semaphore, #tpu.memory_space<semaphore_mem>> -> memref<!tpu.dma_semaphore, #tpu.memory_space<semaphore_mem>>
        %dma_start3A_175 = arith.constant 0 : i32
        %dma_start3A_176 = arith.constant 0 : i32
        %dma_start3A_177 = tpu.memref_slice %arg5[%mul3A_172, %dma_start3A_175, %dma_start3A_176] : memref<48x128x256xf32, #tpu.memory_space<vmem>> -> memref<8x128x256xf32, #tpu.memory_space<vmem>>
        %dma_start3A_178 = arith.constant 0 : i32
        %dma_start3A_179 = arith.constant 0 : i32
        %dma_start3A_180 = tpu.memref_slice %arg2[%mul3A_170, %dma_start3A_178, %dma_start3A_179] : memref<512x128x256xf32, #tpu.memory_space<hbm>> -> memref<8x128x256xf32, #tpu.memory_space<hbm>>
        tpu.enqueue_dma source(%dma_start3A_180 : memref<8x128x256xf32, #tpu.memory_space<hbm>>) target(%dma_start3A_177 : memref<8x128x256xf32, #tpu.memory_space<vmem>>) target_semaphore(%dma_start3A_174 : memref<!tpu.dma_semaphore, #tpu.memory_space<semaphore_mem>>)
      } else {
      }
      %mul3A_141 = arith.constant 8 : i32
      %mul3A_142 = arith.muli %rem3A_122, %mul3A_141 : i32
      %get3A_143 = arith.index_cast %mul3A_142 : i32 to index
      %get3A_144 = arith.constant 0 : index
      %get3A_145 = arith.constant 0 : index
      %get3A_146 = vector.load %arg5[%get3A_143, %get3A_144, %get3A_145] : memref<48x128x256xf32, #tpu.memory_space<vmem>>, vector<8x128x256xf32>
      %broadcast_in_dim3A_147 = vector.shape_cast %squeeze3A : vector<256xf32> to vector<1x1x256xf32>
      %sub3A_148 = vector.broadcast %broadcast_in_dim3A_147 : vector<1x1x256xf32> to vector<8x128x256xf32>
      %sub3A_149 = arith.subf %get3A_146, %sub3A_148 : vector<8x128x256xf32>
      %mul3A_150 = arith.mulf %sub3A_149, %sub3A_149 : vector<8x128x256xf32>
      %slice3A_151 = vector.extract_strided_slice %mul3A_150 {offsets = [0, 0, 0], sizes = [8, 128, 128], strides = [1, 1, 1]} : vector<8x128x256xf32> to vector<8x128x128xf32>
      %slice3A_152 = vector.extract_strided_slice %mul3A_150 {offsets = [0, 0, 128], sizes = [8, 128, 128], strides = [1, 1, 1]} : vector<8x128x256xf32> to vector<8x128x128xf32>
      %add3A_153 = arith.addf %slice3A_151, %slice3A_152 : vector<8x128x128xf32>
      %reshape3A_154 = vector.shape_cast %add3A_153 : vector<8x128x128xf32> to vector<1024x128xf32>
      %dot_general3A_155 = arith.constant dense<0.000000e+00> : vector<1024x128xf32>
      %dot_general3A_156 = tpu.matmul %reshape3A_154, %get3A_4, %dot_general3A_155 {dimension_numbers = #tpu.dot_dimension_numbers<[1], [0], [0], [1], [0, 0, 1, 1], [], []>, transpose_lhs_hint = false} : vector<1024x128xf32>, vector<128x128xf32>, vector<1024x128xf32> -> vector<1024x128xf32>
      %reduce_min3A_157 = vector.shape_cast %dot_general3A_156 : vector<1024x128xf32> to vector<1x1024x128xf32>
      %reduce_min3A_158 = arith.constant dense<0x7F800000> : vector<1xf32>
      %reduce_min3A_159 = vector.multi_reduction <minimumf>, %reduce_min3A_157, %reduce_min3A_158 [1, 2] : vector<1x1024x128xf32> to vector<1xf32>
      %reduce_min3A_160 = vector.shape_cast %reduce_min3A_159 : vector<1xf32> to vector<1x1x1xf32>
      %reduce_min3A_161 = vector.extract %reduce_min3A_160[0, 0, 0] : f32 from vector<1x1x1xf32>
      %lt3A_162 = arith.cmpf olt, %reduce_min3A_161, %scan3A_120 : f32
      %select_n3A_163 = arith.select %lt3A_162, %reduce_min3A_161, %scan3A_120 : f32
      %select_n3A_164 = arith.select %lt3A_162, %scan3A_119, %scan3A_121 : i32
      scf.yield %select_n3A_163, %select_n3A_164 : f32, i32
    }
    %scan3A_65 = arith.constant 56 : i32
    %add3A = arith.constant 8 : i32
    %add3A_66 = arith.addi %add3A, %scan3A_64#1 : i32
    %mul3A = arith.constant 8 : i32
    %mul3A_67 = arith.muli %add3A_66, %mul3A : i32
    %dma_start3A_68 = arith.constant 0 : i32
    %dma_start3A_69 = tpu.memref_slice %arg6[%dma_start3A_68] : memref<6x!tpu.dma_semaphore, #tpu.memory_space<semaphore_mem>> -> memref<1x!tpu.dma_semaphore, #tpu.memory_space<semaphore_mem>>
    %dma_start3A_70 = tpu.memref_squeeze %dma_start3A_69 : memref<1x!tpu.dma_semaphore, #tpu.memory_space<semaphore_mem>> -> memref<!tpu.dma_semaphore, #tpu.memory_space<semaphore_mem>>
    %dma_start3A_71 = arith.constant 0 : i32
    %dma_start3A_72 = arith.constant 0 : i32
    %dma_start3A_73 = arith.constant 0 : i32
    %dma_start3A_74 = tpu.memref_slice %arg5[%dma_start3A_71, %dma_start3A_72, %dma_start3A_73] : memref<48x128x256xf32, #tpu.memory_space<vmem>> -> memref<8x128x256xf32, #tpu.memory_space<vmem>>
    %dma_start3A_75 = arith.constant 0 : i32
    %dma_start3A_76 = arith.constant 0 : i32
    %dma_start3A_77 = tpu.memref_slice %arg2[%mul3A_67, %dma_start3A_75, %dma_start3A_76] : memref<512x128x256xf32, #tpu.memory_space<hbm>> -> memref<8x128x256xf32, #tpu.memory_space<hbm>>
    tpu.enqueue_dma source(%dma_start3A_77 : memref<8x128x256xf32, #tpu.memory_space<hbm>>) target(%dma_start3A_74 : memref<8x128x256xf32, #tpu.memory_space<vmem>>) target_semaphore(%dma_start3A_70 : memref<!tpu.dma_semaphore, #tpu.memory_space<semaphore_mem>>)
    %add3A_78 = arith.constant 8 : i32
    %add3A_79 = arith.addi %add3A_78, %scan3A_64#1 : i32
    %mul3A_80 = arith.constant 8 : i32
    %mul3A_81 = arith.muli %add3A_79, %mul3A_80 : i32
    %dma_wait3A = arith.constant 0 : i32
    %dma_wait3A_82 = tpu.memref_slice %arg6[%dma_wait3A] : memref<6x!tpu.dma_semaphore, #tpu.memory_space<semaphore_mem>> -> memref<1x!tpu.dma_semaphore, #tpu.memory_space<semaphore_mem>>
    %dma_wait3A_83 = tpu.memref_squeeze %dma_wait3A_82 : memref<1x!tpu.dma_semaphore, #tpu.memory_space<semaphore_mem>> -> memref<!tpu.dma_semaphore, #tpu.memory_space<semaphore_mem>>
    %dma_wait3A_84 = arith.constant 0 : i32
    %dma_wait3A_85 = arith.constant 0 : i32
    %dma_wait3A_86 = arith.constant 0 : i32
    %dma_wait3A_87 = tpu.memref_slice %arg5[%dma_wait3A_84, %dma_wait3A_85, %dma_wait3A_86] : memref<48x128x256xf32, #tpu.memory_space<vmem>> -> memref<8x128x256xf32, #tpu.memory_space<vmem>>
    %dma_wait3A_88 = arith.constant 0 : i32
    %dma_wait3A_89 = arith.constant 0 : i32
    %dma_wait3A_90 = tpu.memref_slice %arg2[%mul3A_81, %dma_wait3A_88, %dma_wait3A_89] : memref<512x128x256xf32, #tpu.memory_space<hbm>> -> memref<8x128x256xf32, #tpu.memory_space<hbm>>
    tpu.wait_dma2 semaphore(%dma_wait3A_83 : memref<!tpu.dma_semaphore, #tpu.memory_space<semaphore_mem>>) src(%dma_wait3A_90 : memref<8x128x256xf32, #tpu.memory_space<hbm>>) dst(%dma_wait3A_87 : memref<8x128x256xf32, #tpu.memory_space<vmem>>)
    %get3A_91 = arith.constant 0 : index
    %get3A_92 = arith.constant 0 : index
    %get3A_93 = arith.constant 0 : index
    %get3A_94 = vector.load %arg5[%get3A_91, %get3A_92, %get3A_93] : memref<48x128x256xf32, #tpu.memory_space<vmem>>, vector<8x128x256xf32>
    %broadcast_in_dim3A = vector.shape_cast %squeeze3A : vector<256xf32> to vector<1x1x256xf32>
    %sub3A = vector.broadcast %broadcast_in_dim3A : vector<1x1x256xf32> to vector<8x128x256xf32>
    %sub3A_95 = arith.subf %get3A_94, %sub3A : vector<8x128x256xf32>
    %mul3A_96 = arith.mulf %sub3A_95, %sub3A_95 : vector<8x128x256xf32>
    %slice3A = vector.extract_strided_slice %mul3A_96 {offsets = [0, 0, 0], sizes = [8, 128, 128], strides = [1, 1, 1]} : vector<8x128x256xf32> to vector<8x128x128xf32>
    %slice3A_97 = vector.extract_strided_slice %mul3A_96 {offsets = [0, 0, 128], sizes = [8, 128, 128], strides = [1, 1, 1]} : vector<8x128x256xf32> to vector<8x128x128xf32>
    %add3A_98 = arith.addf %slice3A, %slice3A_97 : vector<8x128x128xf32>
    %reshape3A = vector.shape_cast %add3A_98 : vector<8x128x128xf32> to vector<1024x128xf32>
    %dot_general3A = arith.constant dense<0.000000e+00> : vector<1024x128xf32>
    %dot_general3A_99 = tpu.matmul %reshape3A, %get3A_4, %dot_general3A {dimension_numbers = #tpu.dot_dimension_numbers<[1], [0], [0], [1], [0, 0, 1, 1], [], []>, transpose_lhs_hint = false} : vector<1024x128xf32>, vector<128x128xf32>, vector<1024x128xf32> -> vector<1024x128xf32>
    %iota3A = tpu.iota {dimensions = array<i32: 0>} : vector<1024x128xi32>
    %mul3A_100 = arith.constant 1024 : i32
    %mul3A_101 = arith.muli %scan3A_64#1, %mul3A_100 : i32
    %add3A_102 = arith.constant 8192 : i32
    %add3A_103 = arith.addi %add3A_102, %mul3A_101 : i32
    %add3A_104 = vector.broadcast %add3A_103 : i32 to vector<1024x128xi32>
    %add3A_105 = arith.addi %iota3A, %add3A_104 : vector<1024x128xi32>
    %eq3A = vector.broadcast %scan3A_64#0 : f32 to vector<1024x128xf32>
    %eq3A_106 = arith.cmpf oeq, %dot_general3A_99, %eq3A : vector<1024x128xf32>
    %jit3A = arith.constant 65536 : i32
    %broadcast_in_dim3A_107 = vector.broadcast %jit3A : i32 to vector<1024x128xi32>
    %select_n3A = arith.select %eq3A_106, %add3A_105, %broadcast_in_dim3A_107 : vector<1024x128xi1>, vector<1024x128xi32>
    %reduce_min3A = vector.shape_cast %select_n3A : vector<1024x128xi32> to vector<1x1024x128xi32>
    %reduce_min3A_108 = arith.constant dense<2147483647> : vector<1xi32>
    %reduce_min3A_109 = vector.multi_reduction <minsi>, %reduce_min3A, %reduce_min3A_108 [1, 2] : vector<1x1024x128xi32> to vector<1xi32>
    %reduce_min3A_110 = vector.shape_cast %reduce_min3A_109 : vector<1xi32> to vector<1x1x1xi32>
    %reduce_min3A_111 = vector.extract %reduce_min3A_110[0, 0, 0] : i32 from vector<1x1x1xi32>
    %broadcast_in_dim3A_112 = vector.broadcast %scan3A_64#0 : f32 to vector<8x128xf32>
    %swap3A = arith.constant 0 : index
    %swap3A_113 = arith.constant 0 : index
    %swap3A_114 = vector.load %arg3[%swap3A, %swap3A_113] : memref<8x128xf32, #tpu.memory_space<vmem>>, vector<8x128xf32>
    tpu.vector_store %arg3[%swap3A, %swap3A_113], %broadcast_in_dim3A_112 {strides = array<i32>} : memref<8x128xf32, #tpu.memory_space<vmem>>, vector<8x128xf32>,
    %broadcast_in_dim3A_115 = vector.broadcast %reduce_min3A_111 : i32 to vector<8x128xi32>
    %swap3A_116 = arith.constant 0 : index
    %swap3A_117 = arith.constant 0 : index
    %swap3A_118 = vector.load %arg4[%swap3A_116, %swap3A_117] : memref<8x128xi32, #tpu.memory_space<vmem>>, vector<8x128xi32>
    tpu.vector_store %arg4[%swap3A_116, %swap3A_117], %broadcast_in_dim3A_115 {strides = array<i32>} : memref<8x128xi32, #tpu.memory_space<vmem>>, vector<8x128xi32>,
    return
  }
}

</mosaic_0001>

<sc_bundles>
// kernel: kernel.5.cloned.1.call-start
scs
__scs_entry_jumppad:
0x0: {  	(pc) =	sbr.rel $0x88, $3  }
0x1: {  	(tag) =	ssettag $0x0;
	lr =	simm.s32 $0x1  }
0x2: {  	[smem:$0x3F9E] =	sst lr;
	_ =	strace $0xD0000000  }
0x3: {  	_ = 	snop  }
0x4: {  	_ = 	snop  }
0x5: {  	_ = 	snop  }
0x6: {  	_ = 	snop  }
0x7: {  	_ = 	snop  }
__scs_overlays_trampoline_lowered:
0x8: {  	[smem:$0x3FAD] =	sst s0  }
0x9: {  	[smem:$0x3FAE] =	sst s1  }
0xa: {  	[smem:$0x3FAF] =	sst s2  }
0xb: {  	[smem:$0x3FB0] =	sst s3  }
0xc: {  	[smem:$0x3FB1] =	sst s4  }
0xd: {  	[smem:$0x3FB2] =	sst s5  }
0xe: {  	[smem:$0x3FB3] =	sst s6  }
0xf: {  	[smem:$0x3FB4] =	sst s7  }
0x10: {  	[smem:$0x3FB5] =	sst s8  }
0x11: {  	[smem:$0x3FB6] =	sst s9;
	s0 =	simm.s32 @!p0 $0x0  }
0x12: {  	s1 =	sld [smem:$0x3F9C];
	s0 =	simm.s32 @p0 $0x1  }
0x13: {  	[smem:$0x3FB7] =	sst s0;
	s0 =	simm.s32 @!p1 $0x0  }
0x14: {  	s2 =	sld [smem:$0x3F9B];
	s0 =	simm.s32 @p1 $0x1  }
0x15: {  	[smem:$0x3FB8] =	sst s0;
	s0 =	simm.s32 @!p2 $0x0  }
0x16: {  	s3 =	sld [smem:$0x3FDB];
	s0 =	simm.s32 @p2 $0x1  }
0x17: {  	s4 =	simm.s32 $0x1BF5;
	[smem:$0x3FBA] =	sst s0  }
0x18: {  	s0 =	sld [smem:$0x3F9D];
	_ =	swait.ge [sflag:s4], $0x0  }
0x19: {  	s7 =	sld [smem:$0x3F9E]  }
0x1a: {  	s8 =	sadd.s32 $0xFFFFE003, lr  }
0x1b: {  	s9 =	sadd.s32 $0xFFFFFEF7, lr;
	s5 =	simm.s32 $0xFFFFFFFF;
	p2 =	slt.u32 s8, $0xFFFFF086  }
0x1c: {  	p1 =	slt.u32 s9, $0xF7A;
	s5 =	simm.s32 @!p2 $0x0  }
0x1d: {  	s5 =	simm.s32 @p1 $0x1;
	p0 =	seq.s32 s7, s2  }
0x1e: {  	s7 =	smul.u32 @!p0 $0xF7A, s2;
	p2 =	seq.s32 @!p0 s5, $0x0  }
0x1f: {  	s9 =	smul.u32 $0xF7A, s1;
	s8 =	simm.s32 @!p0 $0x1BF5;
	p2 =	por !p2, p0  }
0x20: {  	[sflag:s8] =	ssyncset.s32 @!p0 $0xFFFFF086;
	s6 =	sadd.s32 @!p0 s3, s7;
	s7 =	simm.s32 @!p0 $0x108  }
0x21: {  	s3 =	sadd.s32 s3, s9;
	s6 =	sadd.s32 @!p0 $0x88, s6;
	s7 =	simm.s32 @p2 $0x1082  }
0x22: {  	[simem:s7], [sflag:s8] =	dma.local @!p0 [hbm:s6], $0xF7A  }
0x23: {  	s9 =	sor.u32 $0xD0000000, s2;
	s6 =	simm.s32 $0x108;
	_ =	swait.ge @!p0 [sflag:s8], $0x0  }
0x24: {  	s3 =	sadd.s32 $0x88, s3;
	s6 =	simm.s32 @!p1 $0x1082;
	[sflag:s4] =	ssyncset.s32 $0xFFFFF086  }
0x25: {  	[simem:s6], [sflag:s4] =	dma.local [hbm:s3], $0xF7A  }
0x26: {  	[smem:$0x3F9E] =	sst s1;
	(tag) =	ssettag s2;
	_ =	strace s9  }
0x27: {  	s1 =	sld [smem:$0x3FAE]  }
0x28: {  	s2 =	sld [smem:$0x3FAF]  }
0x29: {  	s4 =	sld [smem:$0x3FB1]  }
0x2a: {  	p0 =	seq.s32 s5, $0x0;
	s5 =	sld [smem:$0x3FB2]  }
0x2b: {  	s6 =	sld [smem:$0x3FB3]  }
0x2c: {  	s7 =	sld [smem:$0x3FB4]  }
0x2d: {  	s3 =	simm.s32 $0x108;
	s8 =	sld [smem:$0x3FB5]  }
0x2e: {  	s3 =	simm.s32 @!p0 $0x1082;
	s9 =	sld [smem:$0x3FB6]  }
0x2f: {  	lr =	sadd.s32 s0, s3;
	s0 =	sld [smem:$0x3FAD]  }
0x30: {  	s3 =	sld [smem:$0x3FB0]  }
0x31: {  	[smem:$0x3FB9] =	sst s10  }
0x32: {  	s10 =	sld [smem:$0x3FB7];
	_ =	sdelay $0x3  }
0x33: {  	p0 =	seq.s32 s10, $0x1;
	s10 =	sld [smem:$0x3FB9];
	_ =	sdelay $0x3  }
0x34: {  	[smem:$0x3FB9] =	sst s10  }
0x35: {  	s10 =	sld [smem:$0x3FB8];
	_ =	sdelay $0x3  }
0x36: {  	p1 =	seq.s32 s10, $0x1;
	s10 =	sld [smem:$0x3FB9];
	_ =	sdelay $0x3  }
0x37: {  	[smem:$0x3FB9] =	sst s10  }
0x38: {  	s10 =	sld [smem:$0x3FBA]  }
0x39: {  	_ = 	snop;
	(pc) =	sbr.ind lr, $3  }
0x3a: {  	_ = 	snop  }
0x3b: {  	_ = 	snop  }
0x3c: {  	p2 =	seq.s32 s10, $0x1;
	s10 =	sld [smem:$0x3FB9]  }
0x3d: {  	_ =	shalt  }
0x3e: {  	_ =	shalt  }
0x3f: {  	_ =	shalt  }
0x40: {  	_ =	shalt  }
0x41: {  	_ =	shalt  }
0x42: {  	_ =	shalt  }
0x43: {  	_ =	shalt  }
0x44: {  	_ =	shalt  }
0x45: {  	_ =	shalt  }
0x46: {  	_ =	shalt  }
0x47: {  	_ =	shalt  }
0x48: {  	_ =	shalt  }
0x49: {  	_ =	shalt  }
0x4a: {  	_ =	shalt  }
0x4b: {  	_ =	shalt  }
0x4c: {  	_ =	shalt  }
0x4d: {  	_ =	shalt  }
0x4e: {  	_ =	shalt  }
0x4f: {  	_ =	shalt  }
0x50: {  	_ =	shalt  }
0x51: {  	_ =	shalt  }
0x52: {  	_ =	shalt  }
0x53: {  	_ =	shalt  }
0x54: {  	_ =	shalt  }
0x55: {  	_ =	shalt  }
0x56: {  	_ =	shalt  }
0x57: {  	_ =	shalt  }
0x58: {  	_ =	shalt  }
0x59: {  	_ =	shalt  }
0x5a: {  	_ =	shalt  }
0x5b: {  	_ =	shalt  }
0x5c: {  	_ =	shalt  }
0x5d: {  	_ =	shalt  }
0x5e: {  	_ =	shalt  }
0x5f: {  	_ =	shalt  }
0x60: {  	_ =	shalt  }
0x61: {  	_ =	shalt  }
0x62: {  	_ =	shalt  }
0x63: {  	_ =	shalt  }
0x64: {  	_ =	shalt  }
0x65: {  	_ =	shalt  }
0x66: {  	_ =	shalt  }
0x67: {  	_ =	shalt  }
0x68: {  	_ =	shalt  }
0x69: {  	_ =	shalt  }
0x6a: {  	_ =	shalt  }
0x6b: {  	_ =	shalt  }
0x6c: {  	_ =	shalt  }
0x6d: {  	_ =	shalt  }
0x6e: {  	_ =	shalt  }
0x6f: {  	_ =	shalt  }
0x70: {  	_ =	shalt  }
0x71: {  	_ =	shalt  }
0x72: {  	_ =	shalt  }
0x73: {  	_ =	shalt  }
0x74: {  	_ =	shalt  }
0x75: {  	_ =	shalt  }
0x76: {  	_ =	shalt  }
0x77: {  	_ =	shalt  }
0x78: {  	_ =	shalt  }
0x79: {  	_ =	shalt  }
0x7a: {  	_ =	shalt  }
0x7b: {  	_ =	shalt  }
0x7c: {  	_ =	shalt  }
0x7d: {  	_ =	shalt  }
0x7e: {  	_ =	shalt  }
0x7f: {  	_ =	shalt  }
0x80: {  	_ =	shalt  }
0x81: {  	_ =	shalt  }
0x82: {  	_ =	shalt  }
0x83: {  	_ =	shalt  }
0x84: {  	_ =	shalt  }
0x85: {  	_ =	shalt  }
0x86: {  	_ =	shalt  }
0x87: {  	_ =	shalt  }
.Lfunc_end0:
.L_simem_size_0:
called_computation_lowered:
.L_overlay_start_0:
0x88: {  	s0 =	sld [smem:$0x3FD9]  }
0x89: {  	s1 =	sld [smem:$0x3FFE];
	_ =	sdelay $0x3  }
0x8a: {  	s0 =	sadd.s32 s1, s0  }
0x8b: {  	[smem:$0x3FC5] =	sst s0  }
0x8c: {  	_ = 	snop  }
0x8d: {  	s0 =	sld [smem:$0x3FC9]  }
0x8e: {  	s16 =	sld [smem:$0x3FC8]  }
0x8f: {  	s2 =	sld [smem:$0x3FD0];
	(tm) =	ssettm $0x1  }
0x90: {  	s3 =	sld [smem:$0x3FFB];
	_ =	sdelay $0x3  }
0x91: {  	_ =	strace s3  }
0x92: {  	s3 =	sld [smem:$0x3FFC];
	_ =	sdelay $0x3  }
0x93: {  	_ =	strace s3  }
0x94: {  	s3 =	sld [smem:$0x3FFD];
	_ =	sdelay $0x3  }
0x95: {  	_ =	strace s3  }
0x96: {  	_ =	strace $0x8FFFFFFF  }
0x97: {  	s17 =	sld [smem:$0x3FDB];
	_ =	sdelay $0x1  }
0x98: {  	s4 =	simm.s32 $_scs_section_size  }
0x99: {  	s5 =	simm.s32 $_size__tile_overlayer_lowered;
	s6 =	simm.s32 $_tile_overlayer_lowered  }
0x9a: {  	s20 =	simm.s32 $0x1BFF;
	s19 =	sshll.u32 s6, $0x1;
	s3 =	sadd.s32 s4, s17  }
0x9b: {  	s7 =	simm.s32 $0x0;
	s18 =	sshll.u32 s5, $0x1;
	s5 =	sadd.s32 s19, s3  }
0x9c: {  	[timem:s7], [sflag:s20] =	dma.local [hbm:s5], s18  }
0x9d: {  	_ =	swait.ge [sflag:s20], s18  }
0x9e: {  	s4 =	ssub.s32 $0x0, s18;
	[sflag:s20] =	ssyncset.done $0x0  }
0x9f: {  	[sflag:s20] =	ssyncadd.s32 s4;
	_ =	sdelay $0x1  }
0xa0: {  	s21 =	simm.s32 $0x1B8B  }
0xa1: {  	_ =	swait.ge [sflag:s21], $0x1  }
0xa2: {  	[sflag:s21] =	ssyncset.done $0x0  }
0xa3: {  	s23 =	simm.s32 $0x1B8E;
	s22 =	sld [smem:$0x3FFE];
	[sflag:s21] =	ssyncadd.s32 $0xFFFFFFFF  }
0xa4: {  	s24 =	simm.s32 $execute0_lowered;
	[smem:$0x3FD2] =	sst s23  }
0xa5: {  	s5 =	sshll.u32 s24, $0x1;
	_ =	strace $0x80000046;
	[dreg:$0x1] =	wrdreg $0xFFFFFFFF  }
0xa6: {  	s25 =	simm.s32 $_size_execute0_lowered;
	s3 =	sadd.s32 s3, s5;
	[dreg:$0x0] =	wrdreg $0x0  }
0xa7: {  	s5 =	sshll.u32 s25, $0x1;
	[dreg:$0x2] =	wrdreg s3  }
0xa8: {  	[dreg:$0x3] =	wrdreg s5  }
0xa9: {  	[dreg:$0x4] =	wrdreg $0xC0  }
0xaa: {  	_ =	task [dreg:s7], $0x5FFFF  }
0xab: {  	[dreg:$0x1] =	wrdreg $0xFFFFFFFF  }
0xac: {  	[dreg:$0x0] =	wrdreg $0x60  }
0xad: {  	[dreg:$0x2] =	wrdreg s0  }
0xae: {  	[dreg:$0x3] =	wrdreg s16  }
0xaf: {  	[dreg:$0x4] =	wrdreg s2  }
0xb0: {  	[dreg:$0x5] =	wrdreg s22  }
0xb1: {  	[dreg:$0x6] =	wrdreg $0x9  }
0xb2: {  	_ =	task.clear_ibuf [dreg:s7], $0x7FFFF;
	_ =	strace $0x90000046  }
0xb3: {  	s26 =	simm.s32 $0x9;
	_ =	strace $0x80000048  }
0xb4: {  	_ =	swait.ge [sflag:s26], $0x1  }
0xb5: {  	[sflag:s26] =	ssyncadd.s32 $0xFFFFFFFF  }
0xb6: {  	_ =	strace $0x90000048  }
0xb7: {  	_ =	sfence  }
0xb8: {  	s28 =	sld [smem:$0x0];
	_ =	sdelay $0x1  }
0xb9: {  	s29 =	srdreg.scid  }
0xba: {  	s30 =	sshll.u32 s29, $0xD;
	s31 =	sshrl.u32 s29, $0x2  }
0xbb: {  	s1 =	sand.u32 $0x1, s29;
	s2 =	sand.u32 $0x4000, s30;
	s0 =	sadd.s32 s31, s28  }
0xbc: {  	s1 =	sor.u32 s2, s1;
	s0 =	sshll.u32 s0, $0x11  }
0xbd: {  	s0 =	sor.u32 s0, s1  }
0xbe: {  	s0 =	sadd.s32 $0x8F2B, s0  }
0xbf: {  	[sflag:s0] =	ssyncadd.remote.s32 $0x1  }
0xc0: {  	_ =	sfence.sel $0xFFFF  }
0xc1: {  	[dreg:$0x0] =	wrdreg $0xFFFFFFFF;
	(pc) =	sbr.abs _section_cstart, $3  }
0xc2: {  	[dreg:$0x1] =	wrdreg $0xFFFFFFFF  }
0xc3: {  	_ =	task.clear_ibuf [dreg:s7], $0x2FFFF;
	_ =	strace $0x9FFFFFFF  }
0xc4: {  	(tm) =	ssettm $0x7FFFFFFF  }
0xc5: {  	_ =	shalt  }
tec
execute0_lowered:
.L_overlay_start_1:
0x0: {  	(tag) =	ssettag $0x1  }
0x1: {  	s2 =	rddreg [dreg:$0x0]  }
0x2: {  	s4 =	rddreg [dreg:$0x1]  }
0x3: {  	s1 =	rddreg [dreg:$0x2]  }
0x4: {  	s7 =	rddreg [dreg:$0x3];
	s3 =	simm.s32 $0x0  }
0x5: {  	[smem:$0x7FF] =	sst s3  }
0x6: {  	s0 =	rddreg [dreg:$0x4];
	s30 =	simm.s32 $0x3;
	_ =	strace $0x80000047  }
0x7: {  	[tilespmem:s3], [sflag:$0x3] =	stream.linear.gather [hbm4b:s2+s3], $0x100, $0x38;
	[tilespmem:$0x10A00] =	vst v63  }
0x8: {  	_ =	swait.ge [sflag:s30], $0x100  }
0x9: {  	[sflag:s30] =	ssyncset.done $0x0  }
0xa: {  	[sflag:s30] =	ssyncadd.s32 $0xFFFFFF00  }
0xb: {  	v0 =	vld [tilespmem:$0x0]  }
0xc: {  	v1 =	vld [tilespmem:$0x10]  }
0xd: {  	v2 =	vld [tilespmem:$0x20]  }
0xe: {  	v3 =	vld [tilespmem:$0x30]  }
0xf: {  	v4 =	vld [tilespmem:$0x40]  }
0x10: {  	v5 =	vld [tilespmem:$0x50]  }
0x11: {  	v6 =	vld [tilespmem:$0x60]  }
0x12: {  	v7 =	vld [tilespmem:$0x70]  }
0x13: {  	v8 =	vld [tilespmem:$0x80]  }
0x14: {  	v9 =	vld [tilespmem:$0x90]  }
0x15: {  	s31 =	simm.s32 $0x100;
	p1 =	por $0x1, $0x1;
	v10 =	vld [tilespmem:$0xA0]  }
0x16: {  	s9 =	simm.s32 $0x1;
	s10 =	simm.s32 $0x8100;
	s2 =	stileid.u32;
	v11 =	vld [tilespmem:$0xB0]  }
0x17: {  	s11 =	simm.s32 $0x10100;
	s12 =	simm.s32 $0x2;
	s6 =	sshll.u32 s2, $0xE;
	v12 =	vld [tilespmem:$0xC0]  }
0x18: {  	s13 =	simm.s32 $0x0;
	s5 =	sshll.u32 s2, $0x9;
	s6 =	sadd.s32 s4, s6;
	v13 =	vld [tilespmem:$0xD0]  }
0x19: {  	s4 =	sadd.s32 $0x1000, s7;
	s8 =	sor.u32 $0x80, s5;
	s7 =	sadd.s32 $0x2000, s6;
	v14 =	vld [tilespmem:$0xE0]  }
0x1a: {  	v19 =	vimm.f32 $+Inf;
	v18 =	vimm.s32 $0x0;
	v16 =	vlaneseq.u32;
	v15 =	vld [tilespmem:$0xF0];
	[tilespmem:s31], [sflag:$0x1] =	stream.linear.gather [hbm4b:s6+s3], $0x8000, $0x38  }
.LBB2_1:
0x1b: {  	_ =	swait.ge [sflag:s9], $0x8000;
	s14 =	sshll.u32 s13, $0xD  }
0x1c: {  	[sflag:s9] =	ssyncset.done $0x0;
	s14 =	sadd.s32 s14, s6  }
0x1d: {  	[sflag:s9] =	ssyncadd.s32 $0xFFFF8000;
	s14 =	sadd.s32 $0x1000, s14  }
0x1e: {  	[tilespmem:s10], [sflag:$0x2] =	stream.linear.gather [hbm4b:s14+s3], $0x8000, $0x38;
	[tilespmem:$0x10A00] =	vst v63  }
0x1f: {  	p0 =	por p1, p1;
	s15 =	simm.s32 $0x0;
	s14 =	simm.s32 $0x500  }
.LBB2_2:
0x20: {  	v17 =	vld [tilespmem:s14+$0xFFFFFC00]  }
0x21: {  	v20 =	vld [tilespmem:s14+$0xFFFFFC10]  }
0x22: {  	v21 =	vld [tilespmem:s14+$0xFFFFFC20]  }
0x23: {  	v22 =	vld [tilespmem:s14+$0xFFFFFC30]  }
0x24: {  	v23 =	vld [tilespmem:s14+$0xFFFFFC40]  }
0x25: {  	v24 =	vld [tilespmem:s14+$0xFFFFFC80]  }
0x26: {  	v25 =	vld [tilespmem:s14+$0xFFFFFC90]  }
0x27: {  	v26 =	vld [tilespmem:s14+$0xFFFFFC50]  }
0x28: {  	v45 =	vld [tilespmem:s14+$0xFFFFFCA0]  }
0x29: {  	v27 =	vld [tilespmem:s14+$0xFFFFFC60]  }
0x2a: {  	v47 =	vld [tilespmem:s14+$0xFFFFFCB0]  }
0x2b: {  	v28 =	vld [tilespmem:s14+$0xFFFFFC70]  }
0x2c: {  	v49 =	vld [tilespmem:s14+$0xFFFFFCC0]  }
0x2d: {  	v29 =	vld [tilespmem:s14+$0x0]  }
0x2e: {  	v51 =	vld [tilespmem:s14+$0xFFFFFCD0];
	v17 =	vsub.f32 v17, v0  }
0x2f: {  	v30 =	vld [tilespmem:s14+$0x10];
	v20 =	vsub.f32 v20, v1;
	v21 =	vsub.f32 v21, v2  }
0x30: {  	v53 =	vld [tilespmem:s14+$0xFFFFFCE0];
	v44 =	vsub.f32 v22, v3;
	v46 =	vsub.f32 v23, v4  }
0x31: {  	v54 =	vld [tilespmem:s14+$0x20];
	v24 =	vsub.f32 v24, v0;
	v25 =	vsub.f32 v25, v1  }
0x32: {  	v57 =	vld [tilespmem:s14+$0xFFFFFCF0];
	v48 =	vsub.f32 v26, v5;
	v22 =	vsub.f32 v45, v2  }
0x33: {  	v58 =	vld [tilespmem:s14+$0x30];
	v50 =	vsub.f32 v27, v6;
	v23 =	vsub.f32 v47, v3  }
0x34: {  	v62 =	vld [tilespmem:s14+$0x80];
	v52 =	vsub.f32 v28, v7;
	v55 =	vsub.f32 v49, v4  }
0x35: {  	v36 =	vld [tilespmem:s14+$0x50];
	v56 =	vsub.f32 v29, v8;
	v60 =	vsub.f32 v51, v5  }
0x36: {  	v41 =	vld [tilespmem:s14+$0x60];
	v61 =	vsub.f32 v30, v9;
	v33 =	vsub.f32 v53, v6  }
0x37: {  	v31 =	vld [tilespmem:s14+$0xFFFFFD90];
	v34 =	vsub.f32 v54, v10;
	v38 =	vsub.f32 v57, v7  }
0x38: {  	v39 =	vsub.f32 v58, v11;
	v45 =	vld [tilespmem:s14+$0xB0];
	v17 =	vmul.f32 v17, v17;
	v20 =	vmul.f32 v20, v20  }
0x39: {  	v43 =	vsub.f32 v62, v8;
	v58 =	vld [tilespmem:s14+$0xFFFFFD10];
	v24 =	vmul.f32 v24, v24;
	v25 =	vmul.f32 v25, v25  }
0x3a: {  	v63 =	vld [tilespmem:s14+$0x40];
	v49 =	vsub.f32 v36, v13;
	v22 =	vmul.f32 v22, v22;
	v23 =	vmul.f32 v23, v23  }
0x3b: {  	v54 =	vsub.f32 v41, v14;
	v62 =	vld [tilespmem:s14+$0xFFFFFD20];
	v59 =	vmul.f32 v55, v55;
	v32 =	vmul.f32 v60, v60  }
0x3c: {  	v31 =	vsub.f32 v31, v1;
	v37 =	vmul.f32 v33, v33;
	v42 =	vmul.f32 v38, v38;
	v55 =	vld [tilespmem:s14+$0xFFFFFD00]  }
0x3d: {  	v38 =	vld [tilespmem:s14+$0xFFFFFD80];
	v17 =	vadd.f32 v20, v17;
	v20 =	vmul.f32 v21, v21;
	v24 =	vadd.f32 v25, v24  }
0x3e: {  	v47 =	vmul.f32 v43, v43;
	v57 =	vsub.f32 v45, v11;
	v27 =	vsub.f32 v58, v1  }
0x3f: {  	v35 =	vld [tilespmem:s14+$0x90];
	v17 =	vadd.f32 v20, v17;
	v20 =	vmul.f32 v44, v44;
	v22 =	vadd.f32 v22, v24  }
0x40: {  	v31 =	vmul.f32 v31, v31;
	v25 =	vsub.f32 v62, v2;
	v44 =	vsub.f32 v63, v12  }
0x41: {  	v45 =	vld [tilespmem:s14+$0xFFFFFDB0];
	v17 =	vadd.f32 v20, v17;
	v20 =	vmul.f32 v46, v46;
	v22 =	vadd.f32 v23, v22  }
0x42: {  	v40 =	vld [tilespmem:s14+$0xA0];
	v60 =	vmul.f32 v57, v57;
	v28 =	vsub.f32 v55, v0;
	v24 =	vsub.f32 v38, v0  }
0x43: {  	v41 =	vld [tilespmem:s14+$0xFFFFFDA0];
	v17 =	vadd.f32 v20, v17;
	v20 =	vmul.f32 v48, v48;
	v22 =	vadd.f32 v59, v22  }
0x44: {  	v27 =	vmul.f32 v27, v27;
	v24 =	vmul.f32 v24, v24;
	v48 =	vsub.f32 v35, v9;
	v59 =	vld [tilespmem:s14+$0xE0]  }
0x45: {  	v35 =	vld [tilespmem:s14+$0xFFFFFD30];
	v17 =	vadd.f32 v20, v17;
	v20 =	vmul.f32 v50, v50;
	v22 =	vadd.f32 v32, v22  }
0x46: {  	v53 =	vld [tilespmem:s14+$0xD0];
	v28 =	vmul.f32 v28, v28;
	v29 =	vsub.f32 v45, v3;
	v24 =	vadd.f32 v31, v24  }
0x47: {  	v36 =	vld [tilespmem:s14+$0xFFFFFD40];
	v51 =	vmul.f32 v48, v48;
	v17 =	vadd.f32 v20, v17;
	v22 =	vadd.f32 v37, v22  }
0x48: {  	v48 =	vld [tilespmem:s14+$0xFFFFFDC0];
	v20 =	vmul.f32 v52, v52;
	v52 =	vsub.f32 v40, v10;
	v40 =	vadd.f32 v27, v28  }
0x49: {  	v25 =	vmul.f32 v25, v25;
	v50 =	vld [tilespmem:s14+$0xC0];
	v27 =	vsub.f32 v41, v2;
	v21 =	vsub.f32 v59, v14  }
0x4a: {  	v58 =	vld [tilespmem:s14+$0xFFFFFDF0];
	v26 =	vsub.f32 v35, v3;
	v17 =	vadd.f32 v20, v17;
	v20 =	vmul.f32 v56, v56  }
0x4b: {  	v63 =	vld [tilespmem:s14+$0xF0];
	v55 =	vmul.f32 v29, v29;
	v22 =	vadd.f32 v42, v22;
	v23 =	vadd.f32 v25, v40  }
0x4c: {  	v32 =	vld [tilespmem:s14+$0x100];
	v27 =	vmul.f32 v27, v27;
	v17 =	vadd.f32 v20, v17;
	v20 =	vmul.f32 v61, v61  }
0x4d: {  	v46 =	vld [tilespmem:s14+$0x70];
	v43 =	vmul.f32 v26, v26;
	v26 =	vsub.f32 v48, v4;
	v22 =	vadd.f32 v47, v22  }
0x4e: {  	v48 =	vld [tilespmem:s14+$0x160];
	v61 =	vsub.f32 v50, v12;
	v17 =	vadd.f32 v20, v17;
	v20 =	vmul.f32 v34, v34  }
0x4f: {  	v41 =	vld [tilespmem:s14+$0x190];
	v56 =	vmul.f32 v52, v52;
	v24 =	vadd.f32 v27, v24;
	v22 =	vadd.f32 v51, v22  }
0x50: {  	v34 =	vsub.f32 v53, v13;
	v53 =	vld [tilespmem:s14+$0xFFFFFDE0];
	v17 =	vadd.f32 v20, v17;
	v20 =	vmul.f32 v39, v39  }
0x51: {  	v42 =	vld [tilespmem:s14+$0xFFFFFD60];
	v57 =	vsub.f32 v32, v8;
	v33 =	vmul.f32 v61, v61;
	v22 =	vadd.f32 v56, v22  }
0x52: {  	v50 =	vld [tilespmem:s14+$0xFFFFFDD0];
	v24 =	vadd.f32 v55, v24;
	v17 =	vadd.f32 v20, v17;
	v20 =	vmul.f32 v44, v44  }
0x53: {  	v37 =	vmul.f32 v34, v34;
	v39 =	vld [tilespmem:s14+$0xFFFFFD50];
	v34 =	vsub.f32 v48, v14;
	v22 =	vadd.f32 v60, v22  }
0x54: {  	v48 =	vld [tilespmem:s14+$0xFFFFFE30];
	v44 =	vsub.f32 v36, v4;
	v17 =	vadd.f32 v20, v17;
	v20 =	vmul.f32 v49, v49  }
0x55: {  	v26 =	vmul.f32 v26, v26;
	v38 =	vsub.f32 v53, v6;
	v22 =	vadd.f32 v33, v22;
	v33 =	vld [tilespmem:s14+$0x110]  }
0x56: {  	v49 =	vsub.f32 v42, v6;
	v42 =	vld [tilespmem:s14+$0x150];
	v17 =	vadd.f32 v20, v17;
	v20 =	vmul.f32 v54, v54  }
0x57: {  	v23 =	vadd.f32 v43, v23;
	v24 =	vadd.f32 v26, v24;
	v43 =	vmul.f32 v38, v38;
	v38 =	vld [tilespmem:s14+$0xFFFFFE10]  }
0x58: {  	v47 =	vmul.f32 v44, v44;
	v54 =	vld [tilespmem:s14+$0x120];
	v17 =	vadd.f32 v20, v17;
	v20 =	vsub.f32 v46, v15  }
0x59: {  	v21 =	vmul.f32 v21, v21;
	v60 =	vsub.f32 v50, v5;
	v44 =	vsub.f32 v58, v7;
	v46 =	vld [tilespmem:s14+$0xFFFFFD70]  }
0x5a: {  	v59 =	vld [tilespmem:s14+$0x130];
	v27 =	vsub.f32 v48, v3;
	v23 =	vadd.f32 v47, v23;
	v20 =	vmul.f32 v20, v20  }
0x5b: {  	v35 =	vld [tilespmem:s14+$0xFFFFFE00];
	v61 =	vmul.f32 v57, v57;
	v62 =	vsub.f32 v33, v9;
	v58 =	vsub.f32 v42, v13  }
0x5c: {  	v53 =	vld [tilespmem:s14+$0x1B0];
	v51 =	vmul.f32 v49, v49;
	v28 =	vsub.f32 v38, v1;
	v17 =	vadd.f32 v20, v17  }
0x5d: {  	v36 =	vld [tilespmem:s14+$0x140];
	v49 =	vmul.f32 v44, v44;
	v20 =	vadd.f32 v37, v22;
	v22 =	vsub.f32 v39, v5  }
0x5e: {  	v40 =	vsub.f32 v54, v10;
	v54 =	vld [tilespmem:s14+$0x170];
	v37 =	vmul.f32 v60, v60;
	v52 =	vsub.f32 v46, v7  }
0x5f: {  	v46 =	vsub.f32 v59, v11;
	v59 =	vld [tilespmem:s14+$0x1C0];
	v20 =	vadd.f32 v21, v20;
	v22 =	vmul.f32 v22, v22  }
0x60: {  	v45 =	vmul.f32 v40, v40;
	v40 =	vld [tilespmem:s14+$0x1E0];
	v21 =	vsub.f32 v63, v15;
	v24 =	vadd.f32 v37, v24  }
0x61: {  	v27 =	vmul.f32 v27, v27;
	v63 =	vld [tilespmem:s14+$0x180];
	v37 =	vsub.f32 v53, v11;
	v22 =	vadd.f32 v22, v23  }
0x62: {  	v53 =	vld [tilespmem:s14+$0xFFFFFE90];
	v56 =	vmul.f32 v52, v52;
	v52 =	vsub.f32 v36, v12;
	v24 =	vadd.f32 v43, v24  }
0x63: {  	v21 =	vmul.f32 v21, v21;
	v43 =	vld [tilespmem:s14+$0xFFFFFE20];
	v33 =	vsub.f32 v54, v15;
	v22 =	vadd.f32 v51, v22  }
0x64: {  	v47 =	vld [tilespmem:s14+$0x1A0];
	v39 =	vmul.f32 v62, v62;
	v24 =	vadd.f32 v49, v24;
	v42 =	vsub.f32 v59, v12  }
0x65: {  	v62 =	vld [tilespmem:s14+$0x1D0];
	v28 =	vmul.f32 v28, v28;
	v20 =	vadd.f32 v21, v20;
	v49 =	vsub.f32 v35, v0  }
0x66: {  	v57 =	vmul.f32 v52, v52;
	v52 =	vld [tilespmem:s14+$0xFFFFFE80];
	v25 =	vsub.f32 v40, v14;
	v50 =	vsub.f32 v63, v8  }
0x67: {  	v44 =	vld [tilespmem:s14+$0x1F0];
	v51 =	vmul.f32 v46, v46;
	v32 =	vsub.f32 v53, v1;
	v22 =	vadd.f32 v56, v22  }
0x68: {  	v38 =	vld [tilespmem:s14+$0x2B0];
	v56 =	vsub.f32 v41, v9;
	v29 =	vmul.f32 v49, v49;
	v30 =	vsub.f32 v43, v2  }
0x69: {  	v55 =	vmul.f32 v50, v50;
	v50 =	vld [tilespmem:s14+$0xFFFFFE40];
	v22 =	vadd.f32 v61, v22;
	v61 =	vsub.f32 v47, v10  }
0x6a: {  	v35 =	vld [tilespmem:s14+$0x200];
	v60 =	vmul.f32 v56, v56;
	v47 =	vsub.f32 v62, v13;
	v28 =	vadd.f32 v28, v29  }
0x6b: {  	v26 =	vsub.f32 v52, v0;
	v62 =	vld [tilespmem:s14+$0xFFFFFEC0];
	v24 =	vadd.f32 v55, v24;
	v56 =	vmul.f32 v30, v30  }
0x6c: {  	v49 =	vld [tilespmem:s14+$0x280];
	v32 =	vmul.f32 v32, v32;
	v22 =	vadd.f32 v39, v22;
	v36 =	vmul.f32 v61, v61  }
0x6d: {  	v55 =	vld [tilespmem:s14+$0xFFFFFE50];
	v26 =	vmul.f32 v26, v26;
	v24 =	vadd.f32 v60, v24;
	v28 =	vadd.f32 v56, v28  }
0x6e: {  	v63 =	vmul.f32 v58, v58;
	v58 =	vld [tilespmem:s14+$0xFFFFFE60];
	v22 =	vadd.f32 v45, v22;
	v59 =	vsub.f32 v50, v4  }
0x6f: {  	v41 =	vmul.f32 v37, v37;
	v60 =	vld [tilespmem:s14+$0xFFFFFEB0];
	v26 =	vadd.f32 v32, v26;
	v24 =	vadd.f32 v36, v24  }
0x70: {  	v46 =	vmul.f32 v42, v42;
	v50 =	vld [tilespmem:s14+$0x240];
	v27 =	vadd.f32 v27, v28;
	v29 =	vsub.f32 v62, v4  }
0x71: {  	v40 =	vld [tilespmem:s14+$0xFFFFFEE0];
	v54 =	vmul.f32 v25, v25;
	v62 =	vsub.f32 v49, v8;
	v22 =	vadd.f32 v51, v22  }
0x72: {  	v36 =	vld [tilespmem:s14+$0x210];
	v61 =	vmul.f32 v59, v59;
	v25 =	vsub.f32 v55, v5;
	v45 =	vadd.f32 v41, v24  }
0x73: {  	v39 =	vmul.f32 v34, v34;
	v34 =	vld [tilespmem:s14+$0xFFFFFE70];
	v24 =	vsub.f32 v58, v6;
	v22 =	vadd.f32 v57, v22  }
0x74: {  	v41 =	vld [tilespmem:s14+$0x220];
	v27 =	vadd.f32 v61, v27;
	v25 =	vmul.f32 v25, v25;
	v31 =	vsub.f32 v60, v3  }
0x75: {  	v51 =	vmul.f32 v47, v47;
	v57 =	vld [tilespmem:s14+$0xFFFFFEA0];
	v23 =	vadd.f32 v46, v45;
	v37 =	vsub.f32 v50, v12  }
0x76: {  	v60 =	vld [tilespmem:s14+$0x2A0];
	v22 =	vadd.f32 v63, v22;
	v25 =	vadd.f32 v25, v27  }
0x77: {  	v45 =	vld [tilespmem:s14+$0xFFFFFEF0];
	v48 =	vsub.f32 v36, v9;
	v23 =	vadd.f32 v51, v23  }
0x78: {  	v24 =	vmul.f32 v24, v24;
	v46 =	vld [tilespmem:s14+$0x230];
	v51 =	vsub.f32 v40, v6;
	v21 =	vadd.f32 v39, v22  }
0x79: {  	v33 =	vmul.f32 v33, v33;
	v50 =	vld [tilespmem:s14+$0xFFFFFF20];
	v22 =	vsub.f32 v44, v15;
	v39 =	vsub.f32 v34, v7  }
0x7a: {  	v63 =	vld [tilespmem:s14+$0xFFFFFED0];
	v42 =	vmul.f32 v31, v31;
	v24 =	vadd.f32 v24, v25;
	v44 =	vsub.f32 v35, v8  }
0x7b: {  	v55 =	vld [tilespmem:s14+$0x250];
	v52 =	vmul.f32 v48, v48;
	v53 =	vsub.f32 v41, v10;
	v23 =	vadd.f32 v54, v23  }
0x7c: {  	v41 =	vld [tilespmem:s14+$0x2C0];
	v30 =	vsub.f32 v57, v2;
	v43 =	vmul.f32 v39, v39;
	v57 =	vsub.f32 v45, v7  }
0x7d: {  	v54 =	vld [tilespmem:s14+$0x290];
	v58 =	vmul.f32 v53, v53;
	v59 =	vsub.f32 v46, v11;
	v39 =	vmul.f32 v62, v62  }
0x7e: {  	v46 =	vsub.f32 v60, v10;
	v48 =	vmul.f32 v22, v22;
	v53 =	vld [tilespmem:s14+$0xFFFFFF80];
	v22 =	vadd.f32 v33, v21  }
0x7f: {  	v27 =	vsub.f32 v50, v2;
	v62 =	vld [tilespmem:s14+$0xFFFFFFB0];
	v30 =	vmul.f32 v30, v30;
	v28 =	vsub.f32 v63, v5  }
0x80: {  	v47 =	vmul.f32 v44, v44;
	v44 =	vld [tilespmem:s14+$0xFFFFFF00];
	v24 =	vadd.f32 v43, v24;
	v43 =	vsub.f32 v55, v13  }
0x81: {  	v63 =	vmul.f32 v59, v59;
	v21 =	vadd.f32 v48, v23;
	v59 =	vld [tilespmem:s14+$0xFFFFFFA0];
	v26 =	vadd.f32 v30, v26  }
0x82: {  	v61 =	vmul.f32 v57, v57;
	v57 =	vld [tilespmem:s14+$0xFFFFFF30];
	v60 =	vsub.f32 v41, v12;
	v24 =	vadd.f32 v47, v24  }
0x83: {  	v29 =	vmul.f32 v29, v29;
	v40 =	vsub.f32 v54, v9;
	v47 =	vld [tilespmem:s14+$0xFFFFFF10];
	v26 =	vadd.f32 v42, v26  }
0x84: {  	v56 =	vmul.f32 v51, v51;
	v54 =	vld [tilespmem:s14+$0xFFFFFF90];
	v30 =	vsub.f32 v53, v0;
	v34 =	vsub.f32 v62, v3  }
0x85: {  	v49 =	vmul.f32 v43, v43;
	v43 =	vld [tilespmem:s14+$0xFFFFFFD0];
	v24 =	vadd.f32 v52, v24;
	v52 =	vsub.f32 v38, v11  }
0x86: {  	v28 =	vmul.f32 v28, v28;
	v26 =	vadd.f32 v29, v26;
	v33 =	vsub.f32 v59, v2  }
0x87: {  	v51 =	vmul.f32 v46, v46;
	v38 =	vld [tilespmem:s14+$0x3A0];
	v24 =	vadd.f32 v58, v24;
	v58 =	vsub.f32 v44, v0  }
0x88: {  	v42 =	vmul.f32 v37, v37;
	v59 =	vld [tilespmem:s14+$0x380];
	v26 =	vadd.f32 v28, v26;
	v31 =	vsub.f32 v47, v1  }
0x89: {  	v45 =	vmul.f32 v40, v40;
	v40 =	vld [tilespmem:s14+$0xFFFFFFC0];
	v23 =	vsub.f32 v54, v1;
	v28 =	vsub.f32 v57, v3  }
0x8a: {  	v30 =	vmul.f32 v30, v30;
	v44 =	vld [tilespmem:s14+$0x2D0];
	v32 =	vsub.f32 v43, v5;
	v24 =	vadd.f32 v63, v24  }
0x8b: {  	v47 =	vld [tilespmem:s14+$0xFFFFFF70];
	v29 =	vmul.f32 v58, v58;
	v26 =	vadd.f32 v56, v26;
	v31 =	vmul.f32 v31, v31  }
0x8c: {  	v41 =	vld [tilespmem:s14+$0xFFFFFF60];
	v23 =	vmul.f32 v23, v23;
	v43 =	vsub.f32 v38, v10;
	v24 =	vadd.f32 v42, v24  }
0x8d: {  	v63 =	vld [tilespmem:s14+$0xFFFFFF50];
	v58 =	vmul.f32 v32, v32;
	v32 =	vsub.f32 v59, v8;
	v26 =	vadd.f32 v61, v26  }
0x8e: {  	v27 =	vmul.f32 v27, v27;
	v53 =	vld [tilespmem:s14+$0xFFFFFFF0];
	v29 =	vadd.f32 v31, v29;
	v23 =	vadd.f32 v23, v30  }
0x8f: {  	v56 =	vmul.f32 v52, v52;
	v52 =	vld [tilespmem:s14+$0x300];
	v31 =	vsub.f32 v40, v4;
	v30 =	vsub.f32 v44, v13  }
0x90: {  	v33 =	vmul.f32 v33, v33;
	v61 =	vld [tilespmem:s14+$0xFFFFFF40];
	v24 =	vadd.f32 v49, v24;
	v57 =	vsub.f32 v47, v7  }
0x91: {  	v48 =	vmul.f32 v34, v34;
	v44 =	vld [tilespmem:s14+$0x3C0];
	v26 =	vadd.f32 v39, v26;
	v27 =	vadd.f32 v27, v29  }
0x92: {  	v62 =	vld [tilespmem:s14+$0x390];
	v28 =	vmul.f32 v28, v28;
	v46 =	vsub.f32 v63, v5;
	v23 =	vadd.f32 v33, v23  }
0x93: {  	v49 =	vld [tilespmem:s14+$0xFFFFFFE0];
	v32 =	vmul.f32 v32, v32;
	v33 =	vsub.f32 v53, v7;
	v26 =	vadd.f32 v45, v26  }
0x94: {  	v31 =	vmul.f32 v31, v31;
	v63 =	vld [tilespmem:s14+$0x260];
	v27 =	vadd.f32 v28, v27;
	v23 =	vadd.f32 v48, v23  }
0x95: {  	v30 =	vmul.f32 v30, v30;
	v42 =	vsub.f32 v61, v4;
	v61 =	vsub.f32 v52, v8  }
0x96: {  	v53 =	vld [tilespmem:s14+$0x370];
	v29 =	vmul.f32 v57, v57;
	v35 =	vsub.f32 v44, v12;
	v55 =	vadd.f32 v51, v26  }
0x97: {  	v51 =	vsub.f32 v41, v6;
	v23 =	vadd.f32 v31, v23;
	v45 =	vmul.f32 v42, v42  }
0x98: {  	v39 =	vld [tilespmem:s14+$0x2E0];
	v50 =	vmul.f32 v46, v46;
	v34 =	vsub.f32 v49, v6;
	v31 =	vsub.f32 v62, v9  }
0x99: {  	v26 =	vmul.f32 v60, v60;
	v60 =	vld [tilespmem:s14+$0x320];
	v48 =	vsub.f32 v63, v14;
	v27 =	vadd.f32 v45, v27  }
0x9a: {  	v25 =	vadd.f32 v56, v55;
	v56 =	vld [tilespmem:s14+$0x310];
	v23 =	vadd.f32 v58, v23;
	v34 =	vmul.f32 v34, v34  }
0x9b: {  	v55 =	vmul.f32 v51, v51;
	v58 =	vsub.f32 v53, v15;
	v54 =	vadd.f32 v50, v27  }
0x9c: {  	v33 =	vmul.f32 v33, v33;
	v41 =	vld [tilespmem:s14+$0x3B0];
	v25 =	vadd.f32 v26, v25;
	v23 =	vadd.f32 v34, v23  }
0x9d: {  	v46 =	vmul.f32 v43, v43;
	v49 =	vld [tilespmem:s14+$0x270];
	v34 =	vsub.f32 v39, v14;
	v26 =	vadd.f32 v55, v54  }
0x9e: {  	v40 =	vld [tilespmem:s14+$0x330];
	v37 =	vmul.f32 v61, v61;
	v27 =	vsub.f32 v60, v10;
	v23 =	vadd.f32 v33, v23  }
0x9f: {  	v35 =	vmul.f32 v35, v35;
	v51 =	vld [tilespmem:s14+$0x360];
	v28 =	vsub.f32 v56, v9;
	v26 =	vadd.f32 v29, v26  }
0xa0: {  	v42 =	vld [tilespmem:s14+$0x340];
	v31 =	vmul.f32 v31, v31;
	v25 =	vadd.f32 v30, v25;
	v23 =	vadd.f32 v32, v23  }
0xa1: {  	v33 =	vsub.f32 v41, v11;
	v28 =	vmul.f32 v28, v28;
	v26 =	vadd.f32 v37, v26  }
0xa2: {  	v45 =	vld [tilespmem:s14+$0x350];
	v34 =	vmul.f32 v34, v34;
	v55 =	vsub.f32 v49, v15;
	v23 =	vadd.f32 v31, v23  }
0xa3: {  	v47 =	vld [tilespmem:s14+$0x3D0];
	v27 =	vmul.f32 v27, v27;
	v29 =	vsub.f32 v40, v11;
	v26 =	vadd.f32 v28, v26  }
0xa4: {  	v52 =	vld [tilespmem:s14+$0x3E0];
	v56 =	vsub.f32 v51, v14;
	v33 =	vmul.f32 v33, v33;
	v23 =	vadd.f32 v46, v23  }
0xa5: {  	v50 =	vld [tilespmem:s14+$0x2F0];
	v29 =	vmul.f32 v29, v29;
	v28 =	vsub.f32 v42, v12;
	v26 =	vadd.f32 v27, v26  }
0xa6: {  	v54 =	vld [tilespmem:s14+$0x3F0];
	v32 =	vmul.f32 v48, v48;
	v25 =	vadd.f32 v34, v25;
	v23 =	vadd.f32 v33, v23  }
0xa7: {  	s16 =	sshra.s32 s15, $0x2;
	v28 =	vmul.f32 v28, v28;
	v27 =	vsub.f32 v45, v13;
	v26 =	vadd.f32 v29, v26  }
0xa8: {  	[tilespmem:s16+$0x10100] =	vst v17;
	v17 =	vmul.f32 v55, v55;
	v31 =	vsub.f32 v47, v13;
	v24 =	vadd.f32 v32, v24  }
0xa9: {  	v23 =	vadd.f32 v35, v23;
	v27 =	vmul.f32 v27, v27;
	v26 =	vadd.f32 v28, v26  }
0xaa: {  	v31 =	vmul.f32 v31, v31;
	v29 =	vsub.f32 v50, v15;
	v28 =	vsub.f32 v52, v14  }
0xab: {  	v57 =	vmul.f32 v56, v56;
	v59 =	vsub.f32 v54, v15;
	v26 =	vadd.f32 v27, v26  }
0xac: {  	[tilespmem:s16+$0x10110] =	vst v20;
	v23 =	vadd.f32 v31, v23;
	v20 =	vmul.f32 v29, v29;
	v28 =	vmul.f32 v28, v28  }
0xad: {  	p1 =	seq.s32 s15, $0x1E00;
	v61 =	vmul.f32 v58, v58;
	[tilespmem:s16+$0x10120] =	vst v22;
	v17 =	vadd.f32 v17, v24;
	v60 =	vadd.f32 v57, v26  }
.Ltmp0:
0xae: {  	[tilespmem:s16+$0x10130] =	vst v21;
	v62 =	vmul.f32 v59, v59;
	v20 =	vadd.f32 v20, v25;
	v23 =	vadd.f32 v28, v23;
	(pc) =	sbr.rel @!p1 .LBB2_2-.Ltmp0, $4  }
0xaf: {  	[tilespmem:s16+$0x10140] =	vst v17;
	v63 =	vadd.f32 v61, v60  }
0xb0: {  	[tilespmem:s16+$0x10150] =	vst v20;
	v17 =	vadd.f32 v62, v23  }
0xb1: {  	[tilespmem:s16+$0x10160] =	vst v63  }
0xb2: {  	s15 =	sadd.s32 $0x200, s15;
	s14 =	sadd.s32 $0x800, s14;
	[tilespmem:s16+$0x10170] =	vst v17  }
0xb3: {  	v17 =	vmul.u32 $0x10, v16  }
0xb4: {  	s16 =	simm.s32 $0x0  }
0xb5: {  	s21 =	simm.s32 $0x1;
	v20 =	vor.u32 s16, v17  }
0xb6: {  	v21 =	vor.u32 s21, v17  }
0xb7: {  	s22 =	simm.s32 $0x2  }
0xb8: {  	v22 =	vor.u32 s22, v17  }
0xb9: {  	s23 =	simm.s32 $0x3  }
0xba: {  	v23 =	vor.u32 s23, v17;
	v20 =	vld.idx.msk [tilespmem:v20+s11+$0x0], $0xffff  }
0xbb: {  	s24 =	simm.s32 $0x4;
	v21 =	vld.idx.msk [tilespmem:v21+s11+$0x0], $0xffff  }
0xbc: {  	v24 =	vor.u32 s24, v17  }
0xbd: {  	s25 =	simm.s32 $0x5;
	v22 =	vld.idx.msk [tilespmem:v22+s11+$0x0], $0xffff  }
0xbe: {  	v25 =	vor.u32 s25, v17  }
0xbf: {  	s26 =	simm.s32 $0x6;
	v23 =	vld.idx.msk [tilespmem:v23+s11+$0x0], $0xffff  }
0xc0: {  	v26 =	vor.u32 s26, v17;
	s26 =	simm.s32 $0x106;
	v20 =	vadd.f32 v21, v20  }
0xc1: {  	s28 =	simm.s32 $0x7;
	v34 =	vor.u32 s26, v17;
	v24 =	vld.idx.msk [tilespmem:v24+s11+$0x0], $0xffff  }
0xc2: {  	s17 =	simm.s32 $0x8;
	v27 =	vor.u32 s28, v17;
	v20 =	vadd.f32 v22, v20  }
0xc3: {  	s30 =	simm.s32 $0x100;
	v28 =	vor.u32 s17, v17;
	v22 =	vld.idx.msk [tilespmem:v25+s11+$0x0], $0xffff  }
0xc4: {  	s31 =	simm.s32 $0x101;
	v25 =	vor.u32 s30, v17;
	v20 =	vadd.f32 v23, v20  }
0xc5: {  	s29 =	simm.s32 $0x9;
	v29 =	vor.u32 s31, v17;
	v26 =	vld.idx.msk [tilespmem:v26+s11+$0x0], $0xffff  }
0xc6: {  	s18 =	simm.s32 $0x102;
	v34 =	vld.idx.msk [tilespmem:v34+s11+$0x0], $0xffff;
	v21 =	vor.u32 s29, v17;
	v20 =	vadd.f32 v24, v20  }
0xc7: {  	s17 =	simm.s32 $0xA;
	v30 =	vor.u32 s18, v17;
	v23 =	vld.idx.msk [tilespmem:v27+s11+$0x0], $0xffff  }
0xc8: {  	s20 =	simm.s32 $0x103;
	v27 =	vor.u32 s17, v17;
	v24 =	vld.idx.msk [tilespmem:v28+s11+$0x0], $0xffff;
	v20 =	vadd.f32 v22, v20  }
0xc9: {  	s19 =	simm.s32 $0xB;
	v31 =	vor.u32 s20, v17;
	v25 =	vld.idx.msk [tilespmem:v25+s11+$0x0], $0xffff  }
0xca: {  	s22 =	simm.s32 $0x104;
	v28 =	vor.u32 s19, v17;
	v22 =	vld.idx.msk [tilespmem:v29+s11+$0x0], $0xffff;
	v20 =	vadd.f32 v26, v20  }
0xcb: {  	s21 =	simm.s32 $0xC;
	v32 =	vor.u32 s22, v17;
	v21 =	vld.idx.msk [tilespmem:v21+s11+$0x0], $0xffff  }
0xcc: {  	s24 =	simm.s32 $0x105;
	v29 =	vor.u32 s21, v17;
	v26 =	vld.idx.msk [tilespmem:v30+s11+$0x0], $0xffff;
	v20 =	vadd.f32 v23, v20  }
0xcd: {  	s23 =	simm.s32 $0xD;
	v33 =	vor.u32 s24, v17;
	v27 =	vld.idx.msk [tilespmem:v27+s11+$0x0], $0xffff  }
0xce: {  	s15 =	simm.s32 $0xF;
	v30 =	vor.u32 s23, v17;
	v23 =	vld.idx.msk [tilespmem:v31+s11+$0x0], $0xffff;
	v20 =	vadd.f32 v24, v20  }
0xcf: {  	s25 =	simm.s32 $0xE;
	v60 =	vor.u32 s15, v17;
	v28 =	vld.idx.msk [tilespmem:v28+s11+$0x0], $0xffff;
	v22 =	vadd.f32 v22, v25  }
0xd0: {  	s28 =	simm.s32 $0x107;
	v31 =	vor.u32 s25, v17;
	v24 =	vld.idx.msk [tilespmem:v32+s11+$0x0], $0xffff;
	v20 =	vadd.f32 v21, v20  }
0xd1: {  	s30 =	simm.s32 $0x108;
	v29 =	vld.idx.msk [tilespmem:v29+s11+$0x0], $0xffff;
	v25 =	vor.u32 s28, v17;
	v22 =	vadd.f32 v26, v22  }
0xd2: {  	s17 =	simm.s32 $0x201;
	v26 =	vor.u32 s30, v17;
	v21 =	vld.idx.msk [tilespmem:v33+s11+$0x0], $0xffff;
	v20 =	vadd.f32 v27, v20  }
0xd3: {  	s31 =	simm.s32 $0x200;
	v30 =	vld.idx.msk [tilespmem:v30+s11+$0x0], $0xffff;
	v22 =	vadd.f32 v23, v22;
	v23 =	vor.u32 s17, v17  }
0xd4: {  	s29 =	simm.s32 $0x109;
	v32 =	vld.idx.msk [tilespmem:v60+s11+$0x0], $0xffff;
	v27 =	vor.u32 s31, v17;
	v20 =	vadd.f32 v28, v20  }
0xd5: {  	v61 =	vor.u32 s29, v17;
	s19 =	simm.s32 $0x202;
	v31 =	vld.idx.msk [tilespmem:v31+s11+$0x0], $0xffff;
	v22 =	vadd.f32 v24, v22  }
0xd6: {  	s18 =	simm.s32 $0x10A;
	v25 =	vld.idx.msk [tilespmem:v25+s11+$0x0], $0xffff;
	v24 =	vor.u32 s19, v17;
	v20 =	vadd.f32 v29, v20  }
0xd7: {  	s21 =	simm.s32 $0x203;
	v28 =	vor.u32 s18, v17;
	v26 =	vld.idx.msk [tilespmem:v26+s11+$0x0], $0xffff;
	v21 =	vadd.f32 v21, v22  }
0xd8: {  	s20 =	simm.s32 $0x10B;
	v22 =	vor.u32 s21, v17;
	v23 =	vld.idx.msk [tilespmem:v23+s11+$0x0], $0xffff;
	v20 =	vadd.f32 v30, v20  }
0xd9: {  	s22 =	simm.s32 $0x10C;
	v29 =	vor.u32 s20, v17;
	v27 =	vld.idx.msk [tilespmem:v27+s11+$0x0], $0xffff;
	v21 =	vadd.f32 v34, v21  }
0xda: {  	s23 =	simm.s32 $0x204;
	v33 =	vld.idx.msk [tilespmem:v61+s11+$0x0], $0xffff;
	v30 =	vor.u32 s22, v17;
	v20 =	vadd.f32 v31, v20  }
0xdb: {  	s24 =	simm.s32 $0x10D;
	v62 =	vor.u32 s23, v17;
	v24 =	vld.idx.msk [tilespmem:v24+s11+$0x0], $0xffff;
	v31 =	vadd.f32 v25, v21  }
0xdc: {  	s25 =	simm.s32 $0x205;
	v35 =	vld.idx.msk [tilespmem:v28+s11+$0x0], $0xffff;
	v28 =	vor.u32 s24, v17;
	v20 =	vadd.f32 v32, v20  }
0xdd: {  	s26 =	simm.s32 $0x10E;
	v36 =	vor.u32 s25, v17;
	v25 =	vld.idx.msk [tilespmem:v22+s11+$0x0], $0xffff;
	v26 =	vadd.f32 v26, v31  }
0xde: {  	v37 =	vor.u32 s26, v17;
	s28 =	simm.s32 $0x206;
	v21 =	vld.idx.msk [tilespmem:v29+s11+$0x0], $0xffff;
	v63 =	vadd.f32 v23, v27;
	vm0 =	vlt.f32 v20, v19  }
0xdf: {  	s13 =	sshll.u32 s13, $0x8;
	s29 =	simm.s32 $0x10F;
	v22 =	vld.idx.msk [tilespmem:v30+s11+$0x0], $0xffff;
	v30 =	vor.u32 s28, v17;
	v19 =	vsel vm0, v20, v19;
	v20 =	vadd.f32 v33, v26  }
0xe0: {  	s14 =	sadd.s32 s13, s5;
	s30 =	simm.s32 $0x207;
	v27 =	vld.idx.msk [tilespmem:v62+s11+$0x0], $0xffff;
	v33 =	vor.u32 s29, v17  }
0xe1: {  	s31 =	simm.s32 $0x209;
	v29 =	vor.u32 s14, v16;
	v31 =	vor.u32 s30, v17;
	v23 =	vld.idx.msk [tilespmem:v28+s11+$0x0], $0xffff;
	v34 =	vadd.f32 v24, v63  }
0xe2: {  	s16 =	simm.s32 $0x20F;
	s19 =	simm.s32 $0x208;
	v28 =	vld.idx.msk [tilespmem:v36+s11+$0x0], $0xffff;
	v18 =	vsel vm0, v29, v18;
	v29 =	vor.u32 s31, v17;
	v26 =	vadd.f32 v35, v20  }
0xe3: {  	s15 =	simm.s32 $0x30F;
	s17 =	simm.s32 $0x40F;
	s18 =	simm.s32 $0x300;
	v32 =	vor.u32 s19, v17;
	v24 =	vld.idx.msk [tilespmem:v37+s11+$0x0], $0xffff;
	v20 =	vmov v17  }
.LBB2_4:
0xe4: {  	p1 =	sne.s32 s17, $0x70F;
	v35 =	vor.u32 s18, v17;
	s18 =	sadd.s32 $0xFFFFFFF2, s15;
	v25 =	vadd.f32 v25, v34;
	v30 =	vld.idx.msk [tilespmem:v30+s11+$0x0], $0xffff;
	v21 =	vadd.f32 v21, v26  }
0xe5: {  	v26 =	vor.u32 s18, v17;
	s18 =	sadd.s32 $0xFFFFFFFB, s16;
	v33 =	vld.idx.msk [tilespmem:v33+s11+$0x0], $0xffff  }
0xe6: {  	s19 =	sadd.s32 $0xFFFFFFF3, s15;
	v25 =	vadd.f32 v27, v25;
	v27 =	vld.idx.msk [tilespmem:v31+s11+$0x0], $0xffff;
	v31 =	vor.u32 s18, v20;
	v21 =	vadd.f32 v22, v21  }
0xe7: {  	v22 =	vor.u32 s19, v17;
	s18 =	sadd.s32 $0xFFFFFFFC, s16;
	v29 =	vld.idx.msk [tilespmem:v29+s11+$0x0], $0xffff  }
0xe8: {  	s19 =	sadd.s32 $0xFFFFFFF4, s15;
	v25 =	vadd.f32 v28, v25;
	v28 =	vld.idx.msk [tilespmem:v32+s11+$0x0], $0xffff;
	v32 =	vor.u32 s18, v20;
	v21 =	vadd.f32 v23, v21  }
0xe9: {  	v34 =	vor.u32 s19, v17;
	s18 =	sadd.s32 $0xFFFFFFFD, s16;
	v23 =	vld.idx.msk [tilespmem:v35+s11+$0x0], $0xffff  }
0xea: {  	s19 =	sadd.s32 $0xFFFFFFF5, s15;
	v35 =	vor.u32 s18, v20;
	v26 =	vld.idx.msk [tilespmem:v26+s11+$0x0], $0xffff;
	v25 =	vadd.f32 v30, v25;
	v21 =	vadd.f32 v24, v21  }
0xeb: {  	s18 =	sadd.s32 $0xFFFFFFFE, s16;
	v24 =	vor.u32 s19, v17;
	v36 =	vld.idx.msk [tilespmem:v31+s11+$0x0], $0xffff  }
0xec: {  	s14 =	sadd.s32 $0x10, s14;
	s19 =	sadd.s32 $0xFFFFFFF6, s15;
	v38 =	vor.u32 s18, v20;
	v37 =	vld.idx.msk [tilespmem:v22+s11+$0x0], $0xffff;
	v22 =	vadd.f32 v27, v25;
	v27 =	vadd.f32 v33, v21  }
0xed: {  	s18 =	sadd.s32 $0xFFFFFFFF, s16;
	v39 =	vor.u32 s19, v17;
	v31 =	vor.u32 s14, v16;
	v21 =	vld.idx.msk [tilespmem:v32+s11+$0x0], $0xffff  }
0xee: {  	s19 =	sadd.s32 $0xFFFFFFF7, s15;
	v40 =	vor.u32 s18, v20;
	v25 =	vld.idx.msk [tilespmem:v34+s11+$0x0], $0xffff;
	v28 =	vadd.f32 v28, v22;
	vm0 =	vlt.f32 v27, v19  }
.Ltmp1:
0xef: {  	v30 =	vor.u32 s19, v17;
	v22 =	vld.idx.msk [tilespmem:v35+s11+$0x0], $0xffff;
	v19 =	vsel vm0, v27, v19;
	v18 =	vsel vm0, v31, v18;
	(pc) =	sbr.rel @p1 .LBB2_4-.Ltmp1, $4  }
0xf0: {  	s18 =	sadd.s32 $0xFFFFFFF8, s15;
	v33 =	vor.u32 s16, v20;
	v20 =	vmovc v17;
	s16 =	smov.u32 s15;
	s15 =	smov.u32 s17;
	v26 =	vadd.f32 v26, v23;
	v27 =	vld.idx.msk [tilespmem:v24+s11+$0x0], $0xffff;
	v24 =	vadd.f32 v29, v28  }
0xf1: {  	v31 =	vor.u32 s18, v20;
	s18 =	sadd.s32 $0xFFFFFFFA, s16;
	v23 =	vld.idx.msk [tilespmem:v38+s11+$0x0], $0xffff  }
0xf2: {  	s19 =	sadd.s32 $0xFFFFFFF9, s16;
	v29 =	vor.u32 s18, v20;
	v34 =	vadd.f32 v37, v26;
	v28 =	vld.idx.msk [tilespmem:v39+s11+$0x0], $0xffff;
	v26 =	vadd.f32 v36, v24  }
0xf3: {  	s17 =	sadd.s32 $0x100, s17;
	v32 =	vor.u32 s19, v20;
	s18 =	sadd.s32 $0xFFFFFFF1, s15;
	v24 =	vld.idx.msk [tilespmem:v40+s11+$0x0], $0xffff  }
0xf4: {  	v35 =	vor.u32 s18, v17;
	s17 =	sadd.s32 $0xFFFFFFF2, s15  }
0xf5: {  	v36 =	vor.u32 s17, v17  }
0xf6: {  	s23 =	sadd.s32 $0xFFFFFFF3, s15  }
0xf7: {  	v37 =	vor.u32 s23, v17  }
0xf8: {  	s24 =	sadd.s32 $0xFFFFFFF4, s15  }
0xf9: {  	v38 =	vor.u32 s24, v17;
	v35 =	vld.idx.msk [tilespmem:v35+s11+$0x0], $0xffff  }
0xfa: {  	s25 =	sadd.s32 $0xFFFFFFF5, s15;
	v36 =	vld.idx.msk [tilespmem:v36+s11+$0x0], $0xffff  }
0xfb: {  	v39 =	vor.u32 s25, v17  }
0xfc: {  	s26 =	sadd.s32 $0xFFFFFFF6, s15;
	v37 =	vld.idx.msk [tilespmem:v37+s11+$0x0], $0xffff  }
0xfd: {  	v40 =	vor.u32 s26, v17  }
0xfe: {  	s28 =	sadd.s32 $0xFFFFFFF7, s15;
	v38 =	vld.idx.msk [tilespmem:v38+s11+$0x0], $0xffff  }
0xff: {  	v30 =	vld.idx.msk [tilespmem:v30+s11+$0x0], $0xffff;
	v56 =	vor.u32 s28, v17;
	v35 =	vadd.f32 v36, v35  }
0x100: {  	s29 =	sadd.s32 $0xFFFFFFF8, s15;
	v39 =	vld.idx.msk [tilespmem:v39+s11+$0x0], $0xffff  }
0x101: {  	v25 =	vadd.f32 v25, v34;
	v33 =	vld.idx.msk [tilespmem:v33+s11+$0x0], $0xffff;
	v58 =	vor.u32 s29, v17;
	v57 =	vadd.f32 v37, v35  }
0x102: {  	s30 =	sadd.s32 $0xFFFFFFF9, s15;
	v59 =	vld.idx.msk [tilespmem:v40+s11+$0x0], $0xffff  }
0x103: {  	v60 =	vld.idx.msk [tilespmem:v31+s11+$0x0], $0xffff;
	s19 =	sadd.s32 $0xFFFFFFFA, s15;
	v61 =	vor.u32 s30, v17;
	v25 =	vadd.f32 v27, v25;
	v34 =	vadd.f32 v38, v57  }
0x104: {  	s31 =	sadd.s32 $0xFFFFFFFB, s16;
	v42 =	vor.u32 s19, v17;
	v36 =	vld.idx.msk [tilespmem:v56+s11+$0x0], $0xffff  }
0x105: {  	v63 =	vld.idx.msk [tilespmem:v32+s11+$0x0], $0xffff;
	s21 =	sadd.s32 $0xFFFFFFFB, s15;
	v62 =	vor.u32 s31, v20;
	v25 =	vadd.f32 v28, v25;
	v34 =	vadd.f32 v39, v34  }
0x106: {  	s20 =	sadd.s32 $0xFFFFFFFC, s16;
	v44 =	vor.u32 s21, v17;
	v35 =	vld.idx.msk [tilespmem:v58+s11+$0x0], $0xffff  }
0x107: {  	v29 =	vld.idx.msk [tilespmem:v29+s11+$0x0], $0xffff;
	s22 =	sadd.s32 $0xFFFFFFFD, s16;
	v43 =	vor.u32 s20, v20;
	v25 =	vadd.f32 v30, v25;
	v34 =	vadd.f32 v59, v34  }
0x108: {  	v45 =	vor.u32 s22, v20;
	s23 =	sadd.s32 $0xFFFFFFFC, s15;
	v31 =	vld.idx.msk [tilespmem:v61+s11+$0x0], $0xffff  }
0x109: {  	s24 =	sadd.s32 $0xFFFFFFFE, s16;
	v46 =	vor.u32 s23, v17;
	v32 =	vld.idx.msk [tilespmem:v42+s11+$0x0], $0xffff;
	v25 =	vadd.f32 v60, v25;
	v34 =	vadd.f32 v36, v34  }
0x10a: {  	s25 =	sadd.s32 $0xFFFFFFFD, s15;
	v47 =	vor.u32 s24, v20;
	v38 =	vld.idx.msk [tilespmem:v62+s11+$0x0], $0xffff  }
0x10b: {  	s26 =	sadd.s32 $0xFFFFFFFF, s16;
	v48 =	vor.u32 s25, v17;
	v30 =	vld.idx.msk [tilespmem:v44+s11+$0x0], $0xffff;
	v25 =	vadd.f32 v63, v25;
	v34 =	vadd.f32 v35, v34  }
0x10c: {  	s28 =	sadd.s32 $0xFFFFFFFE, s15;
	v49 =	vor.u32 s26, v20;
	v39 =	vld.idx.msk [tilespmem:v43+s11+$0x0], $0xffff  }
0x10d: {  	v51 =	vor.u32 s28, v17;
	v50 =	vld.idx.msk [tilespmem:v45+s11+$0x0], $0xffff;
	v25 =	vadd.f32 v29, v25;
	v31 =	vadd.f32 v31, v34  }
0x10e: {  	v21 =	vadd.f32 v21, v26;
	s29 =	sadd.s32 $0xFFFFFFFF, s15;
	v20 =	vor.u32 s16, v20;
	v52 =	vld.idx.msk [tilespmem:v46+s11+$0x0], $0xffff  }
0x10f: {  	v54 =	vor.u32 s29, v17;
	v53 =	vld.idx.msk [tilespmem:v47+s11+$0x0], $0xffff;
	v25 =	vadd.f32 v38, v25;
	v31 =	vadd.f32 v32, v31  }
0x110: {  	v21 =	vadd.f32 v22, v21;
	v55 =	vld.idx.msk [tilespmem:v48+s11+$0x0], $0xffff  }
0x111: {  	v56 =	vld.idx.msk [tilespmem:v49+s11+$0x0], $0xffff;
	v57 =	vor.u32 s15, v17;
	v25 =	vadd.f32 v39, v25;
	v30 =	vadd.f32 v30, v31  }
0x112: {  	v21 =	vadd.f32 v23, v21;
	v58 =	vld.idx.msk [tilespmem:v51+s11+$0x0], $0xffff  }
0x113: {  	v20 =	vld.idx.msk [tilespmem:v20+s11+$0x0], $0xffff;
	v25 =	vadd.f32 v50, v25;
	v26 =	vadd.f32 v52, v30  }
0x114: {  	v21 =	vadd.f32 v24, v21;
	v59 =	vld.idx.msk [tilespmem:v54+s11+$0x0], $0xffff  }
0x115: {  	v25 =	vadd.f32 v53, v25;
	v22 =	vadd.f32 v55, v26  }
0x116: {  	v21 =	vadd.f32 v33, v21;
	v60 =	vld.idx.msk [tilespmem:v57+s11+$0x0], $0xffff  }
0x117: {  	v25 =	vadd.f32 v56, v25;
	v22 =	vadd.f32 v58, v22;
	_ =	sdelay $0x1  }
0x118: {  	vm0 =	vlt.f32 v21, v19;
	v20 =	vadd.f32 v20, v25;
	v22 =	vadd.f32 v59, v22  }
0x119: {  	s14 =	sadd.s32 $0x10, s14;
	v19 =	vsel vm0, v21, v19;
	_ =	swait.ge [sflag:s12], $0x8000  }
0x11a: {  	s30 =	sadd.s32 $0x10, s14;
	s17 =	simm.s32 @p0 $0x100;
	v61 =	vor.u32 s14, v16;
	[sflag:s12] =	ssyncset.done $0x0;
	vm1 =	vlt.f32 v20, v19;
	v22 =	vadd.f32 v60, v22  }
0x11b: {  	s31 =	sadd.s32 $0x10, s30;
	s14 =	simm.s32 @p0 $0x0;
	v18 =	vsel vm0, v61, v18;
	v62 =	vor.u32 s30, v16;
	[sflag:s12] =	ssyncadd.s32 $0xFFFF8000;
	v19 =	vsel vm1, v20, v19  }
0x11c: {  	v63 =	vor.u32 s31, v16;
	[tilespmem:s17], [sflag:$0x1] =	stream.linear.gather @p0 [hbm4b:s7+s14], $0x8000, $0x38;
	v20 =	vsel vm1, v62, v18;
	vm15 =	vlt.f32 v22, v19;
	[tilespmem:$0x10A00] =	vst v63  }
0x11d: {  	s15 =	simm.s32 $0x10140;
	s14 =	simm.s32 $0x0;
	v18 =	vsel vm15, v22, v19;
	v19 =	vsel vm15, v63, v20  }
.LBB2_6:
0x11e: {  	s16 =	sshra.s32 s14, $0x2  }
0x11f: {  	v20 =	vld [tilespmem:s16+$0x8100]  }
0x120: {  	v21 =	vld [tilespmem:s16+$0x8110]  }
0x121: {  	v22 =	vld [tilespmem:s16+$0x8120]  }
0x122: {  	v23 =	vld [tilespmem:s16+$0x8130]  }
0x123: {  	v24 =	vld [tilespmem:s16+$0x8140]  }
0x124: {  	v25 =	vld [tilespmem:s16+$0x8180]  }
0x125: {  	v26 =	vld [tilespmem:s16+$0x8190]  }
0x126: {  	v27 =	vld [tilespmem:s16+$0x8150]  }
0x127: {  	v50 =	vld [tilespmem:s16+$0x81A0]  }
0x128: {  	v28 =	vld [tilespmem:s16+$0x8160]  }
0x129: {  	v53 =	vld [tilespmem:s16+$0x81B0]  }
0x12a: {  	v29 =	vld [tilespmem:s16+$0x8170]  }
0x12b: {  	v56 =	vld [tilespmem:s16+$0x81C0]  }
0x12c: {  	v30 =	vld [tilespmem:s16+$0x8500];
	v20 =	vsub.f32 v20, v0;
	v21 =	vsub.f32 v21, v1  }
0x12d: {  	v59 =	vld [tilespmem:s16+$0x81D0];
	v22 =	vsub.f32 v22, v2;
	v49 =	vsub.f32 v23, v3  }
0x12e: {  	v31 =	vld [tilespmem:s16+$0x8510];
	v52 =	vsub.f32 v24, v4;
	v25 =	vsub.f32 v25, v0  }
0x12f: {  	v62 =	vld [tilespmem:s16+$0x81E0];
	v26 =	vsub.f32 v26, v1;
	v55 =	vsub.f32 v27, v5  }
0x130: {  	v43 =	vld [tilespmem:s16+$0x8540];
	v23 =	vsub.f32 v50, v2;
	v58 =	vsub.f32 v28, v6  }
0x131: {  	v63 =	vld [tilespmem:s16+$0x8520];
	v24 =	vsub.f32 v53, v3;
	v61 =	vsub.f32 v29, v7  }
0x132: {  	v36 =	vld [tilespmem:s16+$0x81F0];
	v33 =	vsub.f32 v56, v4;
	v35 =	vsub.f32 v30, v8;
	v20 =	vmul.f32 v20, v20  }
0x133: {  	v37 =	vld [tilespmem:s16+$0x8530];
	v39 =	vsub.f32 v59, v5;
	v21 =	vmul.f32 v21, v21;
	v48 =	vmul.f32 v22, v22  }
0x134: {  	v42 =	vld [tilespmem:s16+$0x8580];
	v41 =	vsub.f32 v31, v9;
	v51 =	vmul.f32 v49, v49;
	v54 =	vmul.f32 v52, v52  }
0x135: {  	v59 =	vsub.f32 v43, v12;
	v43 =	vld [tilespmem:s16+$0x8210];
	v25 =	vmul.f32 v25, v25;
	v26 =	vmul.f32 v26, v26  }
0x136: {  	v45 =	vsub.f32 v62, v6;
	v57 =	vmul.f32 v55, v55;
	v23 =	vmul.f32 v23, v23;
	v49 =	vld [tilespmem:s16+$0x8550]  }
0x137: {  	v47 =	vsub.f32 v63, v10;
	v60 =	vmul.f32 v58, v58;
	v24 =	vmul.f32 v24, v24;
	v55 =	vld [tilespmem:s16+$0x8560]  }
0x138: {  	v34 =	vmul.f32 v61, v61;
	v61 =	vld [tilespmem:s16+$0x8570];
	v20 =	vadd.f32 v21, v20;
	v25 =	vadd.f32 v26, v25  }
0x139: {  	v53 =	vsub.f32 v37, v11;
	v37 =	vld [tilespmem:s16+$0x85D0];
	v38 =	vmul.f32 v33, v33;
	v40 =	vmul.f32 v35, v35  }
0x13a: {  	v44 =	vmul.f32 v39, v39;
	v20 =	vadd.f32 v48, v20;
	v23 =	vadd.f32 v23, v25;
	v48 =	vld [tilespmem:s16+$0x8590]  }
0x13b: {  	v50 =	vmul.f32 v45, v45;
	v45 =	vld [tilespmem:s16+$0x85E0];
	v28 =	vsub.f32 v43, v1;
	v33 =	vsub.f32 v49, v13  }
0x13c: {  	v58 =	vmul.f32 v53, v53;
	v53 =	vld [tilespmem:s16+$0x8230];
	v20 =	vadd.f32 v51, v20;
	v23 =	vadd.f32 v24, v23  }
0x13d: {  	v46 =	vmul.f32 v41, v41;
	v39 =	vsub.f32 v55, v14;
	v49 =	vsub.f32 v61, v15;
	v61 =	vld [tilespmem:s16+$0x8260]  }
0x13e: {  	v52 =	vmul.f32 v47, v47;
	v20 =	vadd.f32 v54, v20;
	v23 =	vadd.f32 v38, v23;
	v54 =	vld [tilespmem:s16+$0x85A0]  }
0x13f: {  	v51 =	vsub.f32 v36, v7;
	v38 =	vmul.f32 v33, v33;
	v33 =	vld [tilespmem:s16+$0x8600];
	v63 =	vsub.f32 v48, v9  }
0x140: {  	v32 =	vmul.f32 v59, v59;
	v48 =	vld [tilespmem:s16+$0x8220];
	v20 =	vadd.f32 v57, v20;
	v23 =	vadd.f32 v44, v23  }
0x141: {  	v22 =	vsub.f32 v45, v14;
	v57 =	vsub.f32 v42, v8;
	v44 =	vmul.f32 v39, v39;
	v39 =	vld [tilespmem:s16+$0x82C0]  }
0x142: {  	v56 =	vmul.f32 v51, v51;
	v20 =	vadd.f32 v60, v20;
	v23 =	vadd.f32 v50, v23;
	v60 =	vld [tilespmem:s16+$0x85B0]  }
0x143: {  	v28 =	vmul.f32 v28, v28;
	v27 =	vsub.f32 v53, v3;
	v36 =	vsub.f32 v54, v10;
	v54 =	vld [tilespmem:s16+$0x8240]  }
0x144: {  	v62 =	vmul.f32 v57, v57;
	v20 =	vadd.f32 v34, v20;
	v23 =	vadd.f32 v56, v23;
	v34 =	vld [tilespmem:s16+$0x85C0]  }
0x145: {  	v35 =	vmul.f32 v63, v63;
	v56 =	vld [tilespmem:s16+$0x8280];
	v26 =	vsub.f32 v48, v2;
	v48 =	vsub.f32 v33, v8  }
0x146: {  	v41 =	vmul.f32 v36, v36;
	v36 =	vld [tilespmem:s16+$0x82B0];
	v20 =	vadd.f32 v40, v20;
	v23 =	vadd.f32 v62, v23  }
0x147: {  	v40 =	vld [tilespmem:s16+$0x8200];
	v62 =	vmul.f32 v27, v27;
	v27 =	vsub.f32 v39, v4;
	v42 =	vsub.f32 v60, v11  }
0x148: {  	v21 =	vmul.f32 v49, v49;
	v39 =	vld [tilespmem:s16+$0x8660];
	v20 =	vadd.f32 v46, v20;
	v23 =	vadd.f32 v35, v23  }
0x149: {  	v22 =	vmul.f32 v22, v22;
	v60 =	vld [tilespmem:s16+$0x82A0];
	v63 =	vsub.f32 v54, v4;
	v47 =	vsub.f32 v34, v12  }
0x14a: {  	v26 =	vmul.f32 v26, v26;
	v25 =	vsub.f32 v56, v0;
	v34 =	vld [tilespmem:s16+$0x8610];
	v20 =	vadd.f32 v52, v20  }
0x14b: {  	v46 =	vmul.f32 v42, v42;
	v23 =	vadd.f32 v41, v23;
	v52 =	vsub.f32 v37, v13;
	v37 =	vld [tilespmem:s16+$0x8270]  }
0x14c: {  	v27 =	vmul.f32 v27, v27;
	v41 =	vld [tilespmem:s16+$0x82D0];
	v29 =	vsub.f32 v40, v0;
	v20 =	vadd.f32 v58, v20  }
0x14d: {  	v54 =	vld [tilespmem:s16+$0x8680];
	v30 =	vsub.f32 v36, v3;
	v51 =	vmul.f32 v47, v47;
	v23 =	vadd.f32 v46, v23  }
0x14e: {  	v49 =	vld [tilespmem:s16+$0x82F0];
	v40 =	vsub.f32 v61, v6;
	v29 =	vmul.f32 v29, v29;
	v20 =	vadd.f32 v32, v20  }
0x14f: {  	v25 =	vmul.f32 v25, v25;
	v61 =	vld [tilespmem:s16+$0x8650];
	v23 =	vadd.f32 v51, v23;
	v53 =	vsub.f32 v34, v9  }
0x150: {  	v55 =	vmul.f32 v52, v52;
	v58 =	vld [tilespmem:s16+$0x8250];
	v59 =	vadd.f32 v28, v29;
	v28 =	vsub.f32 v60, v2  }
0x151: {  	v46 =	vmul.f32 v30, v30;
	v32 =	vld [tilespmem:s16+$0x8290];
	v43 =	vsub.f32 v37, v7;
	v51 =	vsub.f32 v41, v5  }
0x152: {  	v45 =	vld [tilespmem:s16+$0x8620];
	v52 =	vmul.f32 v48, v48;
	v41 =	vsub.f32 v54, v8;
	v54 =	vsub.f32 v39, v14  }
0x153: {  	v42 =	vmul.f32 v40, v40;
	v34 =	vld [tilespmem:s16+$0x8670];
	v20 =	vadd.f32 v38, v20;
	v57 =	vadd.f32 v55, v23  }
0x154: {  	v50 =	vld [tilespmem:s16+$0x85F0];
	v38 =	vmul.f32 v63, v63;
	v63 =	vsub.f32 v49, v7;
	v48 =	vsub.f32 v61, v13  }
0x155: {  	v35 =	vld [tilespmem:s16+$0x8370];
	v24 =	vadd.f32 v26, v59;
	v23 =	vsub.f32 v58, v5;
	v28 =	vmul.f32 v28, v28  }
0x156: {  	v55 =	vld [tilespmem:s16+$0x8640];
	v47 =	vmul.f32 v43, v43;
	v20 =	vadd.f32 v44, v20;
	v32 =	vsub.f32 v32, v1  }
0x157: {  	v59 =	vsub.f32 v45, v10;
	v44 =	vld [tilespmem:s16+$0x82E0];
	v40 =	vmul.f32 v63, v63;
	v24 =	vadd.f32 v62, v24  }
0x158: {  	v63 =	vld [tilespmem:s16+$0x8320];
	v34 =	vsub.f32 v34, v15;
	v20 =	vadd.f32 v21, v20;
	v32 =	vmul.f32 v32, v32  }
0x159: {  	v60 =	vld [tilespmem:s16+$0x8690];
	v23 =	vmul.f32 v23, v23;
	v21 =	vadd.f32 v22, v57;
	v24 =	vadd.f32 v38, v24  }
0x15a: {  	v56 =	vmul.f32 v51, v51;
	v22 =	vsub.f32 v50, v15;
	v50 =	vld [tilespmem:s16+$0x8630];
	v25 =	vadd.f32 v32, v25  }
0x15b: {  	v49 =	vld [tilespmem:s16+$0x86C0];
	v58 =	vmul.f32 v53, v53;
	v43 =	vsub.f32 v55, v12;
	v23 =	vadd.f32 v23, v24  }
0x15c: {  	v38 =	vld [tilespmem:s16+$0x86A0];
	v22 =	vmul.f32 v22, v22;
	v57 =	vsub.f32 v44, v6;
	v25 =	vadd.f32 v28, v25  }
0x15d: {  	v45 =	vmul.f32 v41, v41;
	v44 =	vld [tilespmem:s16+$0x86B0];
	v31 =	vsub.f32 v63, v2;
	v23 =	vadd.f32 v42, v23  }
0x15e: {  	v36 =	vmul.f32 v59, v59;
	v55 =	vld [tilespmem:s16+$0x8300];
	v21 =	vadd.f32 v22, v21;
	v25 =	vadd.f32 v46, v25  }
0x15f: {  	v59 =	vmul.f32 v54, v54;
	v54 =	vld [tilespmem:s16+$0x83C0];
	v37 =	vsub.f32 v50, v11;
	v23 =	vadd.f32 v47, v23  }
0x160: {  	v53 =	vmul.f32 v48, v48;
	v46 =	vsub.f32 v60, v9;
	v60 =	vld [tilespmem:s16+$0x86E0];
	v25 =	vadd.f32 v27, v25  }
0x161: {  	v34 =	vmul.f32 v34, v34;
	v51 =	vsub.f32 v38, v10;
	v23 =	vadd.f32 v52, v23;
	v52 =	vld [tilespmem:s16+$0x86D0]  }
0x162: {  	v62 =	vmul.f32 v57, v57;
	v57 =	vsub.f32 v44, v11;
	v44 =	vld [tilespmem:s16+$0x8380];
	v25 =	vadd.f32 v56, v25  }
0x163: {  	v48 =	vmul.f32 v31, v31;
	v41 =	vsub.f32 v55, v0;
	v23 =	vadd.f32 v58, v23;
	v58 =	vld [tilespmem:s16+$0x8310]  }
0x164: {  	v42 =	vmul.f32 v37, v37;
	v61 =	vmul.f32 v57, v57;
	v57 =	vld [tilespmem:s16+$0x83E0];
	v25 =	vadd.f32 v62, v25  }
0x165: {  	v47 =	vmul.f32 v43, v43;
	v23 =	vadd.f32 v36, v23;
	v62 =	vsub.f32 v49, v12;
	v49 =	vld [tilespmem:s16+$0x83A0]  }
0x166: {  	v63 =	vld [tilespmem:s16+$0x8730];
	v30 =	vmul.f32 v41, v41;
	v26 =	vsub.f32 v60, v14;
	v39 =	vsub.f32 v52, v13  }
0x167: {  	v50 =	vmul.f32 v46, v46;
	v52 =	vld [tilespmem:s16+$0x83B0];
	v25 =	vadd.f32 v40, v25;
	v23 =	vadd.f32 v42, v23  }
0x168: {  	v56 =	vmul.f32 v51, v51;
	v27 =	vsub.f32 v44, v0;
	v40 =	vld [tilespmem:s16+$0x8330];
	v29 =	vsub.f32 v58, v1  }
0x169: {  	v46 =	vmul.f32 v26, v26;
	v42 =	vld [tilespmem:s16+$0x8340];
	v25 =	vadd.f32 v45, v25;
	v23 =	vadd.f32 v47, v23  }
0x16a: {  	v55 =	vld [tilespmem:s16+$0x83D0];
	v38 =	vmul.f32 v62, v62;
	v44 =	vsub.f32 v57, v6;
	v31 =	vsub.f32 v49, v2  }
0x16b: {  	v36 =	vld [tilespmem:s16+$0x86F0];
	v29 =	vmul.f32 v29, v29;
	v25 =	vadd.f32 v50, v25;
	v23 =	vadd.f32 v53, v23  }
0x16c: {  	v27 =	vmul.f32 v27, v27;
	v45 =	vld [tilespmem:s16+$0x8390];
	v32 =	vsub.f32 v52, v3;
	v52 =	vsub.f32 v63, v11  }
0x16d: {  	v43 =	vmul.f32 v39, v39;
	v47 =	vld [tilespmem:s16+$0x8350];
	v29 =	vadd.f32 v29, v30;
	v28 =	vsub.f32 v40, v3  }
0x16e: {  	v62 =	vld [tilespmem:s16+$0x83F0];
	v49 =	vmul.f32 v44, v44;
	v51 =	vsub.f32 v42, v4;
	v30 =	vsub.f32 v54, v4  }
0x16f: {  	v50 =	vld [tilespmem:s16+$0x8360];
	v31 =	vmul.f32 v31, v31;
	v25 =	vadd.f32 v56, v25;
	v22 =	vadd.f32 v59, v23  }
0x170: {  	v58 =	vld [tilespmem:s16+$0x8720];
	v23 =	vsub.f32 v36, v15;
	v56 =	vsub.f32 v35, v7;
	v59 =	vmul.f32 v32, v32  }
0x171: {  	v42 =	vld [tilespmem:s16+$0x8780];
	v29 =	vadd.f32 v48, v29;
	v28 =	vmul.f32 v28, v28;
	v33 =	vsub.f32 v45, v1  }
0x172: {  	v36 =	vld [tilespmem:s16+$0x8700];
	v53 =	vmul.f32 v51, v51;
	v26 =	vsub.f32 v47, v5;
	v37 =	vadd.f32 v61, v25  }
0x173: {  	v48 =	vld [tilespmem:s16+$0x8750];
	v44 =	vmul.f32 v23, v23;
	v23 =	vadd.f32 v34, v22;
	v28 =	vadd.f32 v28, v29  }
0x174: {  	v30 =	vmul.f32 v30, v30;
	v47 =	vld [tilespmem:s16+$0x8790];
	v25 =	vsub.f32 v50, v6;
	v29 =	vsub.f32 v55, v5  }
0x175: {  	v33 =	vmul.f32 v33, v33;
	v50 =	vsub.f32 v62, v7;
	v24 =	vadd.f32 v38, v37;
	v37 =	vld [tilespmem:s16+$0x8710]  }
0x176: {  	v26 =	vmul.f32 v26, v26;
	v55 =	vsub.f32 v42, v8;
	v28 =	vadd.f32 v53, v28;
	v53 =	vld [tilespmem:s16+$0x87A0]  }
0x177: {  	v27 =	vadd.f32 v33, v27;
	v61 =	vsub.f32 v36, v8;
	v54 =	vmul.f32 v50, v50;
	v50 =	vld [tilespmem:s16+$0x8490]  }
0x178: {  	v25 =	vmul.f32 v25, v25;
	v24 =	vadd.f32 v43, v24;
	v43 =	vld [tilespmem:s16+$0x8740];
	v63 =	vsub.f32 v48, v13  }
0x179: {  	v26 =	vadd.f32 v26, v28;
	v27 =	vadd.f32 v31, v27;
	v40 =	vmul.f32 v61, v61;
	v61 =	vld [tilespmem:s16+$0x87C0]  }
0x17a: {  	v60 =	vmul.f32 v56, v56;
	v24 =	vadd.f32 v46, v24;
	v46 =	vsub.f32 v58, v10;
	v58 =	vld [tilespmem:s16+$0x87B0]  }
0x17b: {  	v25 =	vadd.f32 v25, v26;
	v27 =	vadd.f32 v59, v27;
	v59 =	vmul.f32 v55, v55;
	v55 =	vld [tilespmem:s16+$0x84A0]  }
0x17c: {  	v41 =	vsub.f32 v37, v9;
	v51 =	vmul.f32 v46, v46;
	v42 =	vsub.f32 v53, v10;
	v46 =	vld [tilespmem:s16+$0x8420]  }
0x17d: {  	v22 =	vadd.f32 v44, v24;
	v53 =	vld [tilespmem:s16+$0x8430];
	v25 =	vadd.f32 v60, v25  }
0x17e: {  	v29 =	vmul.f32 v29, v29;
	v27 =	vadd.f32 v30, v27;
	v57 =	vsub.f32 v43, v12;
	v43 =	vld [tilespmem:s16+$0x8410]  }
0x17f: {  	v24 =	vsub.f32 v50, v1;
	v45 =	vmul.f32 v41, v41;
	v25 =	vadd.f32 v40, v25;
	v40 =	vld [tilespmem:s16+$0x8400]  }
0x180: {  	v60 =	vsub.f32 v47, v9;
	v27 =	vadd.f32 v29, v27;
	v62 =	vmul.f32 v57, v57;
	v57 =	vld [tilespmem:s16+$0x8440]  }
0x181: {  	v56 =	vmul.f32 v52, v52;
	v48 =	vsub.f32 v58, v11;
	v58 =	vld [tilespmem:s16+$0x84B0];
	v34 =	vsub.f32 v55, v2  }
0x182: {  	v47 =	vmul.f32 v42, v42;
	v25 =	vadd.f32 v45, v25;
	v27 =	vadd.f32 v49, v27;
	v49 =	vld [tilespmem:s16+$0x8480]  }
0x183: {  	v45 =	vmul.f32 v63, v63;
	v28 =	vsub.f32 v46, v2;
	v29 =	vsub.f32 v53, v3;
	v63 =	vld [tilespmem:s16+$0x84D0]  }
0x184: {  	v41 =	vmul.f32 v60, v60;
	v60 =	vld [tilespmem:s16+$0x84C0];
	v32 =	vsub.f32 v43, v1;
	v25 =	vadd.f32 v51, v25  }
0x185: {  	v24 =	vmul.f32 v24, v24;
	v43 =	vld [tilespmem:s16+$0x8470];
	v27 =	vadd.f32 v54, v27;
	v54 =	vsub.f32 v40, v0  }
0x186: {  	v52 =	vmul.f32 v48, v48;
	v48 =	vld [tilespmem:s16+$0x8800];
	v35 =	vsub.f32 v58, v3;
	v25 =	vadd.f32 v56, v25  }
0x187: {  	v55 =	vld [tilespmem:s16+$0x8880];
	v34 =	vmul.f32 v34, v34;
	v27 =	vadd.f32 v59, v27;
	v56 =	vsub.f32 v61, v12  }
0x188: {  	v32 =	vmul.f32 v32, v32;
	v31 =	vsub.f32 v49, v0;
	v33 =	vsub.f32 v63, v5  }
0x189: {  	v59 =	vld [tilespmem:s16+$0x8450];
	v30 =	vmul.f32 v54, v54;
	v25 =	vadd.f32 v62, v25;
	v27 =	vadd.f32 v41, v27  }
0x18a: {  	v28 =	vmul.f32 v28, v28;
	v61 =	vld [tilespmem:s16+$0x8460];
	v62 =	vsub.f32 v57, v4;
	v53 =	vsub.f32 v43, v7  }
0x18b: {  	v40 =	vld [tilespmem:s16+$0x87D0];
	v57 =	vsub.f32 v48, v8;
	v30 =	vadd.f32 v32, v30;
	v31 =	vmul.f32 v31, v31  }
0x18c: {  	v49 =	vld [tilespmem:s16+$0x84F0];
	v32 =	vsub.f32 v60, v4;
	v54 =	vmul.f32 v33, v33;
	v33 =	vsub.f32 v55, v8  }
0x18d: {  	v29 =	vmul.f32 v29, v29;
	v43 =	vld [tilespmem:s16+$0x88C0];
	v25 =	vadd.f32 v45, v25;
	v51 =	vadd.f32 v47, v27  }
0x18e: {  	v58 =	vld [tilespmem:s16+$0x8890];
	v44 =	vmul.f32 v35, v35;
	v28 =	vadd.f32 v28, v30;
	v24 =	vadd.f32 v24, v31  }
0x18f: {  	v27 =	vmul.f32 v56, v56;
	v45 =	vld [tilespmem:s16+$0x84E0];
	v42 =	vsub.f32 v59, v5;
	v47 =	vsub.f32 v61, v6  }
0x190: {  	v41 =	vmul.f32 v62, v62;
	v31 =	vsub.f32 v40, v13;
	v61 =	vld [tilespmem:s16+$0x88A0];
	v26 =	vadd.f32 v52, v51  }
0x191: {  	v60 =	vmul.f32 v57, v57;
	v59 =	vld [tilespmem:s16+$0x8760];
	v28 =	vadd.f32 v29, v28;
	v24 =	vadd.f32 v34, v24  }
0x192: {  	v30 =	vmul.f32 v53, v53;
	v53 =	vld [tilespmem:s16+$0x88F0];
	v34 =	vsub.f32 v49, v7;
	v36 =	vsub.f32 v43, v12  }
0x193: {  	v52 =	vld [tilespmem:s16+$0x8810];
	v31 =	vmul.f32 v31, v31;
	v26 =	vadd.f32 v27, v26;
	v28 =	vadd.f32 v41, v28  }
0x194: {  	v56 =	vld [tilespmem:s16+$0x8820];
	v32 =	vmul.f32 v32, v32;
	v24 =	vadd.f32 v44, v24;
	v35 =	vsub.f32 v45, v6  }
0x195: {  	v63 =	vld [tilespmem:s16+$0x8830];
	v46 =	vmul.f32 v42, v42;
	v42 =	vsub.f32 v61, v10;
	v26 =	vadd.f32 v31, v26  }
0x196: {  	v48 =	vld [tilespmem:s16+$0x8770];
	v51 =	vmul.f32 v47, v47;
	v47 =	vsub.f32 v59, v14;
	v24 =	vadd.f32 v32, v24  }
0x197: {  	v62 =	vld [tilespmem:s16+$0x87E0];
	v33 =	vmul.f32 v33, v33;
	v59 =	vsub.f32 v53, v15;
	v50 =	vadd.f32 v46, v28  }
0x198: {  	v40 =	vld [tilespmem:s16+$0x88B0];
	v35 =	vmul.f32 v35, v35;
	v29 =	vsub.f32 v52, v9;
	v24 =	vadd.f32 v54, v24  }
0x199: {  	v34 =	vmul.f32 v34, v34;
	v28 =	vsub.f32 v56, v10;
	v52 =	vld [tilespmem:s16+$0x8870];
	v27 =	vadd.f32 v51, v50  }
0x19a: {  	v49 =	vld [tilespmem:s16+$0x87F0];
	v36 =	vmul.f32 v36, v36;
	v32 =	vsub.f32 v58, v9;
	v24 =	vadd.f32 v35, v24  }
0x19b: {  	v45 =	vmul.f32 v42, v42;
	v50 =	vld [tilespmem:s16+$0x8860];
	v54 =	vsub.f32 v48, v15;
	v27 =	vadd.f32 v30, v27  }
0x19c: {  	v41 =	vld [tilespmem:s16+$0x8840];
	v29 =	vmul.f32 v29, v29;
	v30 =	vsub.f32 v63, v11;
	v24 =	vadd.f32 v34, v24  }
0x19d: {  	v44 =	vld [tilespmem:s16+$0x8850];
	v28 =	vmul.f32 v28, v28;
	v35 =	vsub.f32 v62, v14;
	v27 =	vadd.f32 v60, v27  }
0x19e: {  	v46 =	vld [tilespmem:s16+$0x88D0];
	v32 =	vmul.f32 v32, v32;
	v57 =	vsub.f32 v52, v15;
	v24 =	vadd.f32 v33, v24  }
0x19f: {  	v51 =	vld [tilespmem:s16+$0x88E0];
	[tilespmem:s15+$0xFFFFFFC0] =	vst v20;
	v20 =	vmul.f32 v54, v54;
	v34 =	vsub.f32 v40, v11;
	v27 =	vadd.f32 v29, v27  }
0x1a0: {  	v35 =	vmul.f32 v35, v35;
	v55 =	vsub.f32 v50, v14;
	v24 =	vadd.f32 v32, v24  }
0x1a1: {  	v30 =	vmul.f32 v30, v30;
	v29 =	vsub.f32 v41, v12;
	v27 =	vadd.f32 v28, v27  }
0x1a2: {  	v34 =	vmul.f32 v34, v34;
	v26 =	vadd.f32 v35, v26;
	v24 =	vadd.f32 v45, v24  }
0x1a3: {  	v29 =	vmul.f32 v29, v29;
	v28 =	vsub.f32 v44, v13;
	v27 =	vadd.f32 v30, v27  }
0x1a4: {  	v33 =	vmul.f32 v47, v47;
	v32 =	vsub.f32 v46, v13;
	v24 =	vadd.f32 v34, v24  }
0x1a5: {  	v28 =	vmul.f32 v28, v28;
	v30 =	vsub.f32 v49, v15;
	v27 =	vadd.f32 v29, v27  }
0x1a6: {  	v32 =	vmul.f32 v32, v32;
	v29 =	vsub.f32 v51, v14;
	v24 =	vadd.f32 v36, v24  }
0x1a7: {  	v56 =	vmul.f32 v55, v55;
	v25 =	vadd.f32 v33, v25;
	v27 =	vadd.f32 v28, v27  }
0x1a8: {  	[tilespmem:s15+$0xFFFFFFD0] =	vst v21;
	v58 =	vmul.f32 v30, v30;
	v29 =	vmul.f32 v29, v29;
	v24 =	vadd.f32 v32, v24  }
0x1a9: {  	p1 =	seq.s32 s14, $0x1E000;
	[tilespmem:s15+$0xFFFFFFE0] =	vst v23;
	v61 =	vmul.f32 v57, v57;
	v20 =	vadd.f32 v20, v25;
	v60 =	vadd.f32 v56, v27  }
.Ltmp2:
0x1aa: {  	[tilespmem:s15+$0xFFFFFFF0] =	vst v22;
	v62 =	vmul.f32 v59, v59;
	v21 =	vadd.f32 v58, v26;
	v24 =	vadd.f32 v29, v24;
	(pc) =	sbr.rel @!p1 .LBB2_6-.Ltmp2, $4  }
0x1ab: {  	[tilespmem:s15+$0x0] =	vst v20;
	v63 =	vadd.f32 v61, v60  }
0x1ac: {  	[tilespmem:s15+$0x10] =	vst v21;
	v20 =	vadd.f32 v62, v24  }
0x1ad: {  	[tilespmem:s15+$0x20] =	vst v63  }
0x1ae: {  	s14 =	sadd.s32 $0x2000, s14;
	[tilespmem:s15+$0x30] =	vst v20;
	s15 =	sadd.s32 $0x80, s15  }
0x1af: {  	s15 =	simm.s32 $0x0  }
0x1b0: {  	s22 =	simm.s32 $0x1;
	v20 =	vor.u32 s15, v17  }
0x1b1: {  	v21 =	vor.u32 s22, v17  }
0x1b2: {  	s23 =	simm.s32 $0x2  }
0x1b3: {  	v22 =	vor.u32 s23, v17  }
0x1b4: {  	s24 =	simm.s32 $0x3  }
0x1b5: {  	v23 =	vor.u32 s24, v17;
	v20 =	vld.idx.msk [tilespmem:v20+s11+$0x0], $0xffff  }
0x1b6: {  	s25 =	simm.s32 $0x4;
	v21 =	vld.idx.msk [tilespmem:v21+s11+$0x0], $0xffff  }
0x1b7: {  	s26 =	simm.s32 $0x5;
	v24 =	vor.u32 s25, v17  }
0x1b8: {  	s28 =	simm.s32 $0x6;
	v25 =	vor.u32 s26, v17;
	v22 =	vld.idx.msk [tilespmem:v22+s11+$0x0], $0xffff  }
0x1b9: {  	s29 =	simm.s32 $0x7;
	v26 =	vor.u32 s28, v17  }
0x1ba: {  	s30 =	simm.s32 $0x9;
	v27 =	vor.u32 s29, v17;
	v23 =	vld.idx.msk [tilespmem:v23+s11+$0x0], $0xffff  }
0x1bb: {  	s16 =	simm.s32 $0x8;
	v20 =	vadd.f32 v21, v20;
	v21 =	vor.u32 s30, v17  }
0x1bc: {  	s31 =	simm.s32 $0x100;
	v28 =	vor.u32 s16, v17;
	v24 =	vld.idx.msk [tilespmem:v24+s11+$0x0], $0xffff  }
0x1bd: {  	s16 =	simm.s32 $0x101;
	v20 =	vadd.f32 v22, v20;
	v22 =	vld.idx.msk [tilespmem:v25+s11+$0x0], $0xffff;
	v25 =	vor.u32 s31, v17  }
0x1be: {  	s17 =	simm.s32 $0xA;
	v29 =	vor.u32 s16, v17;
	v26 =	vld.idx.msk [tilespmem:v26+s11+$0x0], $0xffff  }
0x1bf: {  	s18 =	simm.s32 $0x102;
	v20 =	vadd.f32 v23, v20;
	v23 =	vld.idx.msk [tilespmem:v27+s11+$0x0], $0xffff;
	v27 =	vor.u32 s17, v17  }
0x1c0: {  	s19 =	simm.s32 $0xB;
	v30 =	vor.u32 s18, v17;
	v21 =	vld.idx.msk [tilespmem:v21+s11+$0x0], $0xffff  }
0x1c1: {  	s20 =	simm.s32 $0x103;
	v20 =	vadd.f32 v24, v20;
	v24 =	vld.idx.msk [tilespmem:v28+s11+$0x0], $0xffff;
	v28 =	vor.u32 s19, v17  }
0x1c2: {  	s21 =	simm.s32 $0xC;
	v31 =	vor.u32 s20, v17;
	v25 =	vld.idx.msk [tilespmem:v25+s11+$0x0], $0xffff  }
0x1c3: {  	s22 =	simm.s32 $0x104;
	v20 =	vadd.f32 v22, v20;
	v22 =	vld.idx.msk [tilespmem:v29+s11+$0x0], $0xffff;
	v29 =	vor.u32 s21, v17  }
0x1c4: {  	s23 =	simm.s32 $0xD;
	v32 =	vor.u32 s22, v17;
	v27 =	vld.idx.msk [tilespmem:v27+s11+$0x0], $0xffff  }
0x1c5: {  	s24 =	simm.s32 $0x105;
	v20 =	vadd.f32 v26, v20;
	v26 =	vld.idx.msk [tilespmem:v30+s11+$0x0], $0xffff;
	v30 =	vor.u32 s23, v17  }
0x1c6: {  	s20 =	simm.s32 $0x203;
	v33 =	vor.u32 s24, v17;
	v28 =	vld.idx.msk [tilespmem:v28+s11+$0x0], $0xffff  }
0x1c7: {  	s25 =	simm.s32 $0xE;
	v60 =	vor.u32 s20, v17;
	v20 =	vadd.f32 v23, v20;
	v23 =	vld.idx.msk [tilespmem:v31+s11+$0x0], $0xffff  }
0x1c8: {  	s26 =	simm.s32 $0x106;
	v31 =	vor.u32 s25, v17;
	v29 =	vld.idx.msk [tilespmem:v29+s11+$0x0], $0xffff  }
0x1c9: {  	s14 =	simm.s32 $0xF;
	v34 =	vor.u32 s26, v17;
	v22 =	vadd.f32 v22, v25;
	v20 =	vadd.f32 v24, v20;
	v24 =	vld.idx.msk [tilespmem:v32+s11+$0x0], $0xffff  }
0x1ca: {  	s28 =	simm.s32 $0x107;
	v25 =	vor.u32 s14, v17;
	v30 =	vld.idx.msk [tilespmem:v30+s11+$0x0], $0xffff  }
0x1cb: {  	v56 =	vor.u32 s28, v17;
	s30 =	simm.s32 $0x108;
	v20 =	vadd.f32 v21, v20;
	v21 =	vadd.f32 v26, v22;
	v22 =	vld.idx.msk [tilespmem:v33+s11+$0x0], $0xffff  }
0x1cc: {  	v57 =	vor.u32 s30, v17;
	s31 =	simm.s32 $0x200;
	v33 =	vld.idx.msk [tilespmem:v60+s11+$0x0], $0xffff  }
0x1cd: {  	s16 =	simm.s32 $0x201;
	v31 =	vld.idx.msk [tilespmem:v31+s11+$0x0], $0xffff;
	v20 =	vadd.f32 v27, v20;
	v27 =	vor.u32 s31, v17;
	v21 =	vadd.f32 v23, v21  }
0x1ce: {  	s29 =	simm.s32 $0x109;
	v58 =	vor.u32 s16, v17;
	v23 =	vld.idx.msk [tilespmem:v34+s11+$0x0], $0xffff  }
0x1cf: {  	s17 =	simm.s32 $0x10A;
	v26 =	vor.u32 s29, v17;
	v25 =	vld.idx.msk [tilespmem:v25+s11+$0x0], $0xffff;
	v20 =	vadd.f32 v28, v20;
	v21 =	vadd.f32 v24, v21  }
0x1d0: {  	s18 =	simm.s32 $0x202;
	v24 =	vld.idx.msk [tilespmem:v56+s11+$0x0], $0xffff;
	v28 =	vor.u32 s17, v17  }
0x1d1: {  	v59 =	vor.u32 s18, v17;
	s19 =	simm.s32 $0x10B;
	v20 =	vadd.f32 v29, v20;
	v21 =	vadd.f32 v22, v21;
	v22 =	vld.idx.msk [tilespmem:v57+s11+$0x0], $0xffff  }
0x1d2: {  	s21 =	simm.s32 $0x10C;
	v29 =	vor.u32 s19, v17;
	v27 =	vld.idx.msk [tilespmem:v27+s11+$0x0], $0xffff  }
0x1d3: {  	s22 =	simm.s32 $0x204;
	v20 =	vadd.f32 v30, v20;
	v30 =	vld.idx.msk [tilespmem:v58+s11+$0x0], $0xffff;
	v21 =	vadd.f32 v23, v21;
	v23 =	vor.u32 s21, v17  }
0x1d4: {  	s26 =	simm.s32 $0x206;
	v61 =	vor.u32 s22, v17;
	v26 =	vld.idx.msk [tilespmem:v26+s11+$0x0], $0xffff  }
0x1d5: {  	v38 =	vor.u32 s26, v17;
	s23 =	simm.s32 $0x10D;
	v28 =	vld.idx.msk [tilespmem:v28+s11+$0x0], $0xffff;
	v20 =	vadd.f32 v31, v20;
	v21 =	vadd.f32 v24, v21  }
0x1d6: {  	s24 =	simm.s32 $0x205;
	v62 =	vor.u32 s23, v17;
	v31 =	vld.idx.msk [tilespmem:v59+s11+$0x0], $0xffff  }
0x1d7: {  	v35 =	vor.u32 s24, v17;
	s25 =	simm.s32 $0x10E;
	s29 =	simm.s32 $0x207;
	v36 =	vld.idx.msk [tilespmem:v29+s11+$0x0], $0xffff;
	v20 =	vadd.f32 v25, v20;
	v22 =	vadd.f32 v22, v21  }
0x1d8: {  	s28 =	simm.s32 $0x10F;
	v37 =	vor.u32 s25, v17;
	v29 =	vor.u32 s29, v17;
	v21 =	vld.idx.msk [tilespmem:v23+s11+$0x0], $0xffff;
	v23 =	vadd.f32 v30, v27  }
0x1d9: {  	s13 =	sadd.s32 s13, s8;
	s30 =	simm.s32 $0x209;
	v24 =	vld.idx.msk [tilespmem:v61+s11+$0x0], $0xffff;
	v30 =	vor.u32 s28, v17;
	vm0 =	vlt.f32 v20, v18;
	v22 =	vadd.f32 v26, v22  }
0x1da: {  	v25 =	vor.u32 s13, v16;
	v27 =	vld.idx.msk [tilespmem:v38+s11+$0x0], $0xffff;
	v26 =	vor.u32 s30, v17;
	v20 =	vsel vm0, v20, v18  }
0x1db: {  	s17 =	simm.s32 $0x208;
	v18 =	vsel vm0, v25, v19;
	v19 =	vld.idx.msk [tilespmem:v62+s11+$0x0], $0xffff;
	v23 =	vadd.f32 v31, v23;
	v63 =	vadd.f32 v28, v22  }
0x1dc: {  	s15 =	simm.s32 $0x20F;
	s31 =	simm.s32 $0x300;
	v25 =	vld.idx.msk [tilespmem:v35+s11+$0x0], $0xffff;
	v28 =	vor.u32 s17, v17  }
0x1dd: {  	s16 =	simm.s32 $0x40F;
	s14 =	simm.s32 $0x30F;
	v31 =	vor.u32 s31, v17;
	v22 =	vld.idx.msk [tilespmem:v37+s11+$0x0], $0xffff;
	s17 =	simm.s32 $0x301;
	v32 =	vadd.f32 v33, v23;
	v23 =	vadd.f32 v36, v63  }
.LBB2_8:
0x1de: {  	p1 =	sne.s32 s16, $0x70F;
	v33 =	vor.u32 s17, v17;
	s17 =	sadd.s32 $0xFFFFFFFB, s15;
	v30 =	vld.idx.msk [tilespmem:v30+s11+$0x0], $0xffff  }
0x1df: {  	s18 =	sadd.s32 $0xFFFFFFF3, s14;
	v24 =	vadd.f32 v24, v32;
	v29 =	vld.idx.msk [tilespmem:v29+s11+$0x0], $0xffff;
	v32 =	vor.u32 s17, v17;
	v21 =	vadd.f32 v21, v23  }
0x1e0: {  	v23 =	vor.u32 s18, v17;
	s17 =	sadd.s32 $0xFFFFFFFC, s15;
	v26 =	vld.idx.msk [tilespmem:v26+s11+$0x0], $0xffff  }
0x1e1: {  	s18 =	sadd.s32 $0xFFFFFFF4, s14;
	v24 =	vadd.f32 v25, v24;
	v25 =	vld.idx.msk [tilespmem:v28+s11+$0x0], $0xffff;
	v28 =	vor.u32 s17, v17;
	v19 =	vadd.f32 v19, v21  }
0x1e2: {  	v21 =	vor.u32 s18, v17;
	s17 =	sadd.s32 $0xFFFFFFFD, s15;
	v31 =	vld.idx.msk [tilespmem:v31+s11+$0x0], $0xffff  }
0x1e3: {  	s18 =	sadd.s32 $0xFFFFFFF5, s14;
	v33 =	vld.idx.msk [tilespmem:v33+s11+$0x0], $0xffff;
	v24 =	vadd.f32 v27, v24;
	v27 =	vor.u32 s17, v17;
	v19 =	vadd.f32 v22, v19  }
0x1e4: {  	v22 =	vor.u32 s18, v17;
	s17 =	sadd.s32 $0xFFFFFFFE, s15;
	v32 =	vld.idx.msk [tilespmem:v32+s11+$0x0], $0xffff  }
0x1e5: {  	s13 =	sadd.s32 $0x10, s13;
	s18 =	sadd.s32 $0xFFFFFFF6, s14;
	v34 =	vor.u32 s17, v17;
	v23 =	vld.idx.msk [tilespmem:v23+s11+$0x0], $0xffff;
	v24 =	vadd.f32 v29, v24;
	v19 =	vadd.f32 v30, v19  }
0x1e6: {  	v35 =	vor.u32 s18, v17;
	s17 =	sadd.s32 $0xFFFFFFFF, s15;
	v36 =	vld.idx.msk [tilespmem:v28+s11+$0x0], $0xffff;
	v28 =	vor.u32 s13, v16  }
0x1e7: {  	s18 =	sadd.s32 $0xFFFFFFF7, s14;
	v38 =	vor.u32 s17, v17;
	v37 =	vld.idx.msk [tilespmem:v21+s11+$0x0], $0xffff;
	v25 =	vadd.f32 v25, v24;
	vm0 =	vlt.f32 v19, v20  }
0x1e8: {  	v39 =	vor.u32 s18, v17;
	v21 =	vld.idx.msk [tilespmem:v27+s11+$0x0], $0xffff;
	v20 =	vsel vm0, v19, v20;
	v18 =	vsel vm0, v28, v18  }
.Ltmp3:
0x1e9: {  	s17 =	sadd.s32 $0xFFFFFFF8, s14;
	v30 =	vor.u32 s15, v17;
	s15 =	smov.u32 s14;
	v27 =	vadd.f32 v33, v31;
	v24 =	vld.idx.msk [tilespmem:v22+s11+$0x0], $0xffff;
	v22 =	vadd.f32 v26, v25;
	(pc) =	sbr.rel @p1 .LBB2_8-.Ltmp3, $4  }
0x1ea: {  	s14 =	smov.u32 s16;
	v29 =	vor.u32 s17, v17;
	s17 =	sadd.s32 $0xFFFFFFFA, s15;
	v19 =	vld.idx.msk [tilespmem:v34+s11+$0x0], $0xffff  }
0x1eb: {  	s18 =	sadd.s32 $0xFFFFFFF9, s15;
	v26 =	vor.u32 s17, v17;
	v23 =	vadd.f32 v23, v27;
	v25 =	vld.idx.msk [tilespmem:v35+s11+$0x0], $0xffff;
	v33 =	vadd.f32 v32, v22  }
0x1ec: {  	v28 =	vor.u32 s18, v17;
	s17 =	sadd.s32 $0xFFFFFFF1, s16;
	v22 =	vld.idx.msk [tilespmem:v38+s11+$0x0], $0xffff  }
0x1ed: {  	s16 =	sadd.s32 $0x100, s16;
	v31 =	vor.u32 s17, v17;
	s17 =	sadd.s32 $0xFFFFFFF2, s14;
	v32 =	vadd.f32 v37, v23;
	v27 =	vld.idx.msk [tilespmem:v39+s11+$0x0], $0xffff;
	v23 =	vadd.f32 v36, v33  }
0x1ee: {  	v33 =	vor.u32 s17, v17  }
0x1ef: {  	s16 =	sadd.s32 $0xFFFFFFF3, s14  }
0x1f0: {  	v34 =	vor.u32 s16, v17  }
0x1f1: {  	s29 =	sadd.s32 $0xFFFFFFF4, s14  }
0x1f2: {  	v31 =	vld.idx.msk [tilespmem:v31+s11+$0x0], $0xffff;
	v35 =	vor.u32 s29, v17  }
0x1f3: {  	s30 =	sadd.s32 $0xFFFFFFF5, s14;
	v33 =	vld.idx.msk [tilespmem:v33+s11+$0x0], $0xffff  }
0x1f4: {  	v36 =	vor.u32 s30, v17  }
0x1f5: {  	s31 =	sadd.s32 $0xFFFFFFF6, s14;
	v34 =	vld.idx.msk [tilespmem:v34+s11+$0x0], $0xffff  }
0x1f6: {  	v37 =	vor.u32 s31, v17  }
0x1f7: {  	s17 =	sadd.s32 $0xFFFFFFF7, s14;
	v35 =	vld.idx.msk [tilespmem:v35+s11+$0x0], $0xffff  }
0x1f8: {  	v42 =	vor.u32 s17, v17;
	v31 =	vadd.f32 v33, v31  }
0x1f9: {  	s18 =	sadd.s32 $0xFFFFFFF8, s14;
	v36 =	vld.idx.msk [tilespmem:v36+s11+$0x0], $0xffff  }
0x1fa: {  	v30 =	vld.idx.msk [tilespmem:v30+s11+$0x0], $0xffff;
	v43 =	vor.u32 s18, v17;
	v31 =	vadd.f32 v34, v31  }
0x1fb: {  	s19 =	sadd.s32 $0xFFFFFFF9, s14;
	v37 =	vld.idx.msk [tilespmem:v37+s11+$0x0], $0xffff  }
0x1fc: {  	v29 =	vld.idx.msk [tilespmem:v29+s11+$0x0], $0xffff;
	s21 =	sadd.s32 $0xFFFFFFFA, s14;
	v24 =	vadd.f32 v24, v32;
	v44 =	vor.u32 s19, v17;
	v31 =	vadd.f32 v35, v31  }
0x1fd: {  	s20 =	sadd.s32 $0xFFFFFFFB, s15;
	v47 =	vor.u32 s21, v17;
	v33 =	vld.idx.msk [tilespmem:v42+s11+$0x0], $0xffff  }
0x1fe: {  	v46 =	vld.idx.msk [tilespmem:v28+s11+$0x0], $0xffff;
	s23 =	sadd.s32 $0xFFFFFFFB, s14;
	v45 =	vor.u32 s20, v17;
	v24 =	vadd.f32 v25, v24;
	v31 =	vadd.f32 v36, v31  }
0x1ff: {  	s22 =	sadd.s32 $0xFFFFFFFC, s15;
	v49 =	vor.u32 s23, v17;
	v34 =	vld.idx.msk [tilespmem:v43+s11+$0x0], $0xffff  }
0x200: {  	v26 =	vld.idx.msk [tilespmem:v26+s11+$0x0], $0xffff;
	s25 =	sadd.s32 $0xFFFFFFFC, s14;
	v48 =	vor.u32 s22, v17;
	v24 =	vadd.f32 v27, v24;
	v31 =	vadd.f32 v37, v31  }
0x201: {  	s24 =	sadd.s32 $0xFFFFFFFD, s15;
	v51 =	vor.u32 s25, v17;
	v32 =	vld.idx.msk [tilespmem:v44+s11+$0x0], $0xffff  }
0x202: {  	s28 =	sadd.s32 $0xFFFFFFFD, s14;
	v50 =	vor.u32 s24, v17;
	v28 =	vld.idx.msk [tilespmem:v47+s11+$0x0], $0xffff;
	v24 =	vadd.f32 v29, v24;
	v31 =	vadd.f32 v33, v31  }
0x203: {  	s26 =	sadd.s32 $0xFFFFFFFE, s15;
	v53 =	vor.u32 s28, v17;
	v35 =	vld.idx.msk [tilespmem:v45+s11+$0x0], $0xffff  }
0x204: {  	v52 =	vor.u32 s26, v17;
	s29 =	sadd.s32 $0xFFFFFFFF, s15;
	v27 =	vld.idx.msk [tilespmem:v49+s11+$0x0], $0xffff;
	v24 =	vadd.f32 v46, v24;
	v31 =	vadd.f32 v34, v31  }
0x205: {  	s30 =	sadd.s32 $0xFFFFFFFE, s14;
	v54 =	vor.u32 s29, v17;
	v36 =	vld.idx.msk [tilespmem:v48+s11+$0x0], $0xffff  }
0x206: {  	v55 =	vor.u32 s30, v17;
	v29 =	vld.idx.msk [tilespmem:v51+s11+$0x0], $0xffff;
	v24 =	vadd.f32 v26, v24;
	v31 =	vadd.f32 v32, v31  }
0x207: {  	v56 =	vor.u32 s15, v17;
	s31 =	sadd.s32 $0xFFFFFFFF, s14;
	v37 =	vld.idx.msk [tilespmem:v50+s11+$0x0], $0xffff  }
0x208: {  	v57 =	vor.u32 s31, v17;
	v58 =	vld.idx.msk [tilespmem:v53+s11+$0x0], $0xffff;
	v24 =	vadd.f32 v35, v24;
	v28 =	vadd.f32 v28, v31  }
0x209: {  	v21 =	vadd.f32 v21, v23;
	v33 =	vld.idx.msk [tilespmem:v52+s11+$0x0], $0xffff  }
0x20a: {  	v17 =	vor.u32 s14, v17;
	v59 =	vld.idx.msk [tilespmem:v54+s11+$0x0], $0xffff;
	v24 =	vadd.f32 v36, v24;
	v27 =	vadd.f32 v27, v28  }
0x20b: {  	v19 =	vadd.f32 v19, v21;
	v60 =	vld.idx.msk [tilespmem:v55+s11+$0x0], $0xffff  }
0x20c: {  	v61 =	vld.idx.msk [tilespmem:v56+s11+$0x0], $0xffff;
	v24 =	vadd.f32 v37, v24;
	v27 =	vadd.f32 v29, v27  }
0x20d: {  	v19 =	vadd.f32 v22, v19;
	v62 =	vld.idx.msk [tilespmem:v57+s11+$0x0], $0xffff  }
0x20e: {  	v24 =	vadd.f32 v33, v24;
	v23 =	vadd.f32 v58, v27  }
0x20f: {  	v19 =	vadd.f32 v30, v19;
	v17 =	vld.idx.msk [tilespmem:v17+s11+$0x0], $0xffff  }
0x210: {  	v24 =	vadd.f32 v59, v24;
	v21 =	vadd.f32 v60, v23;
	_ =	sdelay $0x1  }
0x211: {  	vm0 =	vlt.f32 v19, v20;
	v63 =	vadd.f32 v61, v24;
	v21 =	vadd.f32 v62, v21  }
.Ltmp4:
0x212: {  	s13 =	sadd.s32 $0x10, s13;
	v19 =	vsel vm0, v19, v20;
	(pc) =	sbr.rel @p0 .LBB2_1-.Ltmp4, $4  }
0x213: {  	v20 =	vor.u32 s13, v16;
	s13 =	sadd.s32 $0x10, s13;
	vm1 =	vlt.f32 v63, v19;
	v17 =	vadd.f32 v17, v21  }
0x214: {  	v18 =	vsel vm0, v20, v18;
	v20 =	vor.u32 s13, v16;
	s13 =	sadd.s32 $0x10, s13;
	v19 =	vsel vm1, v63, v19  }
0x215: {  	v18 =	vsel vm1, v20, v18;
	v20 =	vor.u32 s13, v16;
	vm15 =	vlt.f32 v17, v19  }
0x216: {  	p1 =	por $0x0, $0x0;
	s13 =	simm.s32 $0x1;
	v19 =	vsel vm15, v17, v19;
	v18 =	vsel vm15, v20, v18  }
0x217: {  	s3 =	sshll.u32 s2, $0x4;
	[tilespmem:$0x10900] =	vst v19;
	s5 =	simm.s32 $0x0  }
0x218: {  	[tilespmem:$0x10980] =	vst v18;
	s6 =	simm.s32 $0x10900;
	s30 =	simm.s32 $0x3;
	s1 =	sadd.s32 s1, s3  }
0x219: {  	[hbm4b:s1+s5] =	stream.linear.scatter [tilespmem:s6], [sflag:$0x3], $0x80, $0x38;
	[tilespmem:$0x10A00] =	vst v63  }
0x21a: {  	_ =	swait.ge [sflag:s30], $0x80  }
0x21b: {  	[sflag:s30] =	ssyncset.done $0x0  }
0x21c: {  	s31 =	simm.s32 $0x10980;
	s3 =	sadd.s32 s4, s3;
	[sflag:s30] =	ssyncadd.s32 $0xFFFFFF80  }
0x21d: {  	[hbm4b:s3+s5] =	stream.linear.scatter [tilespmem:s31], [sflag:$0x3], $0x80, $0x38;
	[tilespmem:$0x10A00] =	vst v63  }
0x21e: {  	_ =	swait.ge [sflag:s30], $0x80  }
0x21f: {  	[sflag:s30] =	ssyncset.done $0x0  }
0x220: {  	[sflag:s30] =	ssyncadd.s32 $0xFFFFFF80  }
0x221: {  	_ =	sfence.sel $0x180000  }
0x222: {  	[bflag:$0x0] =	sbarrier.arrive $0xFFFF  }
0x223: {  	p0 =	sne.s32 s2, $0x0;
	_ =	strace $0x90000047  }
0x224: {  	s0 =	sadd.s32 @!p0 $0x100000, s0;
	[bflag:$0x2] =	sbarrier.arrive $0xFFFF  }
0x225: {  	[sflag:s0] =	ssyncadd.tile.s32 @!p0 $0x1;
	_ =	shalt  }
.Lfunc_end2:
_tile_overlayer_lowered:
.L_overlay_start_2:
0x226: {  	(tag) =	ssettag $0x2  }
0x227: {  	s0 =	rddreg [dreg:$0x0];
	s2 =	stileid.u32  }
0x228: {  	s1 =	rddreg [dreg:$0x1];
	p0 =	sne.s32 s2, $0x0  }
0x229: {  	s3 =	rddreg [dreg:$0x2];
	[bflag:$0x3] =	sbarrier.arrive $0xFFFF;
	s2 =	simm.s32 @!p0 $0x1C03  }
0x22a: {  	[timem:s3], [sflag:s2] =	dma.local @!p0 [hbm:s0], s1  }
0x22b: {  	s0 =	simm.s32 @!p0 $0x3  }
0x22c: {  	_ =	swait.ge @!p0 [sflag:s0], s1  }
0x22d: {  	s1 =	ssub.s32 @!p0 $0x0, s1;
	[sflag:s0] =	ssyncset.done @!p0 $0x0  }
0x22e: {  	[sflag:s0] =	ssyncadd.s32 @!p0 s1  }
0x22f: {  	[bflag:$0x3] =	sbarrier.arrive $0xFFFF  }
0x230: {  	_ =	shalt  }

</sc_bundles>
